<compile_context>
chip_gen: v7x
topology: tpu7x:2x2x1
jax: 0.10.2.dev20260603
libtpu: 0.0.44.dev20260713+nightly
codegen_flags: <defaults>
</compile_context>

<pallas_src>
import functools

import jax
import jax.numpy as jnp
from jax import lax
from jax.experimental import pallas as pl
from jax.experimental.pallas import tpu as pltpu
from jax.experimental.pallas import tpu_sc as plsc

N_NODES = 10000
N_EDGES = 320000
D_FEAT = 128
N_GRAPHS = 128
D_HID = 32

NC = 2
NS = 16
NW = NC * NS

K = 256
NCHUNK = 40
EPT = NCHUNK * K
E_PAD = NW * EPT

NP_ACC = 10112
ROWS_PER_TILE = NP_ACC // NS
PAD_DST = N_NODES

_mesh = plsc.VectorSubcoreMesh(core_axis_name="c", subcore_axis_name="s")



@functools.partial(
    pl.kernel,
    out_type=jax.ShapeDtypeStruct((NW, EPT), jnp.float32),
    mesh=_mesh,
    scratch_types=[
        pltpu.VMEM((NCHUNK, K), jnp.int32),
        pltpu.VMEM((EPT,), jnp.float32),
    ],
    compiler_params=pltpu.CompilerParams(needs_layout_passes=False),
)
def _deg_kernel(d_hbm, out_hbm, dst_v, hist_v):
    c = lax.axis_index("c")
    s = lax.axis_index("s")
    wid = s * NC + c
    pltpu.sync_copy(d_hbm.at[wid], dst_v)

    def zero_body(r, _):
        hist_v[pl.ds(r * 16, 16)] = jnp.zeros((16,), jnp.float32)
        return 0

    lax.fori_loop(0, EPT // 16, zero_body, 0)

    ones = jnp.ones((16,), jnp.float32)

    def body(t, _):
        j = t // (K // 16)
        m = (t % (K // 16)) * 16
        idx = dst_v[j, pl.ds(m, 16)]
        plsc.addupdate_scatter(hist_v, [idx], ones)
        return 0

    lax.fori_loop(0, EPT // 16, body, 0)
    pltpu.sync_copy(hist_v, out_hbm.at[wid])


NBUF = 8



@functools.partial(
    pl.kernel,
    out_type=jax.ShapeDtypeStruct((NC, NP_ACC, D_HID), jnp.float32),
    mesh=_mesh,
    scratch_types=(
        [pltpu.VMEM((NCHUNK, K), jnp.int32),
         pltpu.VMEM((NCHUNK, K), jnp.int32)]
        + [pltpu.VMEM((K, D_HID), jnp.float32)] * NBUF
        + [pltpu.VMEM_SHARED((NP_ACC, D_HID), jnp.float32),
           pltpu.VMEM_SHARED((N_NODES, D_HID), jnp.float32)]
        + [pltpu.SemaphoreType.DMA] * (2 * NBUF)
    ),
    compiler_params=pltpu.CompilerParams(needs_layout_passes=False,
                                         use_tc_tiling_on_sc=False),
)
def _mp_kernel(h_hbm, s_hbm, d_hbm, z_hbm, out_hbm,
               src_v, dst_v, b0, b1, b2, b3, b4, b5, b6, b7, acc_sh, h_sh,
               g0, g1, g2, g3, g4, g5, g6, g7,
               s0, s1, s2, s3, s4, s5, s6, s7):
    bufs = (b0, b1, b2, b3, b4, b5, b6, b7)
    gs = (g0, g1, g2, g3, g4, g5, g6, g7)
    ss = (s0, s1, s2, s3, s4, s5, s6, s7)
    c = lax.axis_index("c")
    s = lax.axis_index("s")
    wid = s * NC + c
    row0 = s * ROWS_PER_TILE
    pltpu.sync_copy(z_hbm.at[pl.ds(row0, ROWS_PER_TILE)],
                    acc_sh.at[pl.ds(row0, ROWS_PER_TILE)])
    @pl.when(s < NS - 1)
    def _():
        pltpu.sync_copy(h_hbm.at[pl.ds(row0, ROWS_PER_TILE)],
                        h_sh.at[pl.ds(row0, ROWS_PER_TILE)])

    @pl.when(s == NS - 1)
    def _():
        tail0 = (NS - 1) * ROWS_PER_TILE
        pltpu.sync_copy(h_hbm.at[pl.ds(tail0, N_NODES - tail0)],
                        h_sh.at[pl.ds(tail0, N_NODES - tail0)])
    pltpu.sync_copy(s_hbm.at[wid], src_v)
    pltpu.sync_copy(d_hbm.at[wid], dst_v)
    plsc.subcore_barrier()

    for b in range(NBUF):
        pltpu.async_copy(h_sh.at[src_v.at[b]], bufs[b], gs[b])

    def body(t, _):
        for b in range(NBUF):
            j = t * NBUF + b
            pltpu.make_async_copy(h_sh.at[src_v.at[0]], bufs[b],
                                  gs[b]).wait()
            pltpu.async_copy(bufs[b], acc_sh.at[dst_v.at[j]], ss[b],
                             add=True)
        for b in range(NBUF):
            j = t * NBUF + b
            pltpu.make_async_copy(bufs[b], acc_sh.at[dst_v.at[0]],
                                  ss[b]).wait()

            @pl.when(j + NBUF < NCHUNK)
            def _():
                pltpu.async_copy(h_sh.at[src_v.at[j + NBUF]], bufs[b],
                                 gs[b])
        return 0

    lax.fori_loop(0, NCHUNK // NBUF, body, 0)
    plsc.subcore_barrier()
    pltpu.sync_copy(acc_sh.at[pl.ds(row0, ROWS_PER_TILE)],
                    out_hbm.at[c, pl.ds(row0, ROWS_PER_TILE)])



def _lin1_body(degp_ref, x_ref, w_ref, out_ref, dinv_ref):
    deg = jnp.sum(degp_ref[...], axis=0, keepdims=True)
    dinv = jnp.where(deg > 0.0, lax.rsqrt(deg), 0.0)
    dinv_col = dinv.reshape(EPT, 1)[:N_NODES]
    dinv_ref[...] = dinv_col
    out_ref[...] = jnp.dot(x_ref[...], w_ref[...],
                           preferred_element_type=jnp.float32) * dinv_col


def _tc_lin1(degp, x, w):
    return pl.pallas_call(
        _lin1_body,
        out_shape=(jax.ShapeDtypeStruct((N_NODES, D_HID), jnp.float32),
                   jax.ShapeDtypeStruct((N_NODES, 1), jnp.float32)),
    )(degp, x, w)


def _elu(a):
    return jnp.where(a > 0.0, a, jnp.exp(jnp.minimum(a, 0.0)) - 1.0)


def _mid_body(aggp_ref, dinv_ref, b_ref, w_ref, out_ref):
    a = aggp_ref[0, :N_NODES, :] + aggp_ref[1, :N_NODES, :]
    h = _elu(a * dinv_ref[...] + b_ref[...])
    out_ref[...] = jnp.dot(h, w_ref[...],
                           preferred_element_type=jnp.float32) * dinv_ref[...]


def _tc_mid(aggp, dinv_col, b, w):
    return pl.pallas_call(
        _mid_body,
        out_shape=jax.ShapeDtypeStruct((N_NODES, D_HID), jnp.float32),
    )(aggp, dinv_col, b, w)


def _head_body(aggp_ref, dinv_ref, b3_ref, i_ref,
               wd1_ref, bd1_ref, wd2_ref, bd2_ref, wd3_ref, bd3_ref, out_ref):
    a = aggp_ref[0, :N_NODES, :] + aggp_ref[1, :N_NODES, :]
    h = _elu(a * dinv_ref[...] + b3_ref[...])
    gid = lax.broadcasted_iota(jnp.int32, (N_GRAPHS, N_NODES), 0)
    onehot = (i_ref[...] == gid).astype(jnp.float32)
    pooled = jnp.dot(onehot, h, preferred_element_type=jnp.float32)
    p = jnp.maximum(jnp.dot(pooled, wd1_ref[...],
                            preferred_element_type=jnp.float32)
                    + bd1_ref[...], 0.0)
    p = jnp.maximum(jnp.dot(p, wd2_ref[...],
                            preferred_element_type=jnp.float32)
                    + bd2_ref[...], 0.0)
    p = jnp.dot(p, wd3_ref[...], preferred_element_type=jnp.float32) \
        + bd3_ref[...]
    out_ref[...] = 1.0 / (1.0 + jnp.exp(-p))


def _tc_head(aggp, dinv_col, b3, i2d, wd1, bd1, wd2, bd2, wd3, bd3):
    return pl.pallas_call(
        _head_body,
        out_shape=jax.ShapeDtypeStruct((N_GRAPHS, 1), jnp.float32),
    )(aggp, dinv_col, b3, i2d, wd1, bd1, wd2, bd2, wd3, bd3)



def kernel(x, edge_index, i, W1, b1, W2, b2, W3, b3,
           Wd1, bd1, Wd2, bd2, Wd3, bd3):
    src = edge_index[0].astype(jnp.int32)
    dst = edge_index[1].astype(jnp.int32)
    pad = E_PAD - N_EDGES
    srcp = jnp.concatenate(
        [src, jnp.zeros((pad,), jnp.int32)]).reshape(NW, NCHUNK, K)
    dstp = jnp.concatenate(
        [dst, jnp.full((pad,), PAD_DST, jnp.int32)]).reshape(NW, NCHUNK, K)

    degp = _deg_kernel(dstp)
    z = jnp.zeros((NP_ACC, D_HID), jnp.float32)

    h, dinv_col = _tc_lin1(degp, x, W1)
    aggp = _mp_kernel(h, srcp, dstp, z)
    h = _tc_mid(aggp, dinv_col, b1.reshape(1, D_HID), W2)
    aggp = _mp_kernel(h, srcp, dstp, z)
    h = _tc_mid(aggp, dinv_col, b2.reshape(1, D_HID), W3)
    aggp = _mp_kernel(h, srcp, dstp, z)

    i2d = i.astype(jnp.int32).reshape(1, N_NODES)
    out = _tc_head(aggp, dinv_col, b3.reshape(1, D_HID), i2d,
                   Wd1, bd1.reshape(1, 64), Wd2, bd2.reshape(1, D_HID),
                   Wd3, bd3.reshape(1, 1))
    return out

# --- scband reference (transcript-rebuilt; emitter-appended) ---
"""Pipeline reference for scband-net-70153995813538 (READ-ONLY COPY).

The authoritative reference and input builder live on the scoring server;
editing this copy changes nothing except your own understanding.
"""

import jax, jax.numpy as jnp
import numpy as np

N_NODES = 10000
N_EDGES = 320000
D_FEAT = 128
N_GRAPHS = 128


def setup_inputs(seed: int = 0) -> dict:
    key = jax.random.key(seed)
    ks = jax.random.split(key, 16)
    x = jax.random.normal(ks[0], (N_NODES, D_FEAT), dtype=jnp.float32)
    edge_index = jax.random.randint(ks[1], (2, N_EDGES), 0, N_NODES, dtype=jnp.int64)
    i = jnp.sort(jax.random.randint(ks[2], (N_NODES,), 0, N_GRAPHS, dtype=jnp.int64))
    # GCNConv params (3 layers, out=32 each)
    W1 = jax.random.normal(ks[3], (D_FEAT, 32), dtype=jnp.float32) * (1.0 / np.sqrt(D_FEAT))
    b1 = jnp.zeros((32,), dtype=jnp.float32)
    W2 = jax.random.normal(ks[4], (32, 32), dtype=jnp.float32) * (1.0 / np.sqrt(32))
    b2 = jnp.zeros((32,), dtype=jnp.float32)
    W3 = jax.random.normal(ks[5], (32, 32), dtype=jnp.float32) * (1.0 / np.sqrt(32))
    b3 = jnp.zeros((32,), dtype=jnp.float32)
    # Dense head params
    Wd1 = jax.random.normal(ks[6], (32, 64), dtype=jnp.float32) * (1.0 / np.sqrt(32))
    bd1 = jnp.zeros((64,), dtype=jnp.float32)
    Wd2 = jax.random.normal(ks[7], (64, 32), dtype=jnp.float32) * (1.0 / np.sqrt(64))
    bd2 = jnp.zeros((32,), dtype=jnp.float32)
    Wd3 = jax.random.normal(ks[8], (32, 1), dtype=jnp.float32) * (1.0 / np.sqrt(32))
    bd3 = jnp.zeros((1,), dtype=jnp.float32)
    return {"x": x, "edge_index": edge_index, "i": i,
            "W1": W1, "b1": b1, "W2": W2, "b2": b2, "W3": W3, "b3": b3,
            "Wd1": Wd1, "bd1": bd1, "Wd2": Wd2, "bd2": bd2, "Wd3": Wd3, "bd3": bd3}


def _gcn_conv(h, src, dst, norm, W, b):
    # Spektral GCNConv: A_hat @ (X W) + b, elu activation
    h = h @ W
    msg = h[src] * norm[:, None]
    agg = jax.ops.segment_sum(msg, dst, num_segments=N_NODES)
    return jax.nn.elu(agg + b)


def reference(x, edge_index, i, W1, b1, W2, b2, W3, b3, Wd1, bd1, Wd2, bd2, Wd3, bd3):
    src = edge_index[0]
    dst = edge_index[1]
    # symmetric GCN normalization weights per edge
    ones = jnp.ones((src.shape[0],), dtype=jnp.float32)
    deg = jax.ops.segment_sum(ones, dst, num_segments=N_NODES)
    dinv = jnp.where(deg > 0, 1.0 / jnp.sqrt(deg), 0.0)
    norm = dinv[src] * dinv[dst]
    h = _gcn_conv(x, src, dst, norm, W1, b1)
    h = _gcn_conv(h, src, dst, norm, W2, b2)
    h = _gcn_conv(h, src, dst, norm, W3, b3)
    # GlobalSumPool over graph indices i
    pooled = jax.ops.segment_sum(h, i, num_segments=N_GRAPHS)
    out = jax.nn.relu(pooled @ Wd1 + bd1)
    # dropout is identity in eval mode
    out = jax.nn.relu(out @ Wd2 + bd2)
    out = jax.nn.sigmoid(out @ Wd3 + bd3)
    return out

if __name__ == "__main__":
    import jax
    _d = setup_inputs()
    print(jax.jit(kernel)(*tuple(_d.values())))

</pallas_src>

<mosaic_0001>
#map = affine_map<(d0, d1) -> (0, 0, 0)>
#map1 = affine_map<(d0, d1) -> (0, 0)>
module attributes {stable_mosaic.version = 14 : i64} {
  func.func @_deg_kernel(%arg0: i32, %arg1: i32, %arg2: memref<32x40x256xi32, #tpu.memory_space<hbm>>, %arg3: memref<32x10240xf32, #tpu.memory_space<hbm>>, %arg4: memref<40x256xi32, #tpu.memory_space<vmem>>, %arg5: memref<10240xf32, #tpu.memory_space<vmem>>) attributes {dimension_semantics = [#tpu.dimension_semantics<core_parallel>, #tpu.dimension_semantics<subcore_parallel>], iteration_bounds = array<i64: 2, 16>, scalar_prefetch = 0 : i64, scratch_operands = 2 : i64, tpu.core_type = #tpu.core_type<sc_vector_subcore>, window_params = [{transform_indices = #map}, {transform_indices = #map1}]} {
    %mul3A = arith.constant 2 : i32
    %mul3A_0 = arith.muli %arg1, %mul3A : i32
    %add3A = arith.addi %mul3A_0, %arg0 : i32
    "tpu.region"() ({
      %run_scoped3A = tpu.sem_alloc : memref<!tpu.dma_semaphore, #tpu.memory_space<semaphore_mem>>
      %dma_start3A = arith.constant 0 : i32
      %dma_start3A_15 = arith.constant 0 : i32
      %dma_start3A_16 = tpu.memref_slice %arg2[%add3A, %dma_start3A, %dma_start3A_15] : memref<32x40x256xi32, #tpu.memory_space<hbm>> -> memref<1x40x256xi32, #tpu.memory_space<hbm>>
      %dma_start3A_17 = tpu.memref_squeeze %dma_start3A_16 : memref<1x40x256xi32, #tpu.memory_space<hbm>> -> memref<40x256xi32, #tpu.memory_space<hbm>>
      %dma_start3A_18 = arith.constant 0 : i32
      %dma_start3A_19 = arith.constant 0 : i32
      %dma_start3A_20 = tpu.memref_slice %arg2[%add3A, %dma_start3A_18, %dma_start3A_19] : memref<32x40x256xi32, #tpu.memory_space<hbm>> -> memref<1x40x256xi32, #tpu.memory_space<hbm>>
      %dma_start3A_21 = tpu.memref_squeeze %dma_start3A_20 : memref<1x40x256xi32, #tpu.memory_space<hbm>> -> memref<40x256xi32, #tpu.memory_space<hbm>>
      tpu.enqueue_dma source(%dma_start3A_21 : memref<40x256xi32, #tpu.memory_space<hbm>>) target(%arg4 : memref<40x256xi32, #tpu.memory_space<vmem>>) target_semaphore(%run_scoped3A : memref<!tpu.dma_semaphore, #tpu.memory_space<semaphore_mem>>)
      %dma_wait3A = arith.constant 0 : i32
      %dma_wait3A_22 = arith.constant 0 : i32
      %dma_wait3A_23 = tpu.memref_slice %arg2[%add3A, %dma_wait3A, %dma_wait3A_22] : memref<32x40x256xi32, #tpu.memory_space<hbm>> -> memref<1x40x256xi32, #tpu.memory_space<hbm>>
      %dma_wait3A_24 = tpu.memref_squeeze %dma_wait3A_23 : memref<1x40x256xi32, #tpu.memory_space<hbm>> -> memref<40x256xi32, #tpu.memory_space<hbm>>
      %dma_wait3A_25 = arith.constant 0 : i32
      %dma_wait3A_26 = arith.constant 0 : i32
      %dma_wait3A_27 = tpu.memref_slice %arg2[%add3A, %dma_wait3A_25, %dma_wait3A_26] : memref<32x40x256xi32, #tpu.memory_space<hbm>> -> memref<1x40x256xi32, #tpu.memory_space<hbm>>
      %dma_wait3A_28 = tpu.memref_squeeze %dma_wait3A_27 : memref<1x40x256xi32, #tpu.memory_space<hbm>> -> memref<40x256xi32, #tpu.memory_space<hbm>>
      tpu.wait_dma2 semaphore(%run_scoped3A : memref<!tpu.dma_semaphore, #tpu.memory_space<semaphore_mem>>) src(%dma_wait3A_28 : memref<40x256xi32, #tpu.memory_space<hbm>>) dst(%arg4 : memref<40x256xi32, #tpu.memory_space<vmem>>)
      tpu.yield
    }) : () -> ()
    %scan3A = arith.constant 0 : i32
    %scan3A_1 = arith.constant 0 : i32
    %scan3A_2 = arith.constant 640 : i32
    %scan3A_3 = arith.addi %scan3A_1, %scan3A_2 : i32
    %scan3A_4 = arith.constant 1 : i32
    %scan3A_5 = scf.for %scan3A_15 = %scan3A_1 to %scan3A_3 step %scan3A_4 iter_args(%scan3A_16 = %scan3A) -> (i32)  : i32 {
      %broadcast_in_dim3A_17 = arith.constant 0.000000e+00 : f32
      %broadcast_in_dim3A_18 = vector.broadcast %broadcast_in_dim3A_17 : f32 to vector<16xf32>
      %mul3A_19 = arith.constant 16 : i32
      %mul3A_20 = arith.muli %scan3A_15, %mul3A_19 : i32
      %swap3A = arith.index_cast %mul3A_20 : i32 to index
      %swap3A_21 = tpu.vector_load %arg5[%swap3A] {strides = array<i32>} : memref<10240xf32, #tpu.memory_space<vmem>>, vector<16xf32>,
      tpu.vector_store %arg5[%swap3A], %broadcast_in_dim3A_18 {strides = array<i32>} : memref<10240xf32, #tpu.memory_space<vmem>>, vector<16xf32>,
      %scan3A_22 = arith.constant 0 : i32
      scf.yield %scan3A_22 : i32
    }
    %scan3A_6 = arith.constant 640 : i32
    %broadcast_in_dim3A = arith.constant 1.000000e+00 : f32
    %broadcast_in_dim3A_7 = vector.broadcast %broadcast_in_dim3A : f32 to vector<16xf32>
    %scan3A_8 = arith.constant 0 : i32
    %scan3A_9 = arith.constant 0 : i32
    %scan3A_10 = arith.constant 640 : i32
    %scan3A_11 = arith.addi %scan3A_9, %scan3A_10 : i32
    %scan3A_12 = arith.constant 1 : i32
    %scan3A_13 = scf.for %scan3A_15 = %scan3A_9 to %scan3A_11 step %scan3A_12 iter_args(%scan3A_16 = %scan3A_8) -> (i32)  : i32 {
      %jit3A = arith.constant 16 : i32
      %div3A = arith.divsi %scan3A_15, %jit3A : i32
      %sign3A = arith.constant 0 : i32
      %sign3A_17 = arith.cmpi sgt, %scan3A_15, %sign3A : i32
      %sign3A_18 = arith.extui %sign3A_17 : i1 to i32
      %sign3A_19 = arith.constant 0 : i32
      %sign3A_20 = arith.cmpi slt, %scan3A_15, %sign3A_19 : i32
      %sign3A_21 = arith.extui %sign3A_20 : i1 to i32
      %sign3A_22 = arith.subi %sign3A_18, %sign3A_21 : i32
      %sign3A_23 = arith.constant 0 : i32
      %sign3A_24 = arith.cmpi sgt, %jit3A, %sign3A_23 : i32
      %sign3A_25 = arith.extui %sign3A_24 : i1 to i32
      %sign3A_26 = arith.constant 0 : i32
      %sign3A_27 = arith.cmpi slt, %jit3A, %sign3A_26 : i32
      %sign3A_28 = arith.extui %sign3A_27 : i1 to i32
      %sign3A_29 = arith.subi %sign3A_25, %sign3A_28 : i32
      %ne3A = arith.cmpi ne, %sign3A_22, %sign3A_29 : i32
      %rem3A = arith.remsi %scan3A_15, %jit3A : i32
      %ne3A_30 = arith.constant 0 : i32
      %ne3A_31 = arith.cmpi ne, %rem3A, %ne3A_30 : i32
      %and3A = arith.andi %ne3A, %ne3A_31 : i1
      %sub3A = arith.constant 1 : i32
      %sub3A_32 = arith.subi %div3A, %sub3A : i32
      %select_n3A = arith.select %and3A, %sub3A_32, %div3A : i32
      %jit3A_33 = arith.constant 16 : i32
      %eq3A = arith.constant 0 : i32
      %eq3A_34 = arith.cmpi eq, %jit3A_33, %eq3A : i32
      %jit3A_35 = arith.constant 1 : i32
      %select_n3A_36 = arith.select %eq3A_34, %jit3A_35, %jit3A_33 : i32
      %rem3A_37 = arith.remsi %scan3A_15, %select_n3A_36 : i32
      %ne3A_38 = arith.constant 0 : i32
      %ne3A_39 = arith.cmpi ne, %rem3A_37, %ne3A_38 : i32
      %lt3A = arith.constant 0 : i32
      %lt3A_40 = arith.cmpi slt, %rem3A_37, %lt3A : i32
      %lt3A_41 = arith.constant 0 : i32
      %lt3A_42 = arith.cmpi slt, %select_n3A_36, %lt3A_41 : i32
      %ne3A_43 = arith.xori %lt3A_40, %lt3A_42 : i1
      %and3A_44 = arith.andi %ne3A_43, %ne3A_39 : i1
      %add3A_45 = arith.addi %rem3A_37, %select_n3A_36 : i32
      %select_n3A_46 = arith.select %and3A_44, %add3A_45, %rem3A_37 : i32
      %mul3A_47 = arith.constant 16 : i32
      %mul3A_48 = arith.muli %select_n3A_46, %mul3A_47 : i32
      %get3A = arith.index_cast %select_n3A : i32 to index
      %get3A_49 = arith.index_cast %mul3A_48 : i32 to index
      %get3A_50 = tpu.vector_load %arg4[%get3A, %get3A_49] {strides = array<i32>} : memref<40x256xi32, #tpu.memory_space<vmem>>, vector<16xi32>,
      tpu.vector_store_idx %arg5[%get3A_50], %broadcast_in_dim3A_7 {add = true} : memref<10240xf32, #tpu.memory_space<vmem>>[vector<16xi32>], vector<16xf32>,
      %scan3A_51 = arith.constant 0 : i32
      scf.yield %scan3A_51 : i32
    }
    %scan3A_14 = arith.constant 640 : i32
    "tpu.region"() ({
      %run_scoped3A = tpu.sem_alloc : memref<!tpu.dma_semaphore, #tpu.memory_space<semaphore_mem>>
      %dma_start3A = arith.constant 0 : i32
      %dma_start3A_15 = tpu.memref_slice %arg3[%add3A, %dma_start3A] : memref<32x10240xf32, #tpu.memory_space<hbm>> -> memref<1x10240xf32, #tpu.memory_space<hbm>>
      %dma_start3A_16 = tpu.memref_squeeze %dma_start3A_15 : memref<1x10240xf32, #tpu.memory_space<hbm>> -> memref<10240xf32, #tpu.memory_space<hbm>>
      %dma_start3A_17 = arith.constant 0 : i32
      %dma_start3A_18 = tpu.memref_slice %arg3[%add3A, %dma_start3A_17] : memref<32x10240xf32, #tpu.memory_space<hbm>> -> memref<1x10240xf32, #tpu.memory_space<hbm>>
      %dma_start3A_19 = tpu.memref_squeeze %dma_start3A_18 : memref<1x10240xf32, #tpu.memory_space<hbm>> -> memref<10240xf32, #tpu.memory_space<hbm>>
      tpu.enqueue_dma source(%arg5 : memref<10240xf32, #tpu.memory_space<vmem>>) target(%dma_start3A_19 : memref<10240xf32, #tpu.memory_space<hbm>>) target_semaphore(%run_scoped3A : memref<!tpu.dma_semaphore, #tpu.memory_space<semaphore_mem>>)
      %dma_wait3A = arith.constant 0 : i32
      %dma_wait3A_20 = tpu.memref_slice %arg3[%add3A, %dma_wait3A] : memref<32x10240xf32, #tpu.memory_space<hbm>> -> memref<1x10240xf32, #tpu.memory_space<hbm>>
      %dma_wait3A_21 = tpu.memref_squeeze %dma_wait3A_20 : memref<1x10240xf32, #tpu.memory_space<hbm>> -> memref<10240xf32, #tpu.memory_space<hbm>>
      %dma_wait3A_22 = arith.constant 0 : i32
      %dma_wait3A_23 = tpu.memref_slice %arg3[%add3A, %dma_wait3A_22] : memref<32x10240xf32, #tpu.memory_space<hbm>> -> memref<1x10240xf32, #tpu.memory_space<hbm>>
      %dma_wait3A_24 = tpu.memref_squeeze %dma_wait3A_23 : memref<1x10240xf32, #tpu.memory_space<hbm>> -> memref<10240xf32, #tpu.memory_space<hbm>>
      tpu.wait_dma2 semaphore(%run_scoped3A : memref<!tpu.dma_semaphore, #tpu.memory_space<semaphore_mem>>) src(%arg5 : memref<10240xf32, #tpu.memory_space<vmem>>) dst(%dma_wait3A_24 : memref<10240xf32, #tpu.memory_space<hbm>>)
      tpu.yield
    }) : () -> ()
    return
  }
}

#map = affine_map<(d0, d1) -> (0, 0)>
#map1 = affine_map<(d0, d1) -> (0, 0, 0)>
module attributes {stable_mosaic.version = 14 : i64} {
  func.func @_mp_kernel(%arg0: i32, %arg1: i32, %arg2: memref<10000x32xf32, #tpu.memory_space<hbm>>, %arg3: memref<32x40x256xi32, #tpu.memory_space<hbm>>, %arg4: memref<32x40x256xi32, #tpu.memory_space<hbm>>, %arg5: memref<10112x32xf32, #tpu.memory_space<hbm>>, %arg6: memref<2x10112x32xf32, #tpu.memory_space<hbm>>, %arg7: memref<40x256xi32, #tpu.memory_space<vmem>>, %arg8: memref<40x256xi32, #tpu.memory_space<vmem>>, %arg9: memref<256x32xf32, #tpu.memory_space<vmem>>, %arg10: memref<256x32xf32, #tpu.memory_space<vmem>>, %arg11: memref<256x32xf32, #tpu.memory_space<vmem>>, %arg12: memref<256x32xf32, #tpu.memory_space<vmem>>, %arg13: memref<256x32xf32, #tpu.memory_space<vmem>>, %arg14: memref<256x32xf32, #tpu.memory_space<vmem>>, %arg15: memref<256x32xf32, #tpu.memory_space<vmem>>, %arg16: memref<256x32xf32, #tpu.memory_space<vmem>>, %arg17: memref<10112x32xf32, #tpu.memory_space<vmem_shared>>, %arg18: memref<10000x32xf32, #tpu.memory_space<vmem_shared>>, %arg19: memref<!tpu.dma_semaphore, #tpu.memory_space<semaphore_mem>>, %arg20: memref<!tpu.dma_semaphore, #tpu.memory_space<semaphore_mem>>, %arg21: memref<!tpu.dma_semaphore, #tpu.memory_space<semaphore_mem>>, %arg22: memref<!tpu.dma_semaphore, #tpu.memory_space<semaphore_mem>>, %arg23: memref<!tpu.dma_semaphore, #tpu.memory_space<semaphore_mem>>, %arg24: memref<!tpu.dma_semaphore, #tpu.memory_space<semaphore_mem>>, %arg25: memref<!tpu.dma_semaphore, #tpu.memory_space<semaphore_mem>>, %arg26: memref<!tpu.dma_semaphore, #tpu.memory_space<semaphore_mem>>, %arg27: memref<!tpu.dma_semaphore, #tpu.memory_space<semaphore_mem>>, %arg28: memref<!tpu.dma_semaphore, #tpu.memory_space<semaphore_mem>>, %arg29: memref<!tpu.dma_semaphore, #tpu.memory_space<semaphore_mem>>, %arg30: memref<!tpu.dma_semaphore, #tpu.memory_space<semaphore_mem>>, %arg31: memref<!tpu.dma_semaphore, #tpu.memory_space<semaphore_mem>>, %arg32: memref<!tpu.dma_semaphore, #tpu.memory_space<semaphore_mem>>, %arg33: memref<!tpu.dma_semaphore, #tpu.memory_space<semaphore_mem>>, %arg34: memref<!tpu.dma_semaphore, #tpu.memory_space<semaphore_mem>>) attributes {dimension_semantics = [#tpu.dimension_semantics<core_parallel>, #tpu.dimension_semantics<subcore_parallel>], iteration_bounds = array<i64: 2, 16>, scalar_prefetch = 0 : i64, scratch_operands = 28 : i64, tpu.core_type = #tpu.core_type<sc_vector_subcore>, window_params = [{transform_indices = #map}, {transform_indices = #map1}, {transform_indices = #map1}, {transform_indices = #map}, {transform_indices = #map1}]} {
    %mul3A = arith.constant 2 : i32
    %mul3A_0 = arith.muli %arg1, %mul3A : i32
    %add3A = arith.addi %mul3A_0, %arg0 : i32
    %mul3A_1 = arith.constant 632 : i32
    %mul3A_2 = arith.muli %arg1, %mul3A_1 : i32
    "tpu.region"() ({
      %run_scoped3A = tpu.sem_alloc : memref<!tpu.dma_semaphore, #tpu.memory_space<semaphore_mem>>
      %dma_start3A_71 = arith.constant 0 : i32
      %dma_start3A_72 = tpu.memref_slice %arg17[%mul3A_2, %dma_start3A_71] : memref<10112x32xf32, #tpu.memory_space<vmem_shared>> -> memref<632x32xf32, #tpu.memory_space<vmem_shared>>
      %dma_start3A_73 = arith.constant 0 : i32
      %dma_start3A_74 = tpu.memref_slice %arg5[%mul3A_2, %dma_start3A_73] : memref<10112x32xf32, #tpu.memory_space<hbm>> -> memref<632x32xf32, #tpu.memory_space<hbm>>
      tpu.enqueue_dma source(%dma_start3A_74 : memref<632x32xf32, #tpu.memory_space<hbm>>) target(%dma_start3A_72 : memref<632x32xf32, #tpu.memory_space<vmem_shared>>) target_semaphore(%run_scoped3A : memref<!tpu.dma_semaphore, #tpu.memory_space<semaphore_mem>>)
      %dma_wait3A = arith.constant 0 : i32
      %dma_wait3A_75 = tpu.memref_slice %arg17[%mul3A_2, %dma_wait3A] : memref<10112x32xf32, #tpu.memory_space<vmem_shared>> -> memref<632x32xf32, #tpu.memory_space<vmem_shared>>
      %dma_wait3A_76 = arith.constant 0 : i32
      %dma_wait3A_77 = tpu.memref_slice %arg5[%mul3A_2, %dma_wait3A_76] : memref<10112x32xf32, #tpu.memory_space<hbm>> -> memref<632x32xf32, #tpu.memory_space<hbm>>
      tpu.wait_dma2 semaphore(%run_scoped3A : memref<!tpu.dma_semaphore, #tpu.memory_space<semaphore_mem>>) src(%dma_wait3A_77 : memref<632x32xf32, #tpu.memory_space<hbm>>) dst(%dma_wait3A_75 : memref<632x32xf32, #tpu.memory_space<vmem_shared>>)
      tpu.yield
    }) : () -> ()
    %lt3A = arith.constant 15 : i32
    %lt3A_3 = arith.cmpi slt, %arg1, %lt3A : i32
    %convert_element_type3A = arith.extui %lt3A_3 : i1 to i32
    %cond3A = arith.constant 0 : i32
    %cond3A_4 = arith.cmpi ne, %convert_element_type3A, %cond3A : i32
    scf.if %cond3A_4 {
      "tpu.region"() ({
        %run_scoped3A = tpu.sem_alloc : memref<!tpu.dma_semaphore, #tpu.memory_space<semaphore_mem>>
        %dma_start3A_71 = arith.constant 0 : i32
        %dma_start3A_72 = tpu.memref_slice %arg18[%mul3A_2, %dma_start3A_71] : memref<10000x32xf32, #tpu.memory_space<vmem_shared>> -> memref<632x32xf32, #tpu.memory_space<vmem_shared>>
        %dma_start3A_73 = arith.constant 0 : i32
        %dma_start3A_74 = tpu.memref_slice %arg2[%mul3A_2, %dma_start3A_73] : memref<10000x32xf32, #tpu.memory_space<hbm>> -> memref<632x32xf32, #tpu.memory_space<hbm>>
        tpu.enqueue_dma source(%dma_start3A_74 : memref<632x32xf32, #tpu.memory_space<hbm>>) target(%dma_start3A_72 : memref<632x32xf32, #tpu.memory_space<vmem_shared>>) target_semaphore(%run_scoped3A : memref<!tpu.dma_semaphore, #tpu.memory_space<semaphore_mem>>)
        %dma_wait3A = arith.constant 0 : i32
        %dma_wait3A_75 = tpu.memref_slice %arg18[%mul3A_2, %dma_wait3A] : memref<10000x32xf32, #tpu.memory_space<vmem_shared>> -> memref<632x32xf32, #tpu.memory_space<vmem_shared>>
        %dma_wait3A_76 = arith.constant 0 : i32
        %dma_wait3A_77 = tpu.memref_slice %arg2[%mul3A_2, %dma_wait3A_76] : memref<10000x32xf32, #tpu.memory_space<hbm>> -> memref<632x32xf32, #tpu.memory_space<hbm>>
        tpu.wait_dma2 semaphore(%run_scoped3A : memref<!tpu.dma_semaphore, #tpu.memory_space<semaphore_mem>>) src(%dma_wait3A_77 : memref<632x32xf32, #tpu.memory_space<hbm>>) dst(%dma_wait3A_75 : memref<632x32xf32, #tpu.memory_space<vmem_shared>>)
        tpu.yield
      }) : () -> ()
    } else {
    }
    %eq3A = arith.constant 15 : i32
    %eq3A_5 = arith.cmpi eq, %arg1, %eq3A : i32
    %convert_element_type3A_6 = arith.extui %eq3A_5 : i1 to i32
    %cond3A_7 = arith.constant 0 : i32
    %cond3A_8 = arith.cmpi ne, %convert_element_type3A_6, %cond3A_7 : i32
    scf.if %cond3A_8 {
      "tpu.region"() ({
        %run_scoped3A = tpu.sem_alloc : memref<!tpu.dma_semaphore, #tpu.memory_space<semaphore_mem>>
        %dma_start3A_71 = arith.constant 9480 : i32
        %dma_start3A_72 = arith.constant 0 : i32
        %dma_start3A_73 = tpu.memref_slice %arg18[%dma_start3A_71, %dma_start3A_72] : memref<10000x32xf32, #tpu.memory_space<vmem_shared>> -> memref<520x32xf32, #tpu.memory_space<vmem_shared>>
        %dma_start3A_74 = arith.constant 9480 : i32
        %dma_start3A_75 = arith.constant 0 : i32
        %dma_start3A_76 = tpu.memref_slice %arg2[%dma_start3A_74, %dma_start3A_75] : memref<10000x32xf32, #tpu.memory_space<hbm>> -> memref<520x32xf32, #tpu.memory_space<hbm>>
        tpu.enqueue_dma source(%dma_start3A_76 : memref<520x32xf32, #tpu.memory_space<hbm>>) target(%dma_start3A_73 : memref<520x32xf32, #tpu.memory_space<vmem_shared>>) target_semaphore(%run_scoped3A : memref<!tpu.dma_semaphore, #tpu.memory_space<semaphore_mem>>)
        %dma_wait3A = arith.constant 9480 : i32
        %dma_wait3A_77 = arith.constant 0 : i32
        %dma_wait3A_78 = tpu.memref_slice %arg18[%dma_wait3A, %dma_wait3A_77] : memref<10000x32xf32, #tpu.memory_space<vmem_shared>> -> memref<520x32xf32, #tpu.memory_space<vmem_shared>>
        %dma_wait3A_79 = arith.constant 9480 : i32
        %dma_wait3A_80 = arith.constant 0 : i32
        %dma_wait3A_81 = tpu.memref_slice %arg2[%dma_wait3A_79, %dma_wait3A_80] : memref<10000x32xf32, #tpu.memory_space<hbm>> -> memref<520x32xf32, #tpu.memory_space<hbm>>
        tpu.wait_dma2 semaphore(%run_scoped3A : memref<!tpu.dma_semaphore, #tpu.memory_space<semaphore_mem>>) src(%dma_wait3A_81 : memref<520x32xf32, #tpu.memory_space<hbm>>) dst(%dma_wait3A_78 : memref<520x32xf32, #tpu.memory_space<vmem_shared>>)
        tpu.yield
      }) : () -> ()
    } else {
    }
    "tpu.region"() ({
      %run_scoped3A = tpu.sem_alloc : memref<!tpu.dma_semaphore, #tpu.memory_space<semaphore_mem>>
      %dma_start3A_71 = arith.constant 0 : i32
      %dma_start3A_72 = arith.constant 0 : i32
      %dma_start3A_73 = tpu.memref_slice %arg3[%add3A, %dma_start3A_71, %dma_start3A_72] : memref<32x40x256xi32, #tpu.memory_space<hbm>> -> memref<1x40x256xi32, #tpu.memory_space<hbm>>
      %dma_start3A_74 = tpu.memref_squeeze %dma_start3A_73 : memref<1x40x256xi32, #tpu.memory_space<hbm>> -> memref<40x256xi32, #tpu.memory_space<hbm>>
      %dma_start3A_75 = arith.constant 0 : i32
      %dma_start3A_76 = arith.constant 0 : i32
      %dma_start3A_77 = tpu.memref_slice %arg3[%add3A, %dma_start3A_75, %dma_start3A_76] : memref<32x40x256xi32, #tpu.memory_space<hbm>> -> memref<1x40x256xi32, #tpu.memory_space<hbm>>
      %dma_start3A_78 = tpu.memref_squeeze %dma_start3A_77 : memref<1x40x256xi32, #tpu.memory_space<hbm>> -> memref<40x256xi32, #tpu.memory_space<hbm>>
      tpu.enqueue_dma source(%dma_start3A_78 : memref<40x256xi32, #tpu.memory_space<hbm>>) target(%arg7 : memref<40x256xi32, #tpu.memory_space<vmem>>) target_semaphore(%run_scoped3A : memref<!tpu.dma_semaphore, #tpu.memory_space<semaphore_mem>>)
      %dma_wait3A = arith.constant 0 : i32
      %dma_wait3A_79 = arith.constant 0 : i32
      %dma_wait3A_80 = tpu.memref_slice %arg3[%add3A, %dma_wait3A, %dma_wait3A_79] : memref<32x40x256xi32, #tpu.memory_space<hbm>> -> memref<1x40x256xi32, #tpu.memory_space<hbm>>
      %dma_wait3A_81 = tpu.memref_squeeze %dma_wait3A_80 : memref<1x40x256xi32, #tpu.memory_space<hbm>> -> memref<40x256xi32, #tpu.memory_space<hbm>>
      %dma_wait3A_82 = arith.constant 0 : i32
      %dma_wait3A_83 = arith.constant 0 : i32
      %dma_wait3A_84 = tpu.memref_slice %arg3[%add3A, %dma_wait3A_82, %dma_wait3A_83] : memref<32x40x256xi32, #tpu.memory_space<hbm>> -> memref<1x40x256xi32, #tpu.memory_space<hbm>>
      %dma_wait3A_85 = tpu.memref_squeeze %dma_wait3A_84 : memref<1x40x256xi32, #tpu.memory_space<hbm>> -> memref<40x256xi32, #tpu.memory_space<hbm>>
      tpu.wait_dma2 semaphore(%run_scoped3A : memref<!tpu.dma_semaphore, #tpu.memory_space<semaphore_mem>>) src(%dma_wait3A_85 : memref<40x256xi32, #tpu.memory_space<hbm>>) dst(%arg7 : memref<40x256xi32, #tpu.memory_space<vmem>>)
      tpu.yield
    }) : () -> ()
    "tpu.region"() ({
      %run_scoped3A = tpu.sem_alloc : memref<!tpu.dma_semaphore, #tpu.memory_space<semaphore_mem>>
      %dma_start3A_71 = arith.constant 0 : i32
      %dma_start3A_72 = arith.constant 0 : i32
      %dma_start3A_73 = tpu.memref_slice %arg4[%add3A, %dma_start3A_71, %dma_start3A_72] : memref<32x40x256xi32, #tpu.memory_space<hbm>> -> memref<1x40x256xi32, #tpu.memory_space<hbm>>
      %dma_start3A_74 = tpu.memref_squeeze %dma_start3A_73 : memref<1x40x256xi32, #tpu.memory_space<hbm>> -> memref<40x256xi32, #tpu.memory_space<hbm>>
      %dma_start3A_75 = arith.constant 0 : i32
      %dma_start3A_76 = arith.constant 0 : i32
      %dma_start3A_77 = tpu.memref_slice %arg4[%add3A, %dma_start3A_75, %dma_start3A_76] : memref<32x40x256xi32, #tpu.memory_space<hbm>> -> memref<1x40x256xi32, #tpu.memory_space<hbm>>
      %dma_start3A_78 = tpu.memref_squeeze %dma_start3A_77 : memref<1x40x256xi32, #tpu.memory_space<hbm>> -> memref<40x256xi32, #tpu.memory_space<hbm>>
      tpu.enqueue_dma source(%dma_start3A_78 : memref<40x256xi32, #tpu.memory_space<hbm>>) target(%arg8 : memref<40x256xi32, #tpu.memory_space<vmem>>) target_semaphore(%run_scoped3A : memref<!tpu.dma_semaphore, #tpu.memory_space<semaphore_mem>>)
      %dma_wait3A = arith.constant 0 : i32
      %dma_wait3A_79 = arith.constant 0 : i32
      %dma_wait3A_80 = tpu.memref_slice %arg4[%add3A, %dma_wait3A, %dma_wait3A_79] : memref<32x40x256xi32, #tpu.memory_space<hbm>> -> memref<1x40x256xi32, #tpu.memory_space<hbm>>
      %dma_wait3A_81 = tpu.memref_squeeze %dma_wait3A_80 : memref<1x40x256xi32, #tpu.memory_space<hbm>> -> memref<40x256xi32, #tpu.memory_space<hbm>>
      %dma_wait3A_82 = arith.constant 0 : i32
      %dma_wait3A_83 = arith.constant 0 : i32
      %dma_wait3A_84 = tpu.memref_slice %arg4[%add3A, %dma_wait3A_82, %dma_wait3A_83] : memref<32x40x256xi32, #tpu.memory_space<hbm>> -> memref<1x40x256xi32, #tpu.memory_space<hbm>>
      %dma_wait3A_85 = tpu.memref_squeeze %dma_wait3A_84 : memref<1x40x256xi32, #tpu.memory_space<hbm>> -> memref<40x256xi32, #tpu.memory_space<hbm>>
      tpu.wait_dma2 semaphore(%run_scoped3A : memref<!tpu.dma_semaphore, #tpu.memory_space<semaphore_mem>>) src(%dma_wait3A_85 : memref<40x256xi32, #tpu.memory_space<hbm>>) dst(%arg8 : memref<40x256xi32, #tpu.memory_space<vmem>>)
      tpu.yield
    }) : () -> ()
    %barrier3A = arith.constant 0 : index
    tpu.barrier barrier_id(%barrier3A)
    %dma_start3A = arith.constant 0 : i32
    %dma_start3A_9 = arith.constant 0 : i32
    %dma_start3A_10 = tpu.memref_slice %arg7[%dma_start3A, %dma_start3A_9] : memref<40x256xi32, #tpu.memory_space<vmem>> -> memref<1x256xi32, #tpu.memory_space<vmem>>
    %dma_start3A_11 = tpu.memref_squeeze %dma_start3A_10 : memref<1x256xi32, #tpu.memory_space<vmem>> -> memref<256xi32, #tpu.memory_space<vmem>>
    %dma_start3A_12 = arith.constant 0 : i32
    %dma_start3A_13 = arith.constant 0 : i32
    %dma_start3A_14 = tpu.memref_slice %arg18[%dma_start3A_12, %dma_start3A_13] : memref<10000x32xf32, #tpu.memory_space<vmem_shared>> -> memref<10000x32xf32, #tpu.memory_space<vmem_shared>>
    tpu.enqueue_indirect_dma source(%dma_start3A_14 : memref<10000x32xf32, #tpu.memory_space<vmem_shared>>) target(%arg9 : memref<256x32xf32, #tpu.memory_space<vmem>>) offsets(%dma_start3A_11 : memref<256xi32, #tpu.memory_space<vmem>>) semaphore(%arg19 : memref<!tpu.dma_semaphore, #tpu.memory_space<semaphore_mem>>)
    %dma_start3A_15 = arith.constant 1 : i32
    %dma_start3A_16 = arith.constant 0 : i32
    %dma_start3A_17 = tpu.memref_slice %arg7[%dma_start3A_15, %dma_start3A_16] : memref<40x256xi32, #tpu.memory_space<vmem>> -> memref<1x256xi32, #tpu.memory_space<vmem>>
    %dma_start3A_18 = tpu.memref_squeeze %dma_start3A_17 : memref<1x256xi32, #tpu.memory_space<vmem>> -> memref<256xi32, #tpu.memory_space<vmem>>
    %dma_start3A_19 = arith.constant 0 : i32
    %dma_start3A_20 = arith.constant 0 : i32
    %dma_start3A_21 = tpu.memref_slice %arg18[%dma_start3A_19, %dma_start3A_20] : memref<10000x32xf32, #tpu.memory_space<vmem_shared>> -> memref<10000x32xf32, #tpu.memory_space<vmem_shared>>
    tpu.enqueue_indirect_dma source(%dma_start3A_21 : memref<10000x32xf32, #tpu.memory_space<vmem_shared>>) target(%arg10 : memref<256x32xf32, #tpu.memory_space<vmem>>) offsets(%dma_start3A_18 : memref<256xi32, #tpu.memory_space<vmem>>) semaphore(%arg20 : memref<!tpu.dma_semaphore, #tpu.memory_space<semaphore_mem>>)
    %dma_start3A_22 = arith.constant 2 : i32
    %dma_start3A_23 = arith.constant 0 : i32
    %dma_start3A_24 = tpu.memref_slice %arg7[%dma_start3A_22, %dma_start3A_23] : memref<40x256xi32, #tpu.memory_space<vmem>> -> memref<1x256xi32, #tpu.memory_space<vmem>>
    %dma_start3A_25 = tpu.memref_squeeze %dma_start3A_24 : memref<1x256xi32, #tpu.memory_space<vmem>> -> memref<256xi32, #tpu.memory_space<vmem>>
    %dma_start3A_26 = arith.constant 0 : i32
    %dma_start3A_27 = arith.constant 0 : i32
    %dma_start3A_28 = tpu.memref_slice %arg18[%dma_start3A_26, %dma_start3A_27] : memref<10000x32xf32, #tpu.memory_space<vmem_shared>> -> memref<10000x32xf32, #tpu.memory_space<vmem_shared>>
    tpu.enqueue_indirect_dma source(%dma_start3A_28 : memref<10000x32xf32, #tpu.memory_space<vmem_shared>>) target(%arg11 : memref<256x32xf32, #tpu.memory_space<vmem>>) offsets(%dma_start3A_25 : memref<256xi32, #tpu.memory_space<vmem>>) semaphore(%arg21 : memref<!tpu.dma_semaphore, #tpu.memory_space<semaphore_mem>>)
    %dma_start3A_29 = arith.constant 3 : i32
    %dma_start3A_30 = arith.constant 0 : i32
    %dma_start3A_31 = tpu.memref_slice %arg7[%dma_start3A_29, %dma_start3A_30] : memref<40x256xi32, #tpu.memory_space<vmem>> -> memref<1x256xi32, #tpu.memory_space<vmem>>
    %dma_start3A_32 = tpu.memref_squeeze %dma_start3A_31 : memref<1x256xi32, #tpu.memory_space<vmem>> -> memref<256xi32, #tpu.memory_space<vmem>>
    %dma_start3A_33 = arith.constant 0 : i32
    %dma_start3A_34 = arith.constant 0 : i32
    %dma_start3A_35 = tpu.memref_slice %arg18[%dma_start3A_33, %dma_start3A_34] : memref<10000x32xf32, #tpu.memory_space<vmem_shared>> -> memref<10000x32xf32, #tpu.memory_space<vmem_shared>>
    tpu.enqueue_indirect_dma source(%dma_start3A_35 : memref<10000x32xf32, #tpu.memory_space<vmem_shared>>) target(%arg12 : memref<256x32xf32, #tpu.memory_space<vmem>>) offsets(%dma_start3A_32 : memref<256xi32, #tpu.memory_space<vmem>>) semaphore(%arg22 : memref<!tpu.dma_semaphore, #tpu.memory_space<semaphore_mem>>)
    %dma_start3A_36 = arith.constant 4 : i32
    %dma_start3A_37 = arith.constant 0 : i32
    %dma_start3A_38 = tpu.memref_slice %arg7[%dma_start3A_36, %dma_start3A_37] : memref<40x256xi32, #tpu.memory_space<vmem>> -> memref<1x256xi32, #tpu.memory_space<vmem>>
    %dma_start3A_39 = tpu.memref_squeeze %dma_start3A_38 : memref<1x256xi32, #tpu.memory_space<vmem>> -> memref<256xi32, #tpu.memory_space<vmem>>
    %dma_start3A_40 = arith.constant 0 : i32
    %dma_start3A_41 = arith.constant 0 : i32
    %dma_start3A_42 = tpu.memref_slice %arg18[%dma_start3A_40, %dma_start3A_41] : memref<10000x32xf32, #tpu.memory_space<vmem_shared>> -> memref<10000x32xf32, #tpu.memory_space<vmem_shared>>
    tpu.enqueue_indirect_dma source(%dma_start3A_42 : memref<10000x32xf32, #tpu.memory_space<vmem_shared>>) target(%arg13 : memref<256x32xf32, #tpu.memory_space<vmem>>) offsets(%dma_start3A_39 : memref<256xi32, #tpu.memory_space<vmem>>) semaphore(%arg23 : memref<!tpu.dma_semaphore, #tpu.memory_space<semaphore_mem>>)
    %dma_start3A_43 = arith.constant 5 : i32
    %dma_start3A_44 = arith.constant 0 : i32
    %dma_start3A_45 = tpu.memref_slice %arg7[%dma_start3A_43, %dma_start3A_44] : memref<40x256xi32, #tpu.memory_space<vmem>> -> memref<1x256xi32, #tpu.memory_space<vmem>>
    %dma_start3A_46 = tpu.memref_squeeze %dma_start3A_45 : memref<1x256xi32, #tpu.memory_space<vmem>> -> memref<256xi32, #tpu.memory_space<vmem>>
    %dma_start3A_47 = arith.constant 0 : i32
    %dma_start3A_48 = arith.constant 0 : i32
    %dma_start3A_49 = tpu.memref_slice %arg18[%dma_start3A_47, %dma_start3A_48] : memref<10000x32xf32, #tpu.memory_space<vmem_shared>> -> memref<10000x32xf32, #tpu.memory_space<vmem_shared>>
    tpu.enqueue_indirect_dma source(%dma_start3A_49 : memref<10000x32xf32, #tpu.memory_space<vmem_shared>>) target(%arg14 : memref<256x32xf32, #tpu.memory_space<vmem>>) offsets(%dma_start3A_46 : memref<256xi32, #tpu.memory_space<vmem>>) semaphore(%arg24 : memref<!tpu.dma_semaphore, #tpu.memory_space<semaphore_mem>>)
    %dma_start3A_50 = arith.constant 6 : i32
    %dma_start3A_51 = arith.constant 0 : i32
    %dma_start3A_52 = tpu.memref_slice %arg7[%dma_start3A_50, %dma_start3A_51] : memref<40x256xi32, #tpu.memory_space<vmem>> -> memref<1x256xi32, #tpu.memory_space<vmem>>
    %dma_start3A_53 = tpu.memref_squeeze %dma_start3A_52 : memref<1x256xi32, #tpu.memory_space<vmem>> -> memref<256xi32, #tpu.memory_space<vmem>>
    %dma_start3A_54 = arith.constant 0 : i32
    %dma_start3A_55 = arith.constant 0 : i32
    %dma_start3A_56 = tpu.memref_slice %arg18[%dma_start3A_54, %dma_start3A_55] : memref<10000x32xf32, #tpu.memory_space<vmem_shared>> -> memref<10000x32xf32, #tpu.memory_space<vmem_shared>>
    tpu.enqueue_indirect_dma source(%dma_start3A_56 : memref<10000x32xf32, #tpu.memory_space<vmem_shared>>) target(%arg15 : memref<256x32xf32, #tpu.memory_space<vmem>>) offsets(%dma_start3A_53 : memref<256xi32, #tpu.memory_space<vmem>>) semaphore(%arg25 : memref<!tpu.dma_semaphore, #tpu.memory_space<semaphore_mem>>)
    %dma_start3A_57 = arith.constant 7 : i32
    %dma_start3A_58 = arith.constant 0 : i32
    %dma_start3A_59 = tpu.memref_slice %arg7[%dma_start3A_57, %dma_start3A_58] : memref<40x256xi32, #tpu.memory_space<vmem>> -> memref<1x256xi32, #tpu.memory_space<vmem>>
    %dma_start3A_60 = tpu.memref_squeeze %dma_start3A_59 : memref<1x256xi32, #tpu.memory_space<vmem>> -> memref<256xi32, #tpu.memory_space<vmem>>
    %dma_start3A_61 = arith.constant 0 : i32
    %dma_start3A_62 = arith.constant 0 : i32
    %dma_start3A_63 = tpu.memref_slice %arg18[%dma_start3A_61, %dma_start3A_62] : memref<10000x32xf32, #tpu.memory_space<vmem_shared>> -> memref<10000x32xf32, #tpu.memory_space<vmem_shared>>
    tpu.enqueue_indirect_dma source(%dma_start3A_63 : memref<10000x32xf32, #tpu.memory_space<vmem_shared>>) target(%arg16 : memref<256x32xf32, #tpu.memory_space<vmem>>) offsets(%dma_start3A_60 : memref<256xi32, #tpu.memory_space<vmem>>) semaphore(%arg26 : memref<!tpu.dma_semaphore, #tpu.memory_space<semaphore_mem>>)
    %scan3A = arith.constant 0 : i32
    %scan3A_64 = arith.constant 0 : i32
    %scan3A_65 = arith.constant 5 : i32
    %scan3A_66 = arith.addi %scan3A_64, %scan3A_65 : i32
    %scan3A_67 = arith.constant 1 : i32
    %scan3A_68 = scf.for %scan3A_71 = %scan3A_64 to %scan3A_66 step %scan3A_67 iter_args(%scan3A_72 = %scan3A) -> (i32)  : i32 {
      %mul3A_73 = arith.constant 8 : i32
      %mul3A_74 = arith.muli %scan3A_71, %mul3A_73 : i32
      %add3A_75 = arith.constant 0 : i32
      %add3A_76 = arith.addi %mul3A_74, %add3A_75 : i32
      %dma_wait3A = arith.constant 0 : i32
      %dma_wait3A_77 = arith.constant 0 : i32
      %dma_wait3A_78 = tpu.memref_slice %arg7[%dma_wait3A, %dma_wait3A_77] : memref<40x256xi32, #tpu.memory_space<vmem>> -> memref<1x256xi32, #tpu.memory_space<vmem>>
      %dma_wait3A_79 = tpu.memref_squeeze %dma_wait3A_78 : memref<1x256xi32, #tpu.memory_space<vmem>> -> memref<256xi32, #tpu.memory_space<vmem>>
      %dma_wait3A_80 = arith.constant 0 : i32
      %dma_wait3A_81 = arith.constant 0 : i32
      %dma_wait3A_82 = tpu.memref_slice %arg18[%dma_wait3A_80, %dma_wait3A_81] : memref<10000x32xf32, #tpu.memory_space<vmem_shared>> -> memref<10000x32xf32, #tpu.memory_space<vmem_shared>>
      tpu.wait_indirect_dma semaphore(%arg19 : memref<!tpu.dma_semaphore, #tpu.memory_space<semaphore_mem>>) src(%dma_wait3A_82 : memref<10000x32xf32, #tpu.memory_space<vmem_shared>>) dst(%arg9 : memref<256x32xf32, #tpu.memory_space<vmem>>)
      %dma_start3A_83 = arith.constant 0 : i32
      %dma_start3A_84 = tpu.memref_slice %arg8[%add3A_76, %dma_start3A_83] : memref<40x256xi32, #tpu.memory_space<vmem>> -> memref<1x256xi32, #tpu.memory_space<vmem>>
      %dma_start3A_85 = tpu.memref_squeeze %dma_start3A_84 : memref<1x256xi32, #tpu.memory_space<vmem>> -> memref<256xi32, #tpu.memory_space<vmem>>
      %dma_start3A_86 = arith.constant 0 : i32
      %dma_start3A_87 = arith.constant 0 : i32
      %dma_start3A_88 = tpu.memref_slice %arg17[%dma_start3A_86, %dma_start3A_87] : memref<10112x32xf32, #tpu.memory_space<vmem_shared>> -> memref<10112x32xf32, #tpu.memory_space<vmem_shared>>
      tpu.enqueue_indirect_dma source(%arg9 : memref<256x32xf32, #tpu.memory_space<vmem>>) target(%dma_start3A_88 : memref<10112x32xf32, #tpu.memory_space<vmem_shared>>) offsets(%dma_start3A_85 : memref<256xi32, #tpu.memory_space<vmem>>) semaphore(%arg27 : memref<!tpu.dma_semaphore, #tpu.memory_space<semaphore_mem>>) {add = true}
      %mul3A_89 = arith.constant 8 : i32
      %mul3A_90 = arith.muli %scan3A_71, %mul3A_89 : i32
      %add3A_91 = arith.constant 1 : i32
      %add3A_92 = arith.addi %mul3A_90, %add3A_91 : i32
      %dma_wait3A_93 = arith.constant 0 : i32
      %dma_wait3A_94 = arith.constant 0 : i32
      %dma_wait3A_95 = tpu.memref_slice %arg7[%dma_wait3A_93, %dma_wait3A_94] : memref<40x256xi32, #tpu.memory_space<vmem>> -> memref<1x256xi32, #tpu.memory_space<vmem>>
      %dma_wait3A_96 = tpu.memref_squeeze %dma_wait3A_95 : memref<1x256xi32, #tpu.memory_space<vmem>> -> memref<256xi32, #tpu.memory_space<vmem>>
      %dma_wait3A_97 = arith.constant 0 : i32
      %dma_wait3A_98 = arith.constant 0 : i32
      %dma_wait3A_99 = tpu.memref_slice %arg18[%dma_wait3A_97, %dma_wait3A_98] : memref<10000x32xf32, #tpu.memory_space<vmem_shared>> -> memref<10000x32xf32, #tpu.memory_space<vmem_shared>>
      tpu.wait_indirect_dma semaphore(%arg20 : memref<!tpu.dma_semaphore, #tpu.memory_space<semaphore_mem>>) src(%dma_wait3A_99 : memref<10000x32xf32, #tpu.memory_space<vmem_shared>>) dst(%arg10 : memref<256x32xf32, #tpu.memory_space<vmem>>)
      %dma_start3A_100 = arith.constant 0 : i32
      %dma_start3A_101 = tpu.memref_slice %arg8[%add3A_92, %dma_start3A_100] : memref<40x256xi32, #tpu.memory_space<vmem>> -> memref<1x256xi32, #tpu.memory_space<vmem>>
      %dma_start3A_102 = tpu.memref_squeeze %dma_start3A_101 : memref<1x256xi32, #tpu.memory_space<vmem>> -> memref<256xi32, #tpu.memory_space<vmem>>
      %dma_start3A_103 = arith.constant 0 : i32
      %dma_start3A_104 = arith.constant 0 : i32
      %dma_start3A_105 = tpu.memref_slice %arg17[%dma_start3A_103, %dma_start3A_104] : memref<10112x32xf32, #tpu.memory_space<vmem_shared>> -> memref<10112x32xf32, #tpu.memory_space<vmem_shared>>
      tpu.enqueue_indirect_dma source(%arg10 : memref<256x32xf32, #tpu.memory_space<vmem>>) target(%dma_start3A_105 : memref<10112x32xf32, #tpu.memory_space<vmem_shared>>) offsets(%dma_start3A_102 : memref<256xi32, #tpu.memory_space<vmem>>) semaphore(%arg28 : memref<!tpu.dma_semaphore, #tpu.memory_space<semaphore_mem>>) {add = true}
      %mul3A_106 = arith.constant 8 : i32
      %mul3A_107 = arith.muli %scan3A_71, %mul3A_106 : i32
      %add3A_108 = arith.constant 2 : i32
      %add3A_109 = arith.addi %mul3A_107, %add3A_108 : i32
      %dma_wait3A_110 = arith.constant 0 : i32
      %dma_wait3A_111 = arith.constant 0 : i32
      %dma_wait3A_112 = tpu.memref_slice %arg7[%dma_wait3A_110, %dma_wait3A_111] : memref<40x256xi32, #tpu.memory_space<vmem>> -> memref<1x256xi32, #tpu.memory_space<vmem>>
      %dma_wait3A_113 = tpu.memref_squeeze %dma_wait3A_112 : memref<1x256xi32, #tpu.memory_space<vmem>> -> memref<256xi32, #tpu.memory_space<vmem>>
      %dma_wait3A_114 = arith.constant 0 : i32
      %dma_wait3A_115 = arith.constant 0 : i32
      %dma_wait3A_116 = tpu.memref_slice %arg18[%dma_wait3A_114, %dma_wait3A_115] : memref<10000x32xf32, #tpu.memory_space<vmem_shared>> -> memref<10000x32xf32, #tpu.memory_space<vmem_shared>>
      tpu.wait_indirect_dma semaphore(%arg21 : memref<!tpu.dma_semaphore, #tpu.memory_space<semaphore_mem>>) src(%dma_wait3A_116 : memref<10000x32xf32, #tpu.memory_space<vmem_shared>>) dst(%arg11 : memref<256x32xf32, #tpu.memory_space<vmem>>)
      %dma_start3A_117 = arith.constant 0 : i32
      %dma_start3A_118 = tpu.memref_slice %arg8[%add3A_109, %dma_start3A_117] : memref<40x256xi32, #tpu.memory_space<vmem>> -> memref<1x256xi32, #tpu.memory_space<vmem>>
      %dma_start3A_119 = tpu.memref_squeeze %dma_start3A_118 : memref<1x256xi32, #tpu.memory_space<vmem>> -> memref<256xi32, #tpu.memory_space<vmem>>
      %dma_start3A_120 = arith.constant 0 : i32
      %dma_start3A_121 = arith.constant 0 : i32
      %dma_start3A_122 = tpu.memref_slice %arg17[%dma_start3A_120, %dma_start3A_121] : memref<10112x32xf32, #tpu.memory_space<vmem_shared>> -> memref<10112x32xf32, #tpu.memory_space<vmem_shared>>
      tpu.enqueue_indirect_dma source(%arg11 : memref<256x32xf32, #tpu.memory_space<vmem>>) target(%dma_start3A_122 : memref<10112x32xf32, #tpu.memory_space<vmem_shared>>) offsets(%dma_start3A_119 : memref<256xi32, #tpu.memory_space<vmem>>) semaphore(%arg29 : memref<!tpu.dma_semaphore, #tpu.memory_space<semaphore_mem>>) {add = true}
      %mul3A_123 = arith.constant 8 : i32
      %mul3A_124 = arith.muli %scan3A_71, %mul3A_123 : i32
      %add3A_125 = arith.constant 3 : i32
      %add3A_126 = arith.addi %mul3A_124, %add3A_125 : i32
      %dma_wait3A_127 = arith.constant 0 : i32
      %dma_wait3A_128 = arith.constant 0 : i32
      %dma_wait3A_129 = tpu.memref_slice %arg7[%dma_wait3A_127, %dma_wait3A_128] : memref<40x256xi32, #tpu.memory_space<vmem>> -> memref<1x256xi32, #tpu.memory_space<vmem>>
      %dma_wait3A_130 = tpu.memref_squeeze %dma_wait3A_129 : memref<1x256xi32, #tpu.memory_space<vmem>> -> memref<256xi32, #tpu.memory_space<vmem>>
      %dma_wait3A_131 = arith.constant 0 : i32
      %dma_wait3A_132 = arith.constant 0 : i32
      %dma_wait3A_133 = tpu.memref_slice %arg18[%dma_wait3A_131, %dma_wait3A_132] : memref<10000x32xf32, #tpu.memory_space<vmem_shared>> -> memref<10000x32xf32, #tpu.memory_space<vmem_shared>>
      tpu.wait_indirect_dma semaphore(%arg22 : memref<!tpu.dma_semaphore, #tpu.memory_space<semaphore_mem>>) src(%dma_wait3A_133 : memref<10000x32xf32, #tpu.memory_space<vmem_shared>>) dst(%arg12 : memref<256x32xf32, #tpu.memory_space<vmem>>)
      %dma_start3A_134 = arith.constant 0 : i32
      %dma_start3A_135 = tpu.memref_slice %arg8[%add3A_126, %dma_start3A_134] : memref<40x256xi32, #tpu.memory_space<vmem>> -> memref<1x256xi32, #tpu.memory_space<vmem>>
      %dma_start3A_136 = tpu.memref_squeeze %dma_start3A_135 : memref<1x256xi32, #tpu.memory_space<vmem>> -> memref<256xi32, #tpu.memory_space<vmem>>
      %dma_start3A_137 = arith.constant 0 : i32
      %dma_start3A_138 = arith.constant 0 : i32
      %dma_start3A_139 = tpu.memref_slice %arg17[%dma_start3A_137, %dma_start3A_138] : memref<10112x32xf32, #tpu.memory_space<vmem_shared>> -> memref<10112x32xf32, #tpu.memory_space<vmem_shared>>
      tpu.enqueue_indirect_dma source(%arg12 : memref<256x32xf32, #tpu.memory_space<vmem>>) target(%dma_start3A_139 : memref<10112x32xf32, #tpu.memory_space<vmem_shared>>) offsets(%dma_start3A_136 : memref<256xi32, #tpu.memory_space<vmem>>) semaphore(%arg30 : memref<!tpu.dma_semaphore, #tpu.memory_space<semaphore_mem>>) {add = true}
      %mul3A_140 = arith.constant 8 : i32
      %mul3A_141 = arith.muli %scan3A_71, %mul3A_140 : i32
      %add3A_142 = arith.constant 4 : i32
      %add3A_143 = arith.addi %mul3A_141, %add3A_142 : i32
      %dma_wait3A_144 = arith.constant 0 : i32
      %dma_wait3A_145 = arith.constant 0 : i32
      %dma_wait3A_146 = tpu.memref_slice %arg7[%dma_wait3A_144, %dma_wait3A_145] : memref<40x256xi32, #tpu.memory_space<vmem>> -> memref<1x256xi32, #tpu.memory_space<vmem>>
      %dma_wait3A_147 = tpu.memref_squeeze %dma_wait3A_146 : memref<1x256xi32, #tpu.memory_space<vmem>> -> memref<256xi32, #tpu.memory_space<vmem>>
      %dma_wait3A_148 = arith.constant 0 : i32
      %dma_wait3A_149 = arith.constant 0 : i32
      %dma_wait3A_150 = tpu.memref_slice %arg18[%dma_wait3A_148, %dma_wait3A_149] : memref<10000x32xf32, #tpu.memory_space<vmem_shared>> -> memref<10000x32xf32, #tpu.memory_space<vmem_shared>>
      tpu.wait_indirect_dma semaphore(%arg23 : memref<!tpu.dma_semaphore, #tpu.memory_space<semaphore_mem>>) src(%dma_wait3A_150 : memref<10000x32xf32, #tpu.memory_space<vmem_shared>>) dst(%arg13 : memref<256x32xf32, #tpu.memory_space<vmem>>)
      %dma_start3A_151 = arith.constant 0 : i32
      %dma_start3A_152 = tpu.memref_slice %arg8[%add3A_143, %dma_start3A_151] : memref<40x256xi32, #tpu.memory_space<vmem>> -> memref<1x256xi32, #tpu.memory_space<vmem>>
      %dma_start3A_153 = tpu.memref_squeeze %dma_start3A_152 : memref<1x256xi32, #tpu.memory_space<vmem>> -> memref<256xi32, #tpu.memory_space<vmem>>
      %dma_start3A_154 = arith.constant 0 : i32
      %dma_start3A_155 = arith.constant 0 : i32
      %dma_start3A_156 = tpu.memref_slice %arg17[%dma_start3A_154, %dma_start3A_155] : memref<10112x32xf32, #tpu.memory_space<vmem_shared>> -> memref<10112x32xf32, #tpu.memory_space<vmem_shared>>
      tpu.enqueue_indirect_dma source(%arg13 : memref<256x32xf32, #tpu.memory_space<vmem>>) target(%dma_start3A_156 : memref<10112x32xf32, #tpu.memory_space<vmem_shared>>) offsets(%dma_start3A_153 : memref<256xi32, #tpu.memory_space<vmem>>) semaphore(%arg31 : memref<!tpu.dma_semaphore, #tpu.memory_space<semaphore_mem>>) {add = true}
      %mul3A_157 = arith.constant 8 : i32
      %mul3A_158 = arith.muli %scan3A_71, %mul3A_157 : i32
      %add3A_159 = arith.constant 5 : i32
      %add3A_160 = arith.addi %mul3A_158, %add3A_159 : i32
      %dma_wait3A_161 = arith.constant 0 : i32
      %dma_wait3A_162 = arith.constant 0 : i32
      %dma_wait3A_163 = tpu.memref_slice %arg7[%dma_wait3A_161, %dma_wait3A_162] : memref<40x256xi32, #tpu.memory_space<vmem>> -> memref<1x256xi32, #tpu.memory_space<vmem>>
      %dma_wait3A_164 = tpu.memref_squeeze %dma_wait3A_163 : memref<1x256xi32, #tpu.memory_space<vmem>> -> memref<256xi32, #tpu.memory_space<vmem>>
      %dma_wait3A_165 = arith.constant 0 : i32
      %dma_wait3A_166 = arith.constant 0 : i32
      %dma_wait3A_167 = tpu.memref_slice %arg18[%dma_wait3A_165, %dma_wait3A_166] : memref<10000x32xf32, #tpu.memory_space<vmem_shared>> -> memref<10000x32xf32, #tpu.memory_space<vmem_shared>>
      tpu.wait_indirect_dma semaphore(%arg24 : memref<!tpu.dma_semaphore, #tpu.memory_space<semaphore_mem>>) src(%dma_wait3A_167 : memref<10000x32xf32, #tpu.memory_space<vmem_shared>>) dst(%arg14 : memref<256x32xf32, #tpu.memory_space<vmem>>)
      %dma_start3A_168 = arith.constant 0 : i32
      %dma_start3A_169 = tpu.memref_slice %arg8[%add3A_160, %dma_start3A_168] : memref<40x256xi32, #tpu.memory_space<vmem>> -> memref<1x256xi32, #tpu.memory_space<vmem>>
      %dma_start3A_170 = tpu.memref_squeeze %dma_start3A_169 : memref<1x256xi32, #tpu.memory_space<vmem>> -> memref<256xi32, #tpu.memory_space<vmem>>
      %dma_start3A_171 = arith.constant 0 : i32
      %dma_start3A_172 = arith.constant 0 : i32
      %dma_start3A_173 = tpu.memref_slice %arg17[%dma_start3A_171, %dma_start3A_172] : memref<10112x32xf32, #tpu.memory_space<vmem_shared>> -> memref<10112x32xf32, #tpu.memory_space<vmem_shared>>
      tpu.enqueue_indirect_dma source(%arg14 : memref<256x32xf32, #tpu.memory_space<vmem>>) target(%dma_start3A_173 : memref<10112x32xf32, #tpu.memory_space<vmem_shared>>) offsets(%dma_start3A_170 : memref<256xi32, #tpu.memory_space<vmem>>) semaphore(%arg32 : memref<!tpu.dma_semaphore, #tpu.memory_space<semaphore_mem>>) {add = true}
      %mul3A_174 = arith.constant 8 : i32
      %mul3A_175 = arith.muli %scan3A_71, %mul3A_174 : i32
      %add3A_176 = arith.constant 6 : i32
      %add3A_177 = arith.addi %mul3A_175, %add3A_176 : i32
      %dma_wait3A_178 = arith.constant 0 : i32
      %dma_wait3A_179 = arith.constant 0 : i32
      %dma_wait3A_180 = tpu.memref_slice %arg7[%dma_wait3A_178, %dma_wait3A_179] : memref<40x256xi32, #tpu.memory_space<vmem>> -> memref<1x256xi32, #tpu.memory_space<vmem>>
      %dma_wait3A_181 = tpu.memref_squeeze %dma_wait3A_180 : memref<1x256xi32, #tpu.memory_space<vmem>> -> memref<256xi32, #tpu.memory_space<vmem>>
      %dma_wait3A_182 = arith.constant 0 : i32
      %dma_wait3A_183 = arith.constant 0 : i32
      %dma_wait3A_184 = tpu.memref_slice %arg18[%dma_wait3A_182, %dma_wait3A_183] : memref<10000x32xf32, #tpu.memory_space<vmem_shared>> -> memref<10000x32xf32, #tpu.memory_space<vmem_shared>>
      tpu.wait_indirect_dma semaphore(%arg25 : memref<!tpu.dma_semaphore, #tpu.memory_space<semaphore_mem>>) src(%dma_wait3A_184 : memref<10000x32xf32, #tpu.memory_space<vmem_shared>>) dst(%arg15 : memref<256x32xf32, #tpu.memory_space<vmem>>)
      %dma_start3A_185 = arith.constant 0 : i32
      %dma_start3A_186 = tpu.memref_slice %arg8[%add3A_177, %dma_start3A_185] : memref<40x256xi32, #tpu.memory_space<vmem>> -> memref<1x256xi32, #tpu.memory_space<vmem>>
      %dma_start3A_187 = tpu.memref_squeeze %dma_start3A_186 : memref<1x256xi32, #tpu.memory_space<vmem>> -> memref<256xi32, #tpu.memory_space<vmem>>
      %dma_start3A_188 = arith.constant 0 : i32
      %dma_start3A_189 = arith.constant 0 : i32
      %dma_start3A_190 = tpu.memref_slice %arg17[%dma_start3A_188, %dma_start3A_189] : memref<10112x32xf32, #tpu.memory_space<vmem_shared>> -> memref<10112x32xf32, #tpu.memory_space<vmem_shared>>
      tpu.enqueue_indirect_dma source(%arg15 : memref<256x32xf32, #tpu.memory_space<vmem>>) target(%dma_start3A_190 : memref<10112x32xf32, #tpu.memory_space<vmem_shared>>) offsets(%dma_start3A_187 : memref<256xi32, #tpu.memory_space<vmem>>) semaphore(%arg33 : memref<!tpu.dma_semaphore, #tpu.memory_space<semaphore_mem>>) {add = true}
      %mul3A_191 = arith.constant 8 : i32
      %mul3A_192 = arith.muli %scan3A_71, %mul3A_191 : i32
      %add3A_193 = arith.constant 7 : i32
      %add3A_194 = arith.addi %mul3A_192, %add3A_193 : i32
      %dma_wait3A_195 = arith.constant 0 : i32
      %dma_wait3A_196 = arith.constant 0 : i32
      %dma_wait3A_197 = tpu.memref_slice %arg7[%dma_wait3A_195, %dma_wait3A_196] : memref<40x256xi32, #tpu.memory_space<vmem>> -> memref<1x256xi32, #tpu.memory_space<vmem>>
      %dma_wait3A_198 = tpu.memref_squeeze %dma_wait3A_197 : memref<1x256xi32, #tpu.memory_space<vmem>> -> memref<256xi32, #tpu.memory_space<vmem>>
      %dma_wait3A_199 = arith.constant 0 : i32
      %dma_wait3A_200 = arith.constant 0 : i32
      %dma_wait3A_201 = tpu.memref_slice %arg18[%dma_wait3A_199, %dma_wait3A_200] : memref<10000x32xf32, #tpu.memory_space<vmem_shared>> -> memref<10000x32xf32, #tpu.memory_space<vmem_shared>>
      tpu.wait_indirect_dma semaphore(%arg26 : memref<!tpu.dma_semaphore, #tpu.memory_space<semaphore_mem>>) src(%dma_wait3A_201 : memref<10000x32xf32, #tpu.memory_space<vmem_shared>>) dst(%arg16 : memref<256x32xf32, #tpu.memory_space<vmem>>)
      %dma_start3A_202 = arith.constant 0 : i32
      %dma_start3A_203 = tpu.memref_slice %arg8[%add3A_194, %dma_start3A_202] : memref<40x256xi32, #tpu.memory_space<vmem>> -> memref<1x256xi32, #tpu.memory_space<vmem>>
      %dma_start3A_204 = tpu.memref_squeeze %dma_start3A_203 : memref<1x256xi32, #tpu.memory_space<vmem>> -> memref<256xi32, #tpu.memory_space<vmem>>
      %dma_start3A_205 = arith.constant 0 : i32
      %dma_start3A_206 = arith.constant 0 : i32
      %dma_start3A_207 = tpu.memref_slice %arg17[%dma_start3A_205, %dma_start3A_206] : memref<10112x32xf32, #tpu.memory_space<vmem_shared>> -> memref<10112x32xf32, #tpu.memory_space<vmem_shared>>
      tpu.enqueue_indirect_dma source(%arg16 : memref<256x32xf32, #tpu.memory_space<vmem>>) target(%dma_start3A_207 : memref<10112x32xf32, #tpu.memory_space<vmem_shared>>) offsets(%dma_start3A_204 : memref<256xi32, #tpu.memory_space<vmem>>) semaphore(%arg34 : memref<!tpu.dma_semaphore, #tpu.memory_space<semaphore_mem>>) {add = true}
      %mul3A_208 = arith.constant 8 : i32
      %mul3A_209 = arith.muli %scan3A_71, %mul3A_208 : i32
      %add3A_210 = arith.constant 0 : i32
      %add3A_211 = arith.addi %mul3A_209, %add3A_210 : i32
      %dma_wait3A_212 = arith.constant 0 : i32
      %dma_wait3A_213 = arith.constant 0 : i32
      %dma_wait3A_214 = tpu.memref_slice %arg8[%dma_wait3A_212, %dma_wait3A_213] : memref<40x256xi32, #tpu.memory_space<vmem>> -> memref<1x256xi32, #tpu.memory_space<vmem>>
      %dma_wait3A_215 = tpu.memref_squeeze %dma_wait3A_214 : memref<1x256xi32, #tpu.memory_space<vmem>> -> memref<256xi32, #tpu.memory_space<vmem>>
      %dma_wait3A_216 = arith.constant 0 : i32
      %dma_wait3A_217 = arith.constant 0 : i32
      %dma_wait3A_218 = tpu.memref_slice %arg17[%dma_wait3A_216, %dma_wait3A_217] : memref<10112x32xf32, #tpu.memory_space<vmem_shared>> -> memref<10112x32xf32, #tpu.memory_space<vmem_shared>>
      tpu.wait_indirect_dma semaphore(%arg27 : memref<!tpu.dma_semaphore, #tpu.memory_space<semaphore_mem>>) src(%arg9 : memref<256x32xf32, #tpu.memory_space<vmem>>) dst(%dma_wait3A_218 : memref<10112x32xf32, #tpu.memory_space<vmem_shared>>)
      %add3A_219 = arith.constant 8 : i32
      %add3A_220 = arith.addi %add3A_211, %add3A_219 : i32
      %lt3A_221 = arith.constant 40 : i32
      %lt3A_222 = arith.cmpi slt, %add3A_220, %lt3A_221 : i32
      %convert_element_type3A_223 = arith.extui %lt3A_222 : i1 to i32
      %cond3A_224 = arith.constant 0 : i32
      %cond3A_225 = arith.cmpi ne, %convert_element_type3A_223, %cond3A_224 : i32
      scf.if %cond3A_225 {
        %add3A_353 = arith.constant 8 : i32
        %add3A_354 = arith.addi %add3A_211, %add3A_353 : i32
        %dma_start3A_355 = arith.constant 0 : i32
        %dma_start3A_356 = tpu.memref_slice %arg7[%add3A_354, %dma_start3A_355] : memref<40x256xi32, #tpu.memory_space<vmem>> -> memref<1x256xi32, #tpu.memory_space<vmem>>
        %dma_start3A_357 = tpu.memref_squeeze %dma_start3A_356 : memref<1x256xi32, #tpu.memory_space<vmem>> -> memref<256xi32, #tpu.memory_space<vmem>>
        %dma_start3A_358 = arith.constant 0 : i32
        %dma_start3A_359 = arith.constant 0 : i32
        %dma_start3A_360 = tpu.memref_slice %arg18[%dma_start3A_358, %dma_start3A_359] : memref<10000x32xf32, #tpu.memory_space<vmem_shared>> -> memref<10000x32xf32, #tpu.memory_space<vmem_shared>>
        tpu.enqueue_indirect_dma source(%dma_start3A_360 : memref<10000x32xf32, #tpu.memory_space<vmem_shared>>) target(%arg9 : memref<256x32xf32, #tpu.memory_space<vmem>>) offsets(%dma_start3A_357 : memref<256xi32, #tpu.memory_space<vmem>>) semaphore(%arg19 : memref<!tpu.dma_semaphore, #tpu.memory_space<semaphore_mem>>)
      } else {
      }
      %mul3A_226 = arith.constant 8 : i32
      %mul3A_227 = arith.muli %scan3A_71, %mul3A_226 : i32
      %add3A_228 = arith.constant 1 : i32
      %add3A_229 = arith.addi %mul3A_227, %add3A_228 : i32
      %dma_wait3A_230 = arith.constant 0 : i32
      %dma_wait3A_231 = arith.constant 0 : i32
      %dma_wait3A_232 = tpu.memref_slice %arg8[%dma_wait3A_230, %dma_wait3A_231] : memref<40x256xi32, #tpu.memory_space<vmem>> -> memref<1x256xi32, #tpu.memory_space<vmem>>
      %dma_wait3A_233 = tpu.memref_squeeze %dma_wait3A_232 : memref<1x256xi32, #tpu.memory_space<vmem>> -> memref<256xi32, #tpu.memory_space<vmem>>
      %dma_wait3A_234 = arith.constant 0 : i32
      %dma_wait3A_235 = arith.constant 0 : i32
      %dma_wait3A_236 = tpu.memref_slice %arg17[%dma_wait3A_234, %dma_wait3A_235] : memref<10112x32xf32, #tpu.memory_space<vmem_shared>> -> memref<10112x32xf32, #tpu.memory_space<vmem_shared>>
      tpu.wait_indirect_dma semaphore(%arg28 : memref<!tpu.dma_semaphore, #tpu.memory_space<semaphore_mem>>) src(%arg10 : memref<256x32xf32, #tpu.memory_space<vmem>>) dst(%dma_wait3A_236 : memref<10112x32xf32, #tpu.memory_space<vmem_shared>>)
      %add3A_237 = arith.constant 8 : i32
      %add3A_238 = arith.addi %add3A_229, %add3A_237 : i32
      %lt3A_239 = arith.constant 40 : i32
      %lt3A_240 = arith.cmpi slt, %add3A_238, %lt3A_239 : i32
      %convert_element_type3A_241 = arith.extui %lt3A_240 : i1 to i32
      %cond3A_242 = arith.constant 0 : i32
      %cond3A_243 = arith.cmpi ne, %convert_element_type3A_241, %cond3A_242 : i32
      scf.if %cond3A_243 {
        %add3A_353 = arith.constant 8 : i32
        %add3A_354 = arith.addi %add3A_229, %add3A_353 : i32
        %dma_start3A_355 = arith.constant 0 : i32
        %dma_start3A_356 = tpu.memref_slice %arg7[%add3A_354, %dma_start3A_355] : memref<40x256xi32, #tpu.memory_space<vmem>> -> memref<1x256xi32, #tpu.memory_space<vmem>>
        %dma_start3A_357 = tpu.memref_squeeze %dma_start3A_356 : memref<1x256xi32, #tpu.memory_space<vmem>> -> memref<256xi32, #tpu.memory_space<vmem>>
        %dma_start3A_358 = arith.constant 0 : i32
        %dma_start3A_359 = arith.constant 0 : i32
        %dma_start3A_360 = tpu.memref_slice %arg18[%dma_start3A_358, %dma_start3A_359] : memref<10000x32xf32, #tpu.memory_space<vmem_shared>> -> memref<10000x32xf32, #tpu.memory_space<vmem_shared>>
        tpu.enqueue_indirect_dma source(%dma_start3A_360 : memref<10000x32xf32, #tpu.memory_space<vmem_shared>>) target(%arg10 : memref<256x32xf32, #tpu.memory_space<vmem>>) offsets(%dma_start3A_357 : memref<256xi32, #tpu.memory_space<vmem>>) semaphore(%arg20 : memref<!tpu.dma_semaphore, #tpu.memory_space<semaphore_mem>>)
      } else {
      }
      %mul3A_244 = arith.constant 8 : i32
      %mul3A_245 = arith.muli %scan3A_71, %mul3A_244 : i32
      %add3A_246 = arith.constant 2 : i32
      %add3A_247 = arith.addi %mul3A_245, %add3A_246 : i32
      %dma_wait3A_248 = arith.constant 0 : i32
      %dma_wait3A_249 = arith.constant 0 : i32
      %dma_wait3A_250 = tpu.memref_slice %arg8[%dma_wait3A_248, %dma_wait3A_249] : memref<40x256xi32, #tpu.memory_space<vmem>> -> memref<1x256xi32, #tpu.memory_space<vmem>>
      %dma_wait3A_251 = tpu.memref_squeeze %dma_wait3A_250 : memref<1x256xi32, #tpu.memory_space<vmem>> -> memref<256xi32, #tpu.memory_space<vmem>>
      %dma_wait3A_252 = arith.constant 0 : i32
      %dma_wait3A_253 = arith.constant 0 : i32
      %dma_wait3A_254 = tpu.memref_slice %arg17[%dma_wait3A_252, %dma_wait3A_253] : memref<10112x32xf32, #tpu.memory_space<vmem_shared>> -> memref<10112x32xf32, #tpu.memory_space<vmem_shared>>
      tpu.wait_indirect_dma semaphore(%arg29 : memref<!tpu.dma_semaphore, #tpu.memory_space<semaphore_mem>>) src(%arg11 : memref<256x32xf32, #tpu.memory_space<vmem>>) dst(%dma_wait3A_254 : memref<10112x32xf32, #tpu.memory_space<vmem_shared>>)
      %add3A_255 = arith.constant 8 : i32
      %add3A_256 = arith.addi %add3A_247, %add3A_255 : i32
      %lt3A_257 = arith.constant 40 : i32
      %lt3A_258 = arith.cmpi slt, %add3A_256, %lt3A_257 : i32
      %convert_element_type3A_259 = arith.extui %lt3A_258 : i1 to i32
      %cond3A_260 = arith.constant 0 : i32
      %cond3A_261 = arith.cmpi ne, %convert_element_type3A_259, %cond3A_260 : i32
      scf.if %cond3A_261 {
        %add3A_353 = arith.constant 8 : i32
        %add3A_354 = arith.addi %add3A_247, %add3A_353 : i32
        %dma_start3A_355 = arith.constant 0 : i32
        %dma_start3A_356 = tpu.memref_slice %arg7[%add3A_354, %dma_start3A_355] : memref<40x256xi32, #tpu.memory_space<vmem>> -> memref<1x256xi32, #tpu.memory_space<vmem>>
        %dma_start3A_357 = tpu.memref_squeeze %dma_start3A_356 : memref<1x256xi32, #tpu.memory_space<vmem>> -> memref<256xi32, #tpu.memory_space<vmem>>
        %dma_start3A_358 = arith.constant 0 : i32
        %dma_start3A_359 = arith.constant 0 : i32
        %dma_start3A_360 = tpu.memref_slice %arg18[%dma_start3A_358, %dma_start3A_359] : memref<10000x32xf32, #tpu.memory_space<vmem_shared>> -> memref<10000x32xf32, #tpu.memory_space<vmem_shared>>
        tpu.enqueue_indirect_dma source(%dma_start3A_360 : memref<10000x32xf32, #tpu.memory_space<vmem_shared>>) target(%arg11 : memref<256x32xf32, #tpu.memory_space<vmem>>) offsets(%dma_start3A_357 : memref<256xi32, #tpu.memory_space<vmem>>) semaphore(%arg21 : memref<!tpu.dma_semaphore, #tpu.memory_space<semaphore_mem>>)
      } else {
      }
      %mul3A_262 = arith.constant 8 : i32
      %mul3A_263 = arith.muli %scan3A_71, %mul3A_262 : i32
      %add3A_264 = arith.constant 3 : i32
      %add3A_265 = arith.addi %mul3A_263, %add3A_264 : i32
      %dma_wait3A_266 = arith.constant 0 : i32
      %dma_wait3A_267 = arith.constant 0 : i32
      %dma_wait3A_268 = tpu.memref_slice %arg8[%dma_wait3A_266, %dma_wait3A_267] : memref<40x256xi32, #tpu.memory_space<vmem>> -> memref<1x256xi32, #tpu.memory_space<vmem>>
      %dma_wait3A_269 = tpu.memref_squeeze %dma_wait3A_268 : memref<1x256xi32, #tpu.memory_space<vmem>> -> memref<256xi32, #tpu.memory_space<vmem>>
      %dma_wait3A_270 = arith.constant 0 : i32
      %dma_wait3A_271 = arith.constant 0 : i32
      %dma_wait3A_272 = tpu.memref_slice %arg17[%dma_wait3A_270, %dma_wait3A_271] : memref<10112x32xf32, #tpu.memory_space<vmem_shared>> -> memref<10112x32xf32, #tpu.memory_space<vmem_shared>>
      tpu.wait_indirect_dma semaphore(%arg30 : memref<!tpu.dma_semaphore, #tpu.memory_space<semaphore_mem>>) src(%arg12 : memref<256x32xf32, #tpu.memory_space<vmem>>) dst(%dma_wait3A_272 : memref<10112x32xf32, #tpu.memory_space<vmem_shared>>)
      %add3A_273 = arith.constant 8 : i32
      %add3A_274 = arith.addi %add3A_265, %add3A_273 : i32
      %lt3A_275 = arith.constant 40 : i32
      %lt3A_276 = arith.cmpi slt, %add3A_274, %lt3A_275 : i32
      %convert_element_type3A_277 = arith.extui %lt3A_276 : i1 to i32
      %cond3A_278 = arith.constant 0 : i32
      %cond3A_279 = arith.cmpi ne, %convert_element_type3A_277, %cond3A_278 : i32
      scf.if %cond3A_279 {
        %add3A_353 = arith.constant 8 : i32
        %add3A_354 = arith.addi %add3A_265, %add3A_353 : i32
        %dma_start3A_355 = arith.constant 0 : i32
        %dma_start3A_356 = tpu.memref_slice %arg7[%add3A_354, %dma_start3A_355] : memref<40x256xi32, #tpu.memory_space<vmem>> -> memref<1x256xi32, #tpu.memory_space<vmem>>
        %dma_start3A_357 = tpu.memref_squeeze %dma_start3A_356 : memref<1x256xi32, #tpu.memory_space<vmem>> -> memref<256xi32, #tpu.memory_space<vmem>>
        %dma_start3A_358 = arith.constant 0 : i32
        %dma_start3A_359 = arith.constant 0 : i32
        %dma_start3A_360 = tpu.memref_slice %arg18[%dma_start3A_358, %dma_start3A_359] : memref<10000x32xf32, #tpu.memory_space<vmem_shared>> -> memref<10000x32xf32, #tpu.memory_space<vmem_shared>>
        tpu.enqueue_indirect_dma source(%dma_start3A_360 : memref<10000x32xf32, #tpu.memory_space<vmem_shared>>) target(%arg12 : memref<256x32xf32, #tpu.memory_space<vmem>>) offsets(%dma_start3A_357 : memref<256xi32, #tpu.memory_space<vmem>>) semaphore(%arg22 : memref<!tpu.dma_semaphore, #tpu.memory_space<semaphore_mem>>)
      } else {
      }
      %mul3A_280 = arith.constant 8 : i32
      %mul3A_281 = arith.muli %scan3A_71, %mul3A_280 : i32
      %add3A_282 = arith.constant 4 : i32
      %add3A_283 = arith.addi %mul3A_281, %add3A_282 : i32
      %dma_wait3A_284 = arith.constant 0 : i32
      %dma_wait3A_285 = arith.constant 0 : i32
      %dma_wait3A_286 = tpu.memref_slice %arg8[%dma_wait3A_284, %dma_wait3A_285] : memref<40x256xi32, #tpu.memory_space<vmem>> -> memref<1x256xi32, #tpu.memory_space<vmem>>
      %dma_wait3A_287 = tpu.memref_squeeze %dma_wait3A_286 : memref<1x256xi32, #tpu.memory_space<vmem>> -> memref<256xi32, #tpu.memory_space<vmem>>
      %dma_wait3A_288 = arith.constant 0 : i32
      %dma_wait3A_289 = arith.constant 0 : i32
      %dma_wait3A_290 = tpu.memref_slice %arg17[%dma_wait3A_288, %dma_wait3A_289] : memref<10112x32xf32, #tpu.memory_space<vmem_shared>> -> memref<10112x32xf32, #tpu.memory_space<vmem_shared>>
      tpu.wait_indirect_dma semaphore(%arg31 : memref<!tpu.dma_semaphore, #tpu.memory_space<semaphore_mem>>) src(%arg13 : memref<256x32xf32, #tpu.memory_space<vmem>>) dst(%dma_wait3A_290 : memref<10112x32xf32, #tpu.memory_space<vmem_shared>>)
      %add3A_291 = arith.constant 8 : i32
      %add3A_292 = arith.addi %add3A_283, %add3A_291 : i32
      %lt3A_293 = arith.constant 40 : i32
      %lt3A_294 = arith.cmpi slt, %add3A_292, %lt3A_293 : i32
      %convert_element_type3A_295 = arith.extui %lt3A_294 : i1 to i32
      %cond3A_296 = arith.constant 0 : i32
      %cond3A_297 = arith.cmpi ne, %convert_element_type3A_295, %cond3A_296 : i32
      scf.if %cond3A_297 {
        %add3A_353 = arith.constant 8 : i32
        %add3A_354 = arith.addi %add3A_283, %add3A_353 : i32
        %dma_start3A_355 = arith.constant 0 : i32
        %dma_start3A_356 = tpu.memref_slice %arg7[%add3A_354, %dma_start3A_355] : memref<40x256xi32, #tpu.memory_space<vmem>> -> memref<1x256xi32, #tpu.memory_space<vmem>>
        %dma_start3A_357 = tpu.memref_squeeze %dma_start3A_356 : memref<1x256xi32, #tpu.memory_space<vmem>> -> memref<256xi32, #tpu.memory_space<vmem>>
        %dma_start3A_358 = arith.constant 0 : i32
        %dma_start3A_359 = arith.constant 0 : i32
        %dma_start3A_360 = tpu.memref_slice %arg18[%dma_start3A_358, %dma_start3A_359] : memref<10000x32xf32, #tpu.memory_space<vmem_shared>> -> memref<10000x32xf32, #tpu.memory_space<vmem_shared>>
        tpu.enqueue_indirect_dma source(%dma_start3A_360 : memref<10000x32xf32, #tpu.memory_space<vmem_shared>>) target(%arg13 : memref<256x32xf32, #tpu.memory_space<vmem>>) offsets(%dma_start3A_357 : memref<256xi32, #tpu.memory_space<vmem>>) semaphore(%arg23 : memref<!tpu.dma_semaphore, #tpu.memory_space<semaphore_mem>>)
      } else {
      }
      %mul3A_298 = arith.constant 8 : i32
      %mul3A_299 = arith.muli %scan3A_71, %mul3A_298 : i32
      %add3A_300 = arith.constant 5 : i32
      %add3A_301 = arith.addi %mul3A_299, %add3A_300 : i32
      %dma_wait3A_302 = arith.constant 0 : i32
      %dma_wait3A_303 = arith.constant 0 : i32
      %dma_wait3A_304 = tpu.memref_slice %arg8[%dma_wait3A_302, %dma_wait3A_303] : memref<40x256xi32, #tpu.memory_space<vmem>> -> memref<1x256xi32, #tpu.memory_space<vmem>>
      %dma_wait3A_305 = tpu.memref_squeeze %dma_wait3A_304 : memref<1x256xi32, #tpu.memory_space<vmem>> -> memref<256xi32, #tpu.memory_space<vmem>>
      %dma_wait3A_306 = arith.constant 0 : i32
      %dma_wait3A_307 = arith.constant 0 : i32
      %dma_wait3A_308 = tpu.memref_slice %arg17[%dma_wait3A_306, %dma_wait3A_307] : memref<10112x32xf32, #tpu.memory_space<vmem_shared>> -> memref<10112x32xf32, #tpu.memory_space<vmem_shared>>
      tpu.wait_indirect_dma semaphore(%arg32 : memref<!tpu.dma_semaphore, #tpu.memory_space<semaphore_mem>>) src(%arg14 : memref<256x32xf32, #tpu.memory_space<vmem>>) dst(%dma_wait3A_308 : memref<10112x32xf32, #tpu.memory_space<vmem_shared>>)
      %add3A_309 = arith.constant 8 : i32
      %add3A_310 = arith.addi %add3A_301, %add3A_309 : i32
      %lt3A_311 = arith.constant 40 : i32
      %lt3A_312 = arith.cmpi slt, %add3A_310, %lt3A_311 : i32
      %convert_element_type3A_313 = arith.extui %lt3A_312 : i1 to i32
      %cond3A_314 = arith.constant 0 : i32
      %cond3A_315 = arith.cmpi ne, %convert_element_type3A_313, %cond3A_314 : i32
      scf.if %cond3A_315 {
        %add3A_353 = arith.constant 8 : i32
        %add3A_354 = arith.addi %add3A_301, %add3A_353 : i32
        %dma_start3A_355 = arith.constant 0 : i32
        %dma_start3A_356 = tpu.memref_slice %arg7[%add3A_354, %dma_start3A_355] : memref<40x256xi32, #tpu.memory_space<vmem>> -> memref<1x256xi32, #tpu.memory_space<vmem>>
        %dma_start3A_357 = tpu.memref_squeeze %dma_start3A_356 : memref<1x256xi32, #tpu.memory_space<vmem>> -> memref<256xi32, #tpu.memory_space<vmem>>
        %dma_start3A_358 = arith.constant 0 : i32
        %dma_start3A_359 = arith.constant 0 : i32
        %dma_start3A_360 = tpu.memref_slice %arg18[%dma_start3A_358, %dma_start3A_359] : memref<10000x32xf32, #tpu.memory_space<vmem_shared>> -> memref<10000x32xf32, #tpu.memory_space<vmem_shared>>
        tpu.enqueue_indirect_dma source(%dma_start3A_360 : memref<10000x32xf32, #tpu.memory_space<vmem_shared>>) target(%arg14 : memref<256x32xf32, #tpu.memory_space<vmem>>) offsets(%dma_start3A_357 : memref<256xi32, #tpu.memory_space<vmem>>) semaphore(%arg24 : memref<!tpu.dma_semaphore, #tpu.memory_space<semaphore_mem>>)
      } else {
      }
      %mul3A_316 = arith.constant 8 : i32
      %mul3A_317 = arith.muli %scan3A_71, %mul3A_316 : i32
      %add3A_318 = arith.constant 6 : i32
      %add3A_319 = arith.addi %mul3A_317, %add3A_318 : i32
      %dma_wait3A_320 = arith.constant 0 : i32
      %dma_wait3A_321 = arith.constant 0 : i32
      %dma_wait3A_322 = tpu.memref_slice %arg8[%dma_wait3A_320, %dma_wait3A_321] : memref<40x256xi32, #tpu.memory_space<vmem>> -> memref<1x256xi32, #tpu.memory_space<vmem>>
      %dma_wait3A_323 = tpu.memref_squeeze %dma_wait3A_322 : memref<1x256xi32, #tpu.memory_space<vmem>> -> memref<256xi32, #tpu.memory_space<vmem>>
      %dma_wait3A_324 = arith.constant 0 : i32
      %dma_wait3A_325 = arith.constant 0 : i32
      %dma_wait3A_326 = tpu.memref_slice %arg17[%dma_wait3A_324, %dma_wait3A_325] : memref<10112x32xf32, #tpu.memory_space<vmem_shared>> -> memref<10112x32xf32, #tpu.memory_space<vmem_shared>>
      tpu.wait_indirect_dma semaphore(%arg33 : memref<!tpu.dma_semaphore, #tpu.memory_space<semaphore_mem>>) src(%arg15 : memref<256x32xf32, #tpu.memory_space<vmem>>) dst(%dma_wait3A_326 : memref<10112x32xf32, #tpu.memory_space<vmem_shared>>)
      %add3A_327 = arith.constant 8 : i32
      %add3A_328 = arith.addi %add3A_319, %add3A_327 : i32
      %lt3A_329 = arith.constant 40 : i32
      %lt3A_330 = arith.cmpi slt, %add3A_328, %lt3A_329 : i32
      %convert_element_type3A_331 = arith.extui %lt3A_330 : i1 to i32
      %cond3A_332 = arith.constant 0 : i32
      %cond3A_333 = arith.cmpi ne, %convert_element_type3A_331, %cond3A_332 : i32
      scf.if %cond3A_333 {
        %add3A_353 = arith.constant 8 : i32
        %add3A_354 = arith.addi %add3A_319, %add3A_353 : i32
        %dma_start3A_355 = arith.constant 0 : i32
        %dma_start3A_356 = tpu.memref_slice %arg7[%add3A_354, %dma_start3A_355] : memref<40x256xi32, #tpu.memory_space<vmem>> -> memref<1x256xi32, #tpu.memory_space<vmem>>
        %dma_start3A_357 = tpu.memref_squeeze %dma_start3A_356 : memref<1x256xi32, #tpu.memory_space<vmem>> -> memref<256xi32, #tpu.memory_space<vmem>>
        %dma_start3A_358 = arith.constant 0 : i32
        %dma_start3A_359 = arith.constant 0 : i32
        %dma_start3A_360 = tpu.memref_slice %arg18[%dma_start3A_358, %dma_start3A_359] : memref<10000x32xf32, #tpu.memory_space<vmem_shared>> -> memref<10000x32xf32, #tpu.memory_space<vmem_shared>>
        tpu.enqueue_indirect_dma source(%dma_start3A_360 : memref<10000x32xf32, #tpu.memory_space<vmem_shared>>) target(%arg15 : memref<256x32xf32, #tpu.memory_space<vmem>>) offsets(%dma_start3A_357 : memref<256xi32, #tpu.memory_space<vmem>>) semaphore(%arg25 : memref<!tpu.dma_semaphore, #tpu.memory_space<semaphore_mem>>)
      } else {
      }
      %mul3A_334 = arith.constant 8 : i32
      %mul3A_335 = arith.muli %scan3A_71, %mul3A_334 : i32
      %add3A_336 = arith.constant 7 : i32
      %add3A_337 = arith.addi %mul3A_335, %add3A_336 : i32
      %dma_wait3A_338 = arith.constant 0 : i32
      %dma_wait3A_339 = arith.constant 0 : i32
      %dma_wait3A_340 = tpu.memref_slice %arg8[%dma_wait3A_338, %dma_wait3A_339] : memref<40x256xi32, #tpu.memory_space<vmem>> -> memref<1x256xi32, #tpu.memory_space<vmem>>
      %dma_wait3A_341 = tpu.memref_squeeze %dma_wait3A_340 : memref<1x256xi32, #tpu.memory_space<vmem>> -> memref<256xi32, #tpu.memory_space<vmem>>
      %dma_wait3A_342 = arith.constant 0 : i32
      %dma_wait3A_343 = arith.constant 0 : i32
      %dma_wait3A_344 = tpu.memref_slice %arg17[%dma_wait3A_342, %dma_wait3A_343] : memref<10112x32xf32, #tpu.memory_space<vmem_shared>> -> memref<10112x32xf32, #tpu.memory_space<vmem_shared>>
      tpu.wait_indirect_dma semaphore(%arg34 : memref<!tpu.dma_semaphore, #tpu.memory_space<semaphore_mem>>) src(%arg16 : memref<256x32xf32, #tpu.memory_space<vmem>>) dst(%dma_wait3A_344 : memref<10112x32xf32, #tpu.memory_space<vmem_shared>>)
      %add3A_345 = arith.constant 8 : i32
      %add3A_346 = arith.addi %add3A_337, %add3A_345 : i32
      %lt3A_347 = arith.constant 40 : i32
      %lt3A_348 = arith.cmpi slt, %add3A_346, %lt3A_347 : i32
      %convert_element_type3A_349 = arith.extui %lt3A_348 : i1 to i32
      %cond3A_350 = arith.constant 0 : i32
      %cond3A_351 = arith.cmpi ne, %convert_element_type3A_349, %cond3A_350 : i32
      scf.if %cond3A_351 {
        %add3A_353 = arith.constant 8 : i32
        %add3A_354 = arith.addi %add3A_337, %add3A_353 : i32
        %dma_start3A_355 = arith.constant 0 : i32
        %dma_start3A_356 = tpu.memref_slice %arg7[%add3A_354, %dma_start3A_355] : memref<40x256xi32, #tpu.memory_space<vmem>> -> memref<1x256xi32, #tpu.memory_space<vmem>>
        %dma_start3A_357 = tpu.memref_squeeze %dma_start3A_356 : memref<1x256xi32, #tpu.memory_space<vmem>> -> memref<256xi32, #tpu.memory_space<vmem>>
        %dma_start3A_358 = arith.constant 0 : i32
        %dma_start3A_359 = arith.constant 0 : i32
        %dma_start3A_360 = tpu.memref_slice %arg18[%dma_start3A_358, %dma_start3A_359] : memref<10000x32xf32, #tpu.memory_space<vmem_shared>> -> memref<10000x32xf32, #tpu.memory_space<vmem_shared>>
        tpu.enqueue_indirect_dma source(%dma_start3A_360 : memref<10000x32xf32, #tpu.memory_space<vmem_shared>>) target(%arg16 : memref<256x32xf32, #tpu.memory_space<vmem>>) offsets(%dma_start3A_357 : memref<256xi32, #tpu.memory_space<vmem>>) semaphore(%arg26 : memref<!tpu.dma_semaphore, #tpu.memory_space<semaphore_mem>>)
      } else {
      }
      %scan3A_352 = arith.constant 0 : i32
      scf.yield %scan3A_352 : i32
    }
    %scan3A_69 = arith.constant 5 : i32
    %barrier3A_70 = arith.constant 0 : index
    tpu.barrier barrier_id(%barrier3A_70)
    "tpu.region"() ({
      %run_scoped3A = tpu.sem_alloc : memref<!tpu.dma_semaphore, #tpu.memory_space<semaphore_mem>>
      %dma_start3A_71 = arith.constant 0 : i32
      %dma_start3A_72 = tpu.memref_slice %arg6[%arg0, %mul3A_2, %dma_start3A_71] : memref<2x10112x32xf32, #tpu.memory_space<hbm>> -> memref<1x632x32xf32, #tpu.memory_space<hbm>>
      %dma_start3A_73 = tpu.memref_squeeze %dma_start3A_72 : memref<1x632x32xf32, #tpu.memory_space<hbm>> -> memref<632x32xf32, #tpu.memory_space<hbm>>
      %dma_start3A_74 = arith.constant 0 : i32
      %dma_start3A_75 = tpu.memref_slice %arg17[%mul3A_2, %dma_start3A_74] : memref<10112x32xf32, #tpu.memory_space<vmem_shared>> -> memref<632x32xf32, #tpu.memory_space<vmem_shared>>
      tpu.enqueue_dma source(%dma_start3A_75 : memref<632x32xf32, #tpu.memory_space<vmem_shared>>) target(%dma_start3A_73 : memref<632x32xf32, #tpu.memory_space<hbm>>) target_semaphore(%run_scoped3A : memref<!tpu.dma_semaphore, #tpu.memory_space<semaphore_mem>>)
      %dma_wait3A = arith.constant 0 : i32
      %dma_wait3A_76 = tpu.memref_slice %arg6[%arg0, %mul3A_2, %dma_wait3A] : memref<2x10112x32xf32, #tpu.memory_space<hbm>> -> memref<1x632x32xf32, #tpu.memory_space<hbm>>
      %dma_wait3A_77 = tpu.memref_squeeze %dma_wait3A_76 : memref<1x632x32xf32, #tpu.memory_space<hbm>> -> memref<632x32xf32, #tpu.memory_space<hbm>>
      %dma_wait3A_78 = arith.constant 0 : i32
      %dma_wait3A_79 = tpu.memref_slice %arg17[%mul3A_2, %dma_wait3A_78] : memref<10112x32xf32, #tpu.memory_space<vmem_shared>> -> memref<632x32xf32, #tpu.memory_space<vmem_shared>>
      tpu.wait_dma2 semaphore(%run_scoped3A : memref<!tpu.dma_semaphore, #tpu.memory_space<semaphore_mem>>) src(%dma_wait3A_79 : memref<632x32xf32, #tpu.memory_space<vmem_shared>>) dst(%dma_wait3A_77 : memref<632x32xf32, #tpu.memory_space<hbm>>)
      tpu.yield
    }) : () -> ()
    return
  }
}

#map = affine_map<(d0, d1) -> (0, 0)>
#map1 = affine_map<(d0, d1) -> (0, 0, 0)>
module attributes {stable_mosaic.version = 14 : i64} {
  func.func @_mp_kernel(%arg0: i32, %arg1: i32, %arg2: memref<10000x32xf32, #tpu.memory_space<hbm>>, %arg3: memref<32x40x256xi32, #tpu.memory_space<hbm>>, %arg4: memref<32x40x256xi32, #tpu.memory_space<hbm>>, %arg5: memref<10112x32xf32, #tpu.memory_space<hbm>>, %arg6: memref<2x10112x32xf32, #tpu.memory_space<hbm>>, %arg7: memref<40x256xi32, #tpu.memory_space<vmem>>, %arg8: memref<40x256xi32, #tpu.memory_space<vmem>>, %arg9: memref<256x32xf32, #tpu.memory_space<vmem>>, %arg10: memref<256x32xf32, #tpu.memory_space<vmem>>, %arg11: memref<256x32xf32, #tpu.memory_space<vmem>>, %arg12: memref<256x32xf32, #tpu.memory_space<vmem>>, %arg13: memref<256x32xf32, #tpu.memory_space<vmem>>, %arg14: memref<256x32xf32, #tpu.memory_space<vmem>>, %arg15: memref<256x32xf32, #tpu.memory_space<vmem>>, %arg16: memref<256x32xf32, #tpu.memory_space<vmem>>, %arg17: memref<10112x32xf32, #tpu.memory_space<vmem_shared>>, %arg18: memref<10000x32xf32, #tpu.memory_space<vmem_shared>>, %arg19: memref<!tpu.dma_semaphore, #tpu.memory_space<semaphore_mem>>, %arg20: memref<!tpu.dma_semaphore, #tpu.memory_space<semaphore_mem>>, %arg21: memref<!tpu.dma_semaphore, #tpu.memory_space<semaphore_mem>>, %arg22: memref<!tpu.dma_semaphore, #tpu.memory_space<semaphore_mem>>, %arg23: memref<!tpu.dma_semaphore, #tpu.memory_space<semaphore_mem>>, %arg24: memref<!tpu.dma_semaphore, #tpu.memory_space<semaphore_mem>>, %arg25: memref<!tpu.dma_semaphore, #tpu.memory_space<semaphore_mem>>, %arg26: memref<!tpu.dma_semaphore, #tpu.memory_space<semaphore_mem>>, %arg27: memref<!tpu.dma_semaphore, #tpu.memory_space<semaphore_mem>>, %arg28: memref<!tpu.dma_semaphore, #tpu.memory_space<semaphore_mem>>, %arg29: memref<!tpu.dma_semaphore, #tpu.memory_space<semaphore_mem>>, %arg30: memref<!tpu.dma_semaphore, #tpu.memory_space<semaphore_mem>>, %arg31: memref<!tpu.dma_semaphore, #tpu.memory_space<semaphore_mem>>, %arg32: memref<!tpu.dma_semaphore, #tpu.memory_space<semaphore_mem>>, %arg33: memref<!tpu.dma_semaphore, #tpu.memory_space<semaphore_mem>>, %arg34: memref<!tpu.dma_semaphore, #tpu.memory_space<semaphore_mem>>) attributes {dimension_semantics = [#tpu.dimension_semantics<core_parallel>, #tpu.dimension_semantics<subcore_parallel>], iteration_bounds = array<i64: 2, 16>, scalar_prefetch = 0 : i64, scratch_operands = 28 : i64, tpu.core_type = #tpu.core_type<sc_vector_subcore>, window_params = [{transform_indices = #map}, {transform_indices = #map1}, {transform_indices = #map1}, {transform_indices = #map}, {transform_indices = #map1}]} {
    %mul3A = arith.constant 2 : i32
    %mul3A_0 = arith.muli %arg1, %mul3A : i32
    %add3A = arith.addi %mul3A_0, %arg0 : i32
    %mul3A_1 = arith.constant 632 : i32
    %mul3A_2 = arith.muli %arg1, %mul3A_1 : i32
    "tpu.region"() ({
      %run_scoped3A = tpu.sem_alloc : memref<!tpu.dma_semaphore, #tpu.memory_space<semaphore_mem>>
      %dma_start3A_71 = arith.constant 0 : i32
      %dma_start3A_72 = tpu.memref_slice %arg17[%mul3A_2, %dma_start3A_71] : memref<10112x32xf32, #tpu.memory_space<vmem_shared>> -> memref<632x32xf32, #tpu.memory_space<vmem_shared>>
      %dma_start3A_73 = arith.constant 0 : i32
      %dma_start3A_74 = tpu.memref_slice %arg5[%mul3A_2, %dma_start3A_73] : memref<10112x32xf32, #tpu.memory_space<hbm>> -> memref<632x32xf32, #tpu.memory_space<hbm>>
      tpu.enqueue_dma source(%dma_start3A_74 : memref<632x32xf32, #tpu.memory_space<hbm>>) target(%dma_start3A_72 : memref<632x32xf32, #tpu.memory_space<vmem_shared>>) target_semaphore(%run_scoped3A : memref<!tpu.dma_semaphore, #tpu.memory_space<semaphore_mem>>)
      %dma_wait3A = arith.constant 0 : i32
      %dma_wait3A_75 = tpu.memref_slice %arg17[%mul3A_2, %dma_wait3A] : memref<10112x32xf32, #tpu.memory_space<vmem_shared>> -> memref<632x32xf32, #tpu.memory_space<vmem_shared>>
      %dma_wait3A_76 = arith.constant 0 : i32
      %dma_wait3A_77 = tpu.memref_slice %arg5[%mul3A_2, %dma_wait3A_76] : memref<10112x32xf32, #tpu.memory_space<hbm>> -> memref<632x32xf32, #tpu.memory_space<hbm>>
      tpu.wait_dma2 semaphore(%run_scoped3A : memref<!tpu.dma_semaphore, #tpu.memory_space<semaphore_mem>>) src(%dma_wait3A_77 : memref<632x32xf32, #tpu.memory_space<hbm>>) dst(%dma_wait3A_75 : memref<632x32xf32, #tpu.memory_space<vmem_shared>>)
      tpu.yield
    }) : () -> ()
    %lt3A = arith.constant 15 : i32
    %lt3A_3 = arith.cmpi slt, %arg1, %lt3A : i32
    %convert_element_type3A = arith.extui %lt3A_3 : i1 to i32
    %cond3A = arith.constant 0 : i32
    %cond3A_4 = arith.cmpi ne, %convert_element_type3A, %cond3A : i32
    scf.if %cond3A_4 {
      "tpu.region"() ({
        %run_scoped3A = tpu.sem_alloc : memref<!tpu.dma_semaphore, #tpu.memory_space<semaphore_mem>>
        %dma_start3A_71 = arith.constant 0 : i32
        %dma_start3A_72 = tpu.memref_slice %arg18[%mul3A_2, %dma_start3A_71] : memref<10000x32xf32, #tpu.memory_space<vmem_shared>> -> memref<632x32xf32, #tpu.memory_space<vmem_shared>>
        %dma_start3A_73 = arith.constant 0 : i32
        %dma_start3A_74 = tpu.memref_slice %arg2[%mul3A_2, %dma_start3A_73] : memref<10000x32xf32, #tpu.memory_space<hbm>> -> memref<632x32xf32, #tpu.memory_space<hbm>>
        tpu.enqueue_dma source(%dma_start3A_74 : memref<632x32xf32, #tpu.memory_space<hbm>>) target(%dma_start3A_72 : memref<632x32xf32, #tpu.memory_space<vmem_shared>>) target_semaphore(%run_scoped3A : memref<!tpu.dma_semaphore, #tpu.memory_space<semaphore_mem>>)
        %dma_wait3A = arith.constant 0 : i32
        %dma_wait3A_75 = tpu.memref_slice %arg18[%mul3A_2, %dma_wait3A] : memref<10000x32xf32, #tpu.memory_space<vmem_shared>> -> memref<632x32xf32, #tpu.memory_space<vmem_shared>>
        %dma_wait3A_76 = arith.constant 0 : i32
        %dma_wait3A_77 = tpu.memref_slice %arg2[%mul3A_2, %dma_wait3A_76] : memref<10000x32xf32, #tpu.memory_space<hbm>> -> memref<632x32xf32, #tpu.memory_space<hbm>>
        tpu.wait_dma2 semaphore(%run_scoped3A : memref<!tpu.dma_semaphore, #tpu.memory_space<semaphore_mem>>) src(%dma_wait3A_77 : memref<632x32xf32, #tpu.memory_space<hbm>>) dst(%dma_wait3A_75 : memref<632x32xf32, #tpu.memory_space<vmem_shared>>)
        tpu.yield
      }) : () -> ()
    } else {
    }
    %eq3A = arith.constant 15 : i32
    %eq3A_5 = arith.cmpi eq, %arg1, %eq3A : i32
    %convert_element_type3A_6 = arith.extui %eq3A_5 : i1 to i32
    %cond3A_7 = arith.constant 0 : i32
    %cond3A_8 = arith.cmpi ne, %convert_element_type3A_6, %cond3A_7 : i32
    scf.if %cond3A_8 {
      "tpu.region"() ({
        %run_scoped3A = tpu.sem_alloc : memref<!tpu.dma_semaphore, #tpu.memory_space<semaphore_mem>>
        %dma_start3A_71 = arith.constant 9480 : i32
        %dma_start3A_72 = arith.constant 0 : i32
        %dma_start3A_73 = tpu.memref_slice %arg18[%dma_start3A_71, %dma_start3A_72] : memref<10000x32xf32, #tpu.memory_space<vmem_shared>> -> memref<520x32xf32, #tpu.memory_space<vmem_shared>>
        %dma_start3A_74 = arith.constant 9480 : i32
        %dma_start3A_75 = arith.constant 0 : i32
        %dma_start3A_76 = tpu.memref_slice %arg2[%dma_start3A_74, %dma_start3A_75] : memref<10000x32xf32, #tpu.memory_space<hbm>> -> memref<520x32xf32, #tpu.memory_space<hbm>>
        tpu.enqueue_dma source(%dma_start3A_76 : memref<520x32xf32, #tpu.memory_space<hbm>>) target(%dma_start3A_73 : memref<520x32xf32, #tpu.memory_space<vmem_shared>>) target_semaphore(%run_scoped3A : memref<!tpu.dma_semaphore, #tpu.memory_space<semaphore_mem>>)
        %dma_wait3A = arith.constant 9480 : i32
        %dma_wait3A_77 = arith.constant 0 : i32
        %dma_wait3A_78 = tpu.memref_slice %arg18[%dma_wait3A, %dma_wait3A_77] : memref<10000x32xf32, #tpu.memory_space<vmem_shared>> -> memref<520x32xf32, #tpu.memory_space<vmem_shared>>
        %dma_wait3A_79 = arith.constant 9480 : i32
        %dma_wait3A_80 = arith.constant 0 : i32
        %dma_wait3A_81 = tpu.memref_slice %arg2[%dma_wait3A_79, %dma_wait3A_80] : memref<10000x32xf32, #tpu.memory_space<hbm>> -> memref<520x32xf32, #tpu.memory_space<hbm>>
        tpu.wait_dma2 semaphore(%run_scoped3A : memref<!tpu.dma_semaphore, #tpu.memory_space<semaphore_mem>>) src(%dma_wait3A_81 : memref<520x32xf32, #tpu.memory_space<hbm>>) dst(%dma_wait3A_78 : memref<520x32xf32, #tpu.memory_space<vmem_shared>>)
        tpu.yield
      }) : () -> ()
    } else {
    }
    "tpu.region"() ({
      %run_scoped3A = tpu.sem_alloc : memref<!tpu.dma_semaphore, #tpu.memory_space<semaphore_mem>>
      %dma_start3A_71 = arith.constant 0 : i32
      %dma_start3A_72 = arith.constant 0 : i32
      %dma_start3A_73 = tpu.memref_slice %arg3[%add3A, %dma_start3A_71, %dma_start3A_72] : memref<32x40x256xi32, #tpu.memory_space<hbm>> -> memref<1x40x256xi32, #tpu.memory_space<hbm>>
      %dma_start3A_74 = tpu.memref_squeeze %dma_start3A_73 : memref<1x40x256xi32, #tpu.memory_space<hbm>> -> memref<40x256xi32, #tpu.memory_space<hbm>>
      %dma_start3A_75 = arith.constant 0 : i32
      %dma_start3A_76 = arith.constant 0 : i32
      %dma_start3A_77 = tpu.memref_slice %arg3[%add3A, %dma_start3A_75, %dma_start3A_76] : memref<32x40x256xi32, #tpu.memory_space<hbm>> -> memref<1x40x256xi32, #tpu.memory_space<hbm>>
      %dma_start3A_78 = tpu.memref_squeeze %dma_start3A_77 : memref<1x40x256xi32, #tpu.memory_space<hbm>> -> memref<40x256xi32, #tpu.memory_space<hbm>>
      tpu.enqueue_dma source(%dma_start3A_78 : memref<40x256xi32, #tpu.memory_space<hbm>>) target(%arg7 : memref<40x256xi32, #tpu.memory_space<vmem>>) target_semaphore(%run_scoped3A : memref<!tpu.dma_semaphore, #tpu.memory_space<semaphore_mem>>)
      %dma_wait3A = arith.constant 0 : i32
      %dma_wait3A_79 = arith.constant 0 : i32
      %dma_wait3A_80 = tpu.memref_slice %arg3[%add3A, %dma_wait3A, %dma_wait3A_79] : memref<32x40x256xi32, #tpu.memory_space<hbm>> -> memref<1x40x256xi32, #tpu.memory_space<hbm>>
      %dma_wait3A_81 = tpu.memref_squeeze %dma_wait3A_80 : memref<1x40x256xi32, #tpu.memory_space<hbm>> -> memref<40x256xi32, #tpu.memory_space<hbm>>
      %dma_wait3A_82 = arith.constant 0 : i32
      %dma_wait3A_83 = arith.constant 0 : i32
      %dma_wait3A_84 = tpu.memref_slice %arg3[%add3A, %dma_wait3A_82, %dma_wait3A_83] : memref<32x40x256xi32, #tpu.memory_space<hbm>> -> memref<1x40x256xi32, #tpu.memory_space<hbm>>
      %dma_wait3A_85 = tpu.memref_squeeze %dma_wait3A_84 : memref<1x40x256xi32, #tpu.memory_space<hbm>> -> memref<40x256xi32, #tpu.memory_space<hbm>>
      tpu.wait_dma2 semaphore(%run_scoped3A : memref<!tpu.dma_semaphore, #tpu.memory_space<semaphore_mem>>) src(%dma_wait3A_85 : memref<40x256xi32, #tpu.memory_space<hbm>>) dst(%arg7 : memref<40x256xi32, #tpu.memory_space<vmem>>)
      tpu.yield
    }) : () -> ()
    "tpu.region"() ({
      %run_scoped3A = tpu.sem_alloc : memref<!tpu.dma_semaphore, #tpu.memory_space<semaphore_mem>>
      %dma_start3A_71 = arith.constant 0 : i32
      %dma_start3A_72 = arith.constant 0 : i32
      %dma_start3A_73 = tpu.memref_slice %arg4[%add3A, %dma_start3A_71, %dma_start3A_72] : memref<32x40x256xi32, #tpu.memory_space<hbm>> -> memref<1x40x256xi32, #tpu.memory_space<hbm>>
      %dma_start3A_74 = tpu.memref_squeeze %dma_start3A_73 : memref<1x40x256xi32, #tpu.memory_space<hbm>> -> memref<40x256xi32, #tpu.memory_space<hbm>>
      %dma_start3A_75 = arith.constant 0 : i32
      %dma_start3A_76 = arith.constant 0 : i32
      %dma_start3A_77 = tpu.memref_slice %arg4[%add3A, %dma_start3A_75, %dma_start3A_76] : memref<32x40x256xi32, #tpu.memory_space<hbm>> -> memref<1x40x256xi32, #tpu.memory_space<hbm>>
      %dma_start3A_78 = tpu.memref_squeeze %dma_start3A_77 : memref<1x40x256xi32, #tpu.memory_space<hbm>> -> memref<40x256xi32, #tpu.memory_space<hbm>>
      tpu.enqueue_dma source(%dma_start3A_78 : memref<40x256xi32, #tpu.memory_space<hbm>>) target(%arg8 : memref<40x256xi32, #tpu.memory_space<vmem>>) target_semaphore(%run_scoped3A : memref<!tpu.dma_semaphore, #tpu.memory_space<semaphore_mem>>)
      %dma_wait3A = arith.constant 0 : i32
      %dma_wait3A_79 = arith.constant 0 : i32
      %dma_wait3A_80 = tpu.memref_slice %arg4[%add3A, %dma_wait3A, %dma_wait3A_79] : memref<32x40x256xi32, #tpu.memory_space<hbm>> -> memref<1x40x256xi32, #tpu.memory_space<hbm>>
      %dma_wait3A_81 = tpu.memref_squeeze %dma_wait3A_80 : memref<1x40x256xi32, #tpu.memory_space<hbm>> -> memref<40x256xi32, #tpu.memory_space<hbm>>
      %dma_wait3A_82 = arith.constant 0 : i32
      %dma_wait3A_83 = arith.constant 0 : i32
      %dma_wait3A_84 = tpu.memref_slice %arg4[%add3A, %dma_wait3A_82, %dma_wait3A_83] : memref<32x40x256xi32, #tpu.memory_space<hbm>> -> memref<1x40x256xi32, #tpu.memory_space<hbm>>
      %dma_wait3A_85 = tpu.memref_squeeze %dma_wait3A_84 : memref<1x40x256xi32, #tpu.memory_space<hbm>> -> memref<40x256xi32, #tpu.memory_space<hbm>>
      tpu.wait_dma2 semaphore(%run_scoped3A : memref<!tpu.dma_semaphore, #tpu.memory_space<semaphore_mem>>) src(%dma_wait3A_85 : memref<40x256xi32, #tpu.memory_space<hbm>>) dst(%arg8 : memref<40x256xi32, #tpu.memory_space<vmem>>)
      tpu.yield
    }) : () -> ()
    %barrier3A = arith.constant 0 : index
    tpu.barrier barrier_id(%barrier3A)
    %dma_start3A = arith.constant 0 : i32
    %dma_start3A_9 = arith.constant 0 : i32
    %dma_start3A_10 = tpu.memref_slice %arg7[%dma_start3A, %dma_start3A_9] : memref<40x256xi32, #tpu.memory_space<vmem>> -> memref<1x256xi32, #tpu.memory_space<vmem>>
    %dma_start3A_11 = tpu.memref_squeeze %dma_start3A_10 : memref<1x256xi32, #tpu.memory_space<vmem>> -> memref<256xi32, #tpu.memory_space<vmem>>
    %dma_start3A_12 = arith.constant 0 : i32
    %dma_start3A_13 = arith.constant 0 : i32
    %dma_start3A_14 = tpu.memref_slice %arg18[%dma_start3A_12, %dma_start3A_13] : memref<10000x32xf32, #tpu.memory_space<vmem_shared>> -> memref<10000x32xf32, #tpu.memory_space<vmem_shared>>
    tpu.enqueue_indirect_dma source(%dma_start3A_14 : memref<10000x32xf32, #tpu.memory_space<vmem_shared>>) target(%arg9 : memref<256x32xf32, #tpu.memory_space<vmem>>) offsets(%dma_start3A_11 : memref<256xi32, #tpu.memory_space<vmem>>) semaphore(%arg19 : memref<!tpu.dma_semaphore, #tpu.memory_space<semaphore_mem>>)
    %dma_start3A_15 = arith.constant 1 : i32
    %dma_start3A_16 = arith.constant 0 : i32
    %dma_start3A_17 = tpu.memref_slice %arg7[%dma_start3A_15, %dma_start3A_16] : memref<40x256xi32, #tpu.memory_space<vmem>> -> memref<1x256xi32, #tpu.memory_space<vmem>>
    %dma_start3A_18 = tpu.memref_squeeze %dma_start3A_17 : memref<1x256xi32, #tpu.memory_space<vmem>> -> memref<256xi32, #tpu.memory_space<vmem>>
    %dma_start3A_19 = arith.constant 0 : i32
    %dma_start3A_20 = arith.constant 0 : i32
    %dma_start3A_21 = tpu.memref_slice %arg18[%dma_start3A_19, %dma_start3A_20] : memref<10000x32xf32, #tpu.memory_space<vmem_shared>> -> memref<10000x32xf32, #tpu.memory_space<vmem_shared>>
    tpu.enqueue_indirect_dma source(%dma_start3A_21 : memref<10000x32xf32, #tpu.memory_space<vmem_shared>>) target(%arg10 : memref<256x32xf32, #tpu.memory_space<vmem>>) offsets(%dma_start3A_18 : memref<256xi32, #tpu.memory_space<vmem>>) semaphore(%arg20 : memref<!tpu.dma_semaphore, #tpu.memory_space<semaphore_mem>>)
    %dma_start3A_22 = arith.constant 2 : i32
    %dma_start3A_23 = arith.constant 0 : i32
    %dma_start3A_24 = tpu.memref_slice %arg7[%dma_start3A_22, %dma_start3A_23] : memref<40x256xi32, #tpu.memory_space<vmem>> -> memref<1x256xi32, #tpu.memory_space<vmem>>
    %dma_start3A_25 = tpu.memref_squeeze %dma_start3A_24 : memref<1x256xi32, #tpu.memory_space<vmem>> -> memref<256xi32, #tpu.memory_space<vmem>>
    %dma_start3A_26 = arith.constant 0 : i32
    %dma_start3A_27 = arith.constant 0 : i32
    %dma_start3A_28 = tpu.memref_slice %arg18[%dma_start3A_26, %dma_start3A_27] : memref<10000x32xf32, #tpu.memory_space<vmem_shared>> -> memref<10000x32xf32, #tpu.memory_space<vmem_shared>>
    tpu.enqueue_indirect_dma source(%dma_start3A_28 : memref<10000x32xf32, #tpu.memory_space<vmem_shared>>) target(%arg11 : memref<256x32xf32, #tpu.memory_space<vmem>>) offsets(%dma_start3A_25 : memref<256xi32, #tpu.memory_space<vmem>>) semaphore(%arg21 : memref<!tpu.dma_semaphore, #tpu.memory_space<semaphore_mem>>)
    %dma_start3A_29 = arith.constant 3 : i32
    %dma_start3A_30 = arith.constant 0 : i32
    %dma_start3A_31 = tpu.memref_slice %arg7[%dma_start3A_29, %dma_start3A_30] : memref<40x256xi32, #tpu.memory_space<vmem>> -> memref<1x256xi32, #tpu.memory_space<vmem>>
    %dma_start3A_32 = tpu.memref_squeeze %dma_start3A_31 : memref<1x256xi32, #tpu.memory_space<vmem>> -> memref<256xi32, #tpu.memory_space<vmem>>
    %dma_start3A_33 = arith.constant 0 : i32
    %dma_start3A_34 = arith.constant 0 : i32
    %dma_start3A_35 = tpu.memref_slice %arg18[%dma_start3A_33, %dma_start3A_34] : memref<10000x32xf32, #tpu.memory_space<vmem_shared>> -> memref<10000x32xf32, #tpu.memory_space<vmem_shared>>
    tpu.enqueue_indirect_dma source(%dma_start3A_35 : memref<10000x32xf32, #tpu.memory_space<vmem_shared>>) target(%arg12 : memref<256x32xf32, #tpu.memory_space<vmem>>) offsets(%dma_start3A_32 : memref<256xi32, #tpu.memory_space<vmem>>) semaphore(%arg22 : memref<!tpu.dma_semaphore, #tpu.memory_space<semaphore_mem>>)
    %dma_start3A_36 = arith.constant 4 : i32
    %dma_start3A_37 = arith.constant 0 : i32
    %dma_start3A_38 = tpu.memref_slice %arg7[%dma_start3A_36, %dma_start3A_37] : memref<40x256xi32, #tpu.memory_space<vmem>> -> memref<1x256xi32, #tpu.memory_space<vmem>>
    %dma_start3A_39 = tpu.memref_squeeze %dma_start3A_38 : memref<1x256xi32, #tpu.memory_space<vmem>> -> memref<256xi32, #tpu.memory_space<vmem>>
    %dma_start3A_40 = arith.constant 0 : i32
    %dma_start3A_41 = arith.constant 0 : i32
    %dma_start3A_42 = tpu.memref_slice %arg18[%dma_start3A_40, %dma_start3A_41] : memref<10000x32xf32, #tpu.memory_space<vmem_shared>> -> memref<10000x32xf32, #tpu.memory_space<vmem_shared>>
    tpu.enqueue_indirect_dma source(%dma_start3A_42 : memref<10000x32xf32, #tpu.memory_space<vmem_shared>>) target(%arg13 : memref<256x32xf32, #tpu.memory_space<vmem>>) offsets(%dma_start3A_39 : memref<256xi32, #tpu.memory_space<vmem>>) semaphore(%arg23 : memref<!tpu.dma_semaphore, #tpu.memory_space<semaphore_mem>>)
    %dma_start3A_43 = arith.constant 5 : i32
    %dma_start3A_44 = arith.constant 0 : i32
    %dma_start3A_45 = tpu.memref_slice %arg7[%dma_start3A_43, %dma_start3A_44] : memref<40x256xi32, #tpu.memory_space<vmem>> -> memref<1x256xi32, #tpu.memory_space<vmem>>
    %dma_start3A_46 = tpu.memref_squeeze %dma_start3A_45 : memref<1x256xi32, #tpu.memory_space<vmem>> -> memref<256xi32, #tpu.memory_space<vmem>>
    %dma_start3A_47 = arith.constant 0 : i32
    %dma_start3A_48 = arith.constant 0 : i32
    %dma_start3A_49 = tpu.memref_slice %arg18[%dma_start3A_47, %dma_start3A_48] : memref<10000x32xf32, #tpu.memory_space<vmem_shared>> -> memref<10000x32xf32, #tpu.memory_space<vmem_shared>>
    tpu.enqueue_indirect_dma source(%dma_start3A_49 : memref<10000x32xf32, #tpu.memory_space<vmem_shared>>) target(%arg14 : memref<256x32xf32, #tpu.memory_space<vmem>>) offsets(%dma_start3A_46 : memref<256xi32, #tpu.memory_space<vmem>>) semaphore(%arg24 : memref<!tpu.dma_semaphore, #tpu.memory_space<semaphore_mem>>)
    %dma_start3A_50 = arith.constant 6 : i32
    %dma_start3A_51 = arith.constant 0 : i32
    %dma_start3A_52 = tpu.memref_slice %arg7[%dma_start3A_50, %dma_start3A_51] : memref<40x256xi32, #tpu.memory_space<vmem>> -> memref<1x256xi32, #tpu.memory_space<vmem>>
    %dma_start3A_53 = tpu.memref_squeeze %dma_start3A_52 : memref<1x256xi32, #tpu.memory_space<vmem>> -> memref<256xi32, #tpu.memory_space<vmem>>
    %dma_start3A_54 = arith.constant 0 : i32
    %dma_start3A_55 = arith.constant 0 : i32
    %dma_start3A_56 = tpu.memref_slice %arg18[%dma_start3A_54, %dma_start3A_55] : memref<10000x32xf32, #tpu.memory_space<vmem_shared>> -> memref<10000x32xf32, #tpu.memory_space<vmem_shared>>
    tpu.enqueue_indirect_dma source(%dma_start3A_56 : memref<10000x32xf32, #tpu.memory_space<vmem_shared>>) target(%arg15 : memref<256x32xf32, #tpu.memory_space<vmem>>) offsets(%dma_start3A_53 : memref<256xi32, #tpu.memory_space<vmem>>) semaphore(%arg25 : memref<!tpu.dma_semaphore, #tpu.memory_space<semaphore_mem>>)
    %dma_start3A_57 = arith.constant 7 : i32
    %dma_start3A_58 = arith.constant 0 : i32
    %dma_start3A_59 = tpu.memref_slice %arg7[%dma_start3A_57, %dma_start3A_58] : memref<40x256xi32, #tpu.memory_space<vmem>> -> memref<1x256xi32, #tpu.memory_space<vmem>>
    %dma_start3A_60 = tpu.memref_squeeze %dma_start3A_59 : memref<1x256xi32, #tpu.memory_space<vmem>> -> memref<256xi32, #tpu.memory_space<vmem>>
    %dma_start3A_61 = arith.constant 0 : i32
    %dma_start3A_62 = arith.constant 0 : i32
    %dma_start3A_63 = tpu.memref_slice %arg18[%dma_start3A_61, %dma_start3A_62] : memref<10000x32xf32, #tpu.memory_space<vmem_shared>> -> memref<10000x32xf32, #tpu.memory_space<vmem_shared>>
    tpu.enqueue_indirect_dma source(%dma_start3A_63 : memref<10000x32xf32, #tpu.memory_space<vmem_shared>>) target(%arg16 : memref<256x32xf32, #tpu.memory_space<vmem>>) offsets(%dma_start3A_60 : memref<256xi32, #tpu.memory_space<vmem>>) semaphore(%arg26 : memref<!tpu.dma_semaphore, #tpu.memory_space<semaphore_mem>>)
    %scan3A = arith.constant 0 : i32
    %scan3A_64 = arith.constant 0 : i32
    %scan3A_65 = arith.constant 5 : i32
    %scan3A_66 = arith.addi %scan3A_64, %scan3A_65 : i32
    %scan3A_67 = arith.constant 1 : i32
    %scan3A_68 = scf.for %scan3A_71 = %scan3A_64 to %scan3A_66 step %scan3A_67 iter_args(%scan3A_72 = %scan3A) -> (i32)  : i32 {
      %mul3A_73 = arith.constant 8 : i32
      %mul3A_74 = arith.muli %scan3A_71, %mul3A_73 : i32
      %add3A_75 = arith.constant 0 : i32
      %add3A_76 = arith.addi %mul3A_74, %add3A_75 : i32
      %dma_wait3A = arith.constant 0 : i32
      %dma_wait3A_77 = arith.constant 0 : i32
      %dma_wait3A_78 = tpu.memref_slice %arg7[%dma_wait3A, %dma_wait3A_77] : memref<40x256xi32, #tpu.memory_space<vmem>> -> memref<1x256xi32, #tpu.memory_space<vmem>>
      %dma_wait3A_79 = tpu.memref_squeeze %dma_wait3A_78 : memref<1x256xi32, #tpu.memory_space<vmem>> -> memref<256xi32, #tpu.memory_space<vmem>>
      %dma_wait3A_80 = arith.constant 0 : i32
      %dma_wait3A_81 = arith.constant 0 : i32
      %dma_wait3A_82 = tpu.memref_slice %arg18[%dma_wait3A_80, %dma_wait3A_81] : memref<10000x32xf32, #tpu.memory_space<vmem_shared>> -> memref<10000x32xf32, #tpu.memory_space<vmem_shared>>
      tpu.wait_indirect_dma semaphore(%arg19 : memref<!tpu.dma_semaphore, #tpu.memory_space<semaphore_mem>>) src(%dma_wait3A_82 : memref<10000x32xf32, #tpu.memory_space<vmem_shared>>) dst(%arg9 : memref<256x32xf32, #tpu.memory_space<vmem>>)
      %dma_start3A_83 = arith.constant 0 : i32
      %dma_start3A_84 = tpu.memref_slice %arg8[%add3A_76, %dma_start3A_83] : memref<40x256xi32, #tpu.memory_space<vmem>> -> memref<1x256xi32, #tpu.memory_space<vmem>>
      %dma_start3A_85 = tpu.memref_squeeze %dma_start3A_84 : memref<1x256xi32, #tpu.memory_space<vmem>> -> memref<256xi32, #tpu.memory_space<vmem>>
      %dma_start3A_86 = arith.constant 0 : i32
      %dma_start3A_87 = arith.constant 0 : i32
      %dma_start3A_88 = tpu.memref_slice %arg17[%dma_start3A_86, %dma_start3A_87] : memref<10112x32xf32, #tpu.memory_space<vmem_shared>> -> memref<10112x32xf32, #tpu.memory_space<vmem_shared>>
      tpu.enqueue_indirect_dma source(%arg9 : memref<256x32xf32, #tpu.memory_space<vmem>>) target(%dma_start3A_88 : memref<10112x32xf32, #tpu.memory_space<vmem_shared>>) offsets(%dma_start3A_85 : memref<256xi32, #tpu.memory_space<vmem>>) semaphore(%arg27 : memref<!tpu.dma_semaphore, #tpu.memory_space<semaphore_mem>>) {add = true}
      %mul3A_89 = arith.constant 8 : i32
      %mul3A_90 = arith.muli %scan3A_71, %mul3A_89 : i32
      %add3A_91 = arith.constant 1 : i32
      %add3A_92 = arith.addi %mul3A_90, %add3A_91 : i32
      %dma_wait3A_93 = arith.constant 0 : i32
      %dma_wait3A_94 = arith.constant 0 : i32
      %dma_wait3A_95 = tpu.memref_slice %arg7[%dma_wait3A_93, %dma_wait3A_94] : memref<40x256xi32, #tpu.memory_space<vmem>> -> memref<1x256xi32, #tpu.memory_space<vmem>>
      %dma_wait3A_96 = tpu.memref_squeeze %dma_wait3A_95 : memref<1x256xi32, #tpu.memory_space<vmem>> -> memref<256xi32, #tpu.memory_space<vmem>>
      %dma_wait3A_97 = arith.constant 0 : i32
      %dma_wait3A_98 = arith.constant 0 : i32
      %dma_wait3A_99 = tpu.memref_slice %arg18[%dma_wait3A_97, %dma_wait3A_98] : memref<10000x32xf32, #tpu.memory_space<vmem_shared>> -> memref<10000x32xf32, #tpu.memory_space<vmem_shared>>
      tpu.wait_indirect_dma semaphore(%arg20 : memref<!tpu.dma_semaphore, #tpu.memory_space<semaphore_mem>>) src(%dma_wait3A_99 : memref<10000x32xf32, #tpu.memory_space<vmem_shared>>) dst(%arg10 : memref<256x32xf32, #tpu.memory_space<vmem>>)
      %dma_start3A_100 = arith.constant 0 : i32
      %dma_start3A_101 = tpu.memref_slice %arg8[%add3A_92, %dma_start3A_100] : memref<40x256xi32, #tpu.memory_space<vmem>> -> memref<1x256xi32, #tpu.memory_space<vmem>>
      %dma_start3A_102 = tpu.memref_squeeze %dma_start3A_101 : memref<1x256xi32, #tpu.memory_space<vmem>> -> memref<256xi32, #tpu.memory_space<vmem>>
      %dma_start3A_103 = arith.constant 0 : i32
      %dma_start3A_104 = arith.constant 0 : i32
      %dma_start3A_105 = tpu.memref_slice %arg17[%dma_start3A_103, %dma_start3A_104] : memref<10112x32xf32, #tpu.memory_space<vmem_shared>> -> memref<10112x32xf32, #tpu.memory_space<vmem_shared>>
      tpu.enqueue_indirect_dma source(%arg10 : memref<256x32xf32, #tpu.memory_space<vmem>>) target(%dma_start3A_105 : memref<10112x32xf32, #tpu.memory_space<vmem_shared>>) offsets(%dma_start3A_102 : memref<256xi32, #tpu.memory_space<vmem>>) semaphore(%arg28 : memref<!tpu.dma_semaphore, #tpu.memory_space<semaphore_mem>>) {add = true}
      %mul3A_106 = arith.constant 8 : i32
      %mul3A_107 = arith.muli %scan3A_71, %mul3A_106 : i32
      %add3A_108 = arith.constant 2 : i32
      %add3A_109 = arith.addi %mul3A_107, %add3A_108 : i32
      %dma_wait3A_110 = arith.constant 0 : i32
      %dma_wait3A_111 = arith.constant 0 : i32
      %dma_wait3A_112 = tpu.memref_slice %arg7[%dma_wait3A_110, %dma_wait3A_111] : memref<40x256xi32, #tpu.memory_space<vmem>> -> memref<1x256xi32, #tpu.memory_space<vmem>>
      %dma_wait3A_113 = tpu.memref_squeeze %dma_wait3A_112 : memref<1x256xi32, #tpu.memory_space<vmem>> -> memref<256xi32, #tpu.memory_space<vmem>>
      %dma_wait3A_114 = arith.constant 0 : i32
      %dma_wait3A_115 = arith.constant 0 : i32
      %dma_wait3A_116 = tpu.memref_slice %arg18[%dma_wait3A_114, %dma_wait3A_115] : memref<10000x32xf32, #tpu.memory_space<vmem_shared>> -> memref<10000x32xf32, #tpu.memory_space<vmem_shared>>
      tpu.wait_indirect_dma semaphore(%arg21 : memref<!tpu.dma_semaphore, #tpu.memory_space<semaphore_mem>>) src(%dma_wait3A_116 : memref<10000x32xf32, #tpu.memory_space<vmem_shared>>) dst(%arg11 : memref<256x32xf32, #tpu.memory_space<vmem>>)
      %dma_start3A_117 = arith.constant 0 : i32
      %dma_start3A_118 = tpu.memref_slice %arg8[%add3A_109, %dma_start3A_117] : memref<40x256xi32, #tpu.memory_space<vmem>> -> memref<1x256xi32, #tpu.memory_space<vmem>>
      %dma_start3A_119 = tpu.memref_squeeze %dma_start3A_118 : memref<1x256xi32, #tpu.memory_space<vmem>> -> memref<256xi32, #tpu.memory_space<vmem>>
      %dma_start3A_120 = arith.constant 0 : i32
      %dma_start3A_121 = arith.constant 0 : i32
      %dma_start3A_122 = tpu.memref_slice %arg17[%dma_start3A_120, %dma_start3A_121] : memref<10112x32xf32, #tpu.memory_space<vmem_shared>> -> memref<10112x32xf32, #tpu.memory_space<vmem_shared>>
      tpu.enqueue_indirect_dma source(%arg11 : memref<256x32xf32, #tpu.memory_space<vmem>>) target(%dma_start3A_122 : memref<10112x32xf32, #tpu.memory_space<vmem_shared>>) offsets(%dma_start3A_119 : memref<256xi32, #tpu.memory_space<vmem>>) semaphore(%arg29 : memref<!tpu.dma_semaphore, #tpu.memory_space<semaphore_mem>>) {add = true}
      %mul3A_123 = arith.constant 8 : i32
      %mul3A_124 = arith.muli %scan3A_71, %mul3A_123 : i32
      %add3A_125 = arith.constant 3 : i32
      %add3A_126 = arith.addi %mul3A_124, %add3A_125 : i32
      %dma_wait3A_127 = arith.constant 0 : i32
      %dma_wait3A_128 = arith.constant 0 : i32
      %dma_wait3A_129 = tpu.memref_slice %arg7[%dma_wait3A_127, %dma_wait3A_128] : memref<40x256xi32, #tpu.memory_space<vmem>> -> memref<1x256xi32, #tpu.memory_space<vmem>>
      %dma_wait3A_130 = tpu.memref_squeeze %dma_wait3A_129 : memref<1x256xi32, #tpu.memory_space<vmem>> -> memref<256xi32, #tpu.memory_space<vmem>>
      %dma_wait3A_131 = arith.constant 0 : i32
      %dma_wait3A_132 = arith.constant 0 : i32
      %dma_wait3A_133 = tpu.memref_slice %arg18[%dma_wait3A_131, %dma_wait3A_132] : memref<10000x32xf32, #tpu.memory_space<vmem_shared>> -> memref<10000x32xf32, #tpu.memory_space<vmem_shared>>
      tpu.wait_indirect_dma semaphore(%arg22 : memref<!tpu.dma_semaphore, #tpu.memory_space<semaphore_mem>>) src(%dma_wait3A_133 : memref<10000x32xf32, #tpu.memory_space<vmem_shared>>) dst(%arg12 : memref<256x32xf32, #tpu.memory_space<vmem>>)
      %dma_start3A_134 = arith.constant 0 : i32
      %dma_start3A_135 = tpu.memref_slice %arg8[%add3A_126, %dma_start3A_134] : memref<40x256xi32, #tpu.memory_space<vmem>> -> memref<1x256xi32, #tpu.memory_space<vmem>>
      %dma_start3A_136 = tpu.memref_squeeze %dma_start3A_135 : memref<1x256xi32, #tpu.memory_space<vmem>> -> memref<256xi32, #tpu.memory_space<vmem>>
      %dma_start3A_137 = arith.constant 0 : i32
      %dma_start3A_138 = arith.constant 0 : i32
      %dma_start3A_139 = tpu.memref_slice %arg17[%dma_start3A_137, %dma_start3A_138] : memref<10112x32xf32, #tpu.memory_space<vmem_shared>> -> memref<10112x32xf32, #tpu.memory_space<vmem_shared>>
      tpu.enqueue_indirect_dma source(%arg12 : memref<256x32xf32, #tpu.memory_space<vmem>>) target(%dma_start3A_139 : memref<10112x32xf32, #tpu.memory_space<vmem_shared>>) offsets(%dma_start3A_136 : memref<256xi32, #tpu.memory_space<vmem>>) semaphore(%arg30 : memref<!tpu.dma_semaphore, #tpu.memory_space<semaphore_mem>>) {add = true}
      %mul3A_140 = arith.constant 8 : i32
      %mul3A_141 = arith.muli %scan3A_71, %mul3A_140 : i32
      %add3A_142 = arith.constant 4 : i32
      %add3A_143 = arith.addi %mul3A_141, %add3A_142 : i32
      %dma_wait3A_144 = arith.constant 0 : i32
      %dma_wait3A_145 = arith.constant 0 : i32
      %dma_wait3A_146 = tpu.memref_slice %arg7[%dma_wait3A_144, %dma_wait3A_145] : memref<40x256xi32, #tpu.memory_space<vmem>> -> memref<1x256xi32, #tpu.memory_space<vmem>>
      %dma_wait3A_147 = tpu.memref_squeeze %dma_wait3A_146 : memref<1x256xi32, #tpu.memory_space<vmem>> -> memref<256xi32, #tpu.memory_space<vmem>>
      %dma_wait3A_148 = arith.constant 0 : i32
      %dma_wait3A_149 = arith.constant 0 : i32
      %dma_wait3A_150 = tpu.memref_slice %arg18[%dma_wait3A_148, %dma_wait3A_149] : memref<10000x32xf32, #tpu.memory_space<vmem_shared>> -> memref<10000x32xf32, #tpu.memory_space<vmem_shared>>
      tpu.wait_indirect_dma semaphore(%arg23 : memref<!tpu.dma_semaphore, #tpu.memory_space<semaphore_mem>>) src(%dma_wait3A_150 : memref<10000x32xf32, #tpu.memory_space<vmem_shared>>) dst(%arg13 : memref<256x32xf32, #tpu.memory_space<vmem>>)
      %dma_start3A_151 = arith.constant 0 : i32
      %dma_start3A_152 = tpu.memref_slice %arg8[%add3A_143, %dma_start3A_151] : memref<40x256xi32, #tpu.memory_space<vmem>> -> memref<1x256xi32, #tpu.memory_space<vmem>>
      %dma_start3A_153 = tpu.memref_squeeze %dma_start3A_152 : memref<1x256xi32, #tpu.memory_space<vmem>> -> memref<256xi32, #tpu.memory_space<vmem>>
      %dma_start3A_154 = arith.constant 0 : i32
      %dma_start3A_155 = arith.constant 0 : i32
      %dma_start3A_156 = tpu.memref_slice %arg17[%dma_start3A_154, %dma_start3A_155] : memref<10112x32xf32, #tpu.memory_space<vmem_shared>> -> memref<10112x32xf32, #tpu.memory_space<vmem_shared>>
      tpu.enqueue_indirect_dma source(%arg13 : memref<256x32xf32, #tpu.memory_space<vmem>>) target(%dma_start3A_156 : memref<10112x32xf32, #tpu.memory_space<vmem_shared>>) offsets(%dma_start3A_153 : memref<256xi32, #tpu.memory_space<vmem>>) semaphore(%arg31 : memref<!tpu.dma_semaphore, #tpu.memory_space<semaphore_mem>>) {add = true}
      %mul3A_157 = arith.constant 8 : i32
      %mul3A_158 = arith.muli %scan3A_71, %mul3A_157 : i32
      %add3A_159 = arith.constant 5 : i32
      %add3A_160 = arith.addi %mul3A_158, %add3A_159 : i32
      %dma_wait3A_161 = arith.constant 0 : i32
      %dma_wait3A_162 = arith.constant 0 : i32
      %dma_wait3A_163 = tpu.memref_slice %arg7[%dma_wait3A_161, %dma_wait3A_162] : memref<40x256xi32, #tpu.memory_space<vmem>> -> memref<1x256xi32, #tpu.memory_space<vmem>>
      %dma_wait3A_164 = tpu.memref_squeeze %dma_wait3A_163 : memref<1x256xi32, #tpu.memory_space<vmem>> -> memref<256xi32, #tpu.memory_space<vmem>>
      %dma_wait3A_165 = arith.constant 0 : i32
      %dma_wait3A_166 = arith.constant 0 : i32
      %dma_wait3A_167 = tpu.memref_slice %arg18[%dma_wait3A_165, %dma_wait3A_166] : memref<10000x32xf32, #tpu.memory_space<vmem_shared>> -> memref<10000x32xf32, #tpu.memory_space<vmem_shared>>
      tpu.wait_indirect_dma semaphore(%arg24 : memref<!tpu.dma_semaphore, #tpu.memory_space<semaphore_mem>>) src(%dma_wait3A_167 : memref<10000x32xf32, #tpu.memory_space<vmem_shared>>) dst(%arg14 : memref<256x32xf32, #tpu.memory_space<vmem>>)
      %dma_start3A_168 = arith.constant 0 : i32
      %dma_start3A_169 = tpu.memref_slice %arg8[%add3A_160, %dma_start3A_168] : memref<40x256xi32, #tpu.memory_space<vmem>> -> memref<1x256xi32, #tpu.memory_space<vmem>>
      %dma_start3A_170 = tpu.memref_squeeze %dma_start3A_169 : memref<1x256xi32, #tpu.memory_space<vmem>> -> memref<256xi32, #tpu.memory_space<vmem>>
      %dma_start3A_171 = arith.constant 0 : i32
      %dma_start3A_172 = arith.constant 0 : i32
      %dma_start3A_173 = tpu.memref_slice %arg17[%dma_start3A_171, %dma_start3A_172] : memref<10112x32xf32, #tpu.memory_space<vmem_shared>> -> memref<10112x32xf32, #tpu.memory_space<vmem_shared>>
      tpu.enqueue_indirect_dma source(%arg14 : memref<256x32xf32, #tpu.memory_space<vmem>>) target(%dma_start3A_173 : memref<10112x32xf32, #tpu.memory_space<vmem_shared>>) offsets(%dma_start3A_170 : memref<256xi32, #tpu.memory_space<vmem>>) semaphore(%arg32 : memref<!tpu.dma_semaphore, #tpu.memory_space<semaphore_mem>>) {add = true}
      %mul3A_174 = arith.constant 8 : i32
      %mul3A_175 = arith.muli %scan3A_71, %mul3A_174 : i32
      %add3A_176 = arith.constant 6 : i32
      %add3A_177 = arith.addi %mul3A_175, %add3A_176 : i32
      %dma_wait3A_178 = arith.constant 0 : i32
      %dma_wait3A_179 = arith.constant 0 : i32
      %dma_wait3A_180 = tpu.memref_slice %arg7[%dma_wait3A_178, %dma_wait3A_179] : memref<40x256xi32, #tpu.memory_space<vmem>> -> memref<1x256xi32, #tpu.memory_space<vmem>>
      %dma_wait3A_181 = tpu.memref_squeeze %dma_wait3A_180 : memref<1x256xi32, #tpu.memory_space<vmem>> -> memref<256xi32, #tpu.memory_space<vmem>>
      %dma_wait3A_182 = arith.constant 0 : i32
      %dma_wait3A_183 = arith.constant 0 : i32
      %dma_wait3A_184 = tpu.memref_slice %arg18[%dma_wait3A_182, %dma_wait3A_183] : memref<10000x32xf32, #tpu.memory_space<vmem_shared>> -> memref<10000x32xf32, #tpu.memory_space<vmem_shared>>
      tpu.wait_indirect_dma semaphore(%arg25 : memref<!tpu.dma_semaphore, #tpu.memory_space<semaphore_mem>>) src(%dma_wait3A_184 : memref<10000x32xf32, #tpu.memory_space<vmem_shared>>) dst(%arg15 : memref<256x32xf32, #tpu.memory_space<vmem>>)
      %dma_start3A_185 = arith.constant 0 : i32
      %dma_start3A_186 = tpu.memref_slice %arg8[%add3A_177, %dma_start3A_185] : memref<40x256xi32, #tpu.memory_space<vmem>> -> memref<1x256xi32, #tpu.memory_space<vmem>>
      %dma_start3A_187 = tpu.memref_squeeze %dma_start3A_186 : memref<1x256xi32, #tpu.memory_space<vmem>> -> memref<256xi32, #tpu.memory_space<vmem>>
      %dma_start3A_188 = arith.constant 0 : i32
      %dma_start3A_189 = arith.constant 0 : i32
      %dma_start3A_190 = tpu.memref_slice %arg17[%dma_start3A_188, %dma_start3A_189] : memref<10112x32xf32, #tpu.memory_space<vmem_shared>> -> memref<10112x32xf32, #tpu.memory_space<vmem_shared>>
      tpu.enqueue_indirect_dma source(%arg15 : memref<256x32xf32, #tpu.memory_space<vmem>>) target(%dma_start3A_190 : memref<10112x32xf32, #tpu.memory_space<vmem_shared>>) offsets(%dma_start3A_187 : memref<256xi32, #tpu.memory_space<vmem>>) semaphore(%arg33 : memref<!tpu.dma_semaphore, #tpu.memory_space<semaphore_mem>>) {add = true}
      %mul3A_191 = arith.constant 8 : i32
      %mul3A_192 = arith.muli %scan3A_71, %mul3A_191 : i32
      %add3A_193 = arith.constant 7 : i32
      %add3A_194 = arith.addi %mul3A_192, %add3A_193 : i32
      %dma_wait3A_195 = arith.constant 0 : i32
      %dma_wait3A_196 = arith.constant 0 : i32
      %dma_wait3A_197 = tpu.memref_slice %arg7[%dma_wait3A_195, %dma_wait3A_196] : memref<40x256xi32, #tpu.memory_space<vmem>> -> memref<1x256xi32, #tpu.memory_space<vmem>>
      %dma_wait3A_198 = tpu.memref_squeeze %dma_wait3A_197 : memref<1x256xi32, #tpu.memory_space<vmem>> -> memref<256xi32, #tpu.memory_space<vmem>>
      %dma_wait3A_199 = arith.constant 0 : i32
      %dma_wait3A_200 = arith.constant 0 : i32
      %dma_wait3A_201 = tpu.memref_slice %arg18[%dma_wait3A_199, %dma_wait3A_200] : memref<10000x32xf32, #tpu.memory_space<vmem_shared>> -> memref<10000x32xf32, #tpu.memory_space<vmem_shared>>
      tpu.wait_indirect_dma semaphore(%arg26 : memref<!tpu.dma_semaphore, #tpu.memory_space<semaphore_mem>>) src(%dma_wait3A_201 : memref<10000x32xf32, #tpu.memory_space<vmem_shared>>) dst(%arg16 : memref<256x32xf32, #tpu.memory_space<vmem>>)
      %dma_start3A_202 = arith.constant 0 : i32
      %dma_start3A_203 = tpu.memref_slice %arg8[%add3A_194, %dma_start3A_202] : memref<40x256xi32, #tpu.memory_space<vmem>> -> memref<1x256xi32, #tpu.memory_space<vmem>>
      %dma_start3A_204 = tpu.memref_squeeze %dma_start3A_203 : memref<1x256xi32, #tpu.memory_space<vmem>> -> memref<256xi32, #tpu.memory_space<vmem>>
      %dma_start3A_205 = arith.constant 0 : i32
      %dma_start3A_206 = arith.constant 0 : i32
      %dma_start3A_207 = tpu.memref_slice %arg17[%dma_start3A_205, %dma_start3A_206] : memref<10112x32xf32, #tpu.memory_space<vmem_shared>> -> memref<10112x32xf32, #tpu.memory_space<vmem_shared>>
      tpu.enqueue_indirect_dma source(%arg16 : memref<256x32xf32, #tpu.memory_space<vmem>>) target(%dma_start3A_207 : memref<10112x32xf32, #tpu.memory_space<vmem_shared>>) offsets(%dma_start3A_204 : memref<256xi32, #tpu.memory_space<vmem>>) semaphore(%arg34 : memref<!tpu.dma_semaphore, #tpu.memory_space<semaphore_mem>>) {add = true}
      %mul3A_208 = arith.constant 8 : i32
      %mul3A_209 = arith.muli %scan3A_71, %mul3A_208 : i32
      %add3A_210 = arith.constant 0 : i32
      %add3A_211 = arith.addi %mul3A_209, %add3A_210 : i32
      %dma_wait3A_212 = arith.constant 0 : i32
      %dma_wait3A_213 = arith.constant 0 : i32
      %dma_wait3A_214 = tpu.memref_slice %arg8[%dma_wait3A_212, %dma_wait3A_213] : memref<40x256xi32, #tpu.memory_space<vmem>> -> memref<1x256xi32, #tpu.memory_space<vmem>>
      %dma_wait3A_215 = tpu.memref_squeeze %dma_wait3A_214 : memref<1x256xi32, #tpu.memory_space<vmem>> -> memref<256xi32, #tpu.memory_space<vmem>>
      %dma_wait3A_216 = arith.constant 0 : i32
      %dma_wait3A_217 = arith.constant 0 : i32
      %dma_wait3A_218 = tpu.memref_slice %arg17[%dma_wait3A_216, %dma_wait3A_217] : memref<10112x32xf32, #tpu.memory_space<vmem_shared>> -> memref<10112x32xf32, #tpu.memory_space<vmem_shared>>
      tpu.wait_indirect_dma semaphore(%arg27 : memref<!tpu.dma_semaphore, #tpu.memory_space<semaphore_mem>>) src(%arg9 : memref<256x32xf32, #tpu.memory_space<vmem>>) dst(%dma_wait3A_218 : memref<10112x32xf32, #tpu.memory_space<vmem_shared>>)
      %add3A_219 = arith.constant 8 : i32
      %add3A_220 = arith.addi %add3A_211, %add3A_219 : i32
      %lt3A_221 = arith.constant 40 : i32
      %lt3A_222 = arith.cmpi slt, %add3A_220, %lt3A_221 : i32
      %convert_element_type3A_223 = arith.extui %lt3A_222 : i1 to i32
      %cond3A_224 = arith.constant 0 : i32
      %cond3A_225 = arith.cmpi ne, %convert_element_type3A_223, %cond3A_224 : i32
      scf.if %cond3A_225 {
        %add3A_353 = arith.constant 8 : i32
        %add3A_354 = arith.addi %add3A_211, %add3A_353 : i32
        %dma_start3A_355 = arith.constant 0 : i32
        %dma_start3A_356 = tpu.memref_slice %arg7[%add3A_354, %dma_start3A_355] : memref<40x256xi32, #tpu.memory_space<vmem>> -> memref<1x256xi32, #tpu.memory_space<vmem>>
        %dma_start3A_357 = tpu.memref_squeeze %dma_start3A_356 : memref<1x256xi32, #tpu.memory_space<vmem>> -> memref<256xi32, #tpu.memory_space<vmem>>
        %dma_start3A_358 = arith.constant 0 : i32
        %dma_start3A_359 = arith.constant 0 : i32
        %dma_start3A_360 = tpu.memref_slice %arg18[%dma_start3A_358, %dma_start3A_359] : memref<10000x32xf32, #tpu.memory_space<vmem_shared>> -> memref<10000x32xf32, #tpu.memory_space<vmem_shared>>
        tpu.enqueue_indirect_dma source(%dma_start3A_360 : memref<10000x32xf32, #tpu.memory_space<vmem_shared>>) target(%arg9 : memref<256x32xf32, #tpu.memory_space<vmem>>) offsets(%dma_start3A_357 : memref<256xi32, #tpu.memory_space<vmem>>) semaphore(%arg19 : memref<!tpu.dma_semaphore, #tpu.memory_space<semaphore_mem>>)
      } else {
      }
      %mul3A_226 = arith.constant 8 : i32
      %mul3A_227 = arith.muli %scan3A_71, %mul3A_226 : i32
      %add3A_228 = arith.constant 1 : i32
      %add3A_229 = arith.addi %mul3A_227, %add3A_228 : i32
      %dma_wait3A_230 = arith.constant 0 : i32
      %dma_wait3A_231 = arith.constant 0 : i32
      %dma_wait3A_232 = tpu.memref_slice %arg8[%dma_wait3A_230, %dma_wait3A_231] : memref<40x256xi32, #tpu.memory_space<vmem>> -> memref<1x256xi32, #tpu.memory_space<vmem>>
      %dma_wait3A_233 = tpu.memref_squeeze %dma_wait3A_232 : memref<1x256xi32, #tpu.memory_space<vmem>> -> memref<256xi32, #tpu.memory_space<vmem>>
      %dma_wait3A_234 = arith.constant 0 : i32
      %dma_wait3A_235 = arith.constant 0 : i32
      %dma_wait3A_236 = tpu.memref_slice %arg17[%dma_wait3A_234, %dma_wait3A_235] : memref<10112x32xf32, #tpu.memory_space<vmem_shared>> -> memref<10112x32xf32, #tpu.memory_space<vmem_shared>>
      tpu.wait_indirect_dma semaphore(%arg28 : memref<!tpu.dma_semaphore, #tpu.memory_space<semaphore_mem>>) src(%arg10 : memref<256x32xf32, #tpu.memory_space<vmem>>) dst(%dma_wait3A_236 : memref<10112x32xf32, #tpu.memory_space<vmem_shared>>)
      %add3A_237 = arith.constant 8 : i32
      %add3A_238 = arith.addi %add3A_229, %add3A_237 : i32
      %lt3A_239 = arith.constant 40 : i32
      %lt3A_240 = arith.cmpi slt, %add3A_238, %lt3A_239 : i32
      %convert_element_type3A_241 = arith.extui %lt3A_240 : i1 to i32
      %cond3A_242 = arith.constant 0 : i32
      %cond3A_243 = arith.cmpi ne, %convert_element_type3A_241, %cond3A_242 : i32
      scf.if %cond3A_243 {
        %add3A_353 = arith.constant 8 : i32
        %add3A_354 = arith.addi %add3A_229, %add3A_353 : i32
        %dma_start3A_355 = arith.constant 0 : i32
        %dma_start3A_356 = tpu.memref_slice %arg7[%add3A_354, %dma_start3A_355] : memref<40x256xi32, #tpu.memory_space<vmem>> -> memref<1x256xi32, #tpu.memory_space<vmem>>
        %dma_start3A_357 = tpu.memref_squeeze %dma_start3A_356 : memref<1x256xi32, #tpu.memory_space<vmem>> -> memref<256xi32, #tpu.memory_space<vmem>>
        %dma_start3A_358 = arith.constant 0 : i32
        %dma_start3A_359 = arith.constant 0 : i32
        %dma_start3A_360 = tpu.memref_slice %arg18[%dma_start3A_358, %dma_start3A_359] : memref<10000x32xf32, #tpu.memory_space<vmem_shared>> -> memref<10000x32xf32, #tpu.memory_space<vmem_shared>>
        tpu.enqueue_indirect_dma source(%dma_start3A_360 : memref<10000x32xf32, #tpu.memory_space<vmem_shared>>) target(%arg10 : memref<256x32xf32, #tpu.memory_space<vmem>>) offsets(%dma_start3A_357 : memref<256xi32, #tpu.memory_space<vmem>>) semaphore(%arg20 : memref<!tpu.dma_semaphore, #tpu.memory_space<semaphore_mem>>)
      } else {
      }
      %mul3A_244 = arith.constant 8 : i32
      %mul3A_245 = arith.muli %scan3A_71, %mul3A_244 : i32
      %add3A_246 = arith.constant 2 : i32
      %add3A_247 = arith.addi %mul3A_245, %add3A_246 : i32
      %dma_wait3A_248 = arith.constant 0 : i32
      %dma_wait3A_249 = arith.constant 0 : i32
      %dma_wait3A_250 = tpu.memref_slice %arg8[%dma_wait3A_248, %dma_wait3A_249] : memref<40x256xi32, #tpu.memory_space<vmem>> -> memref<1x256xi32, #tpu.memory_space<vmem>>
      %dma_wait3A_251 = tpu.memref_squeeze %dma_wait3A_250 : memref<1x256xi32, #tpu.memory_space<vmem>> -> memref<256xi32, #tpu.memory_space<vmem>>
      %dma_wait3A_252 = arith.constant 0 : i32
      %dma_wait3A_253 = arith.constant 0 : i32
      %dma_wait3A_254 = tpu.memref_slice %arg17[%dma_wait3A_252, %dma_wait3A_253] : memref<10112x32xf32, #tpu.memory_space<vmem_shared>> -> memref<10112x32xf32, #tpu.memory_space<vmem_shared>>
      tpu.wait_indirect_dma semaphore(%arg29 : memref<!tpu.dma_semaphore, #tpu.memory_space<semaphore_mem>>) src(%arg11 : memref<256x32xf32, #tpu.memory_space<vmem>>) dst(%dma_wait3A_254 : memref<10112x32xf32, #tpu.memory_space<vmem_shared>>)
      %add3A_255 = arith.constant 8 : i32
      %add3A_256 = arith.addi %add3A_247, %add3A_255 : i32
      %lt3A_257 = arith.constant 40 : i32
      %lt3A_258 = arith.cmpi slt, %add3A_256, %lt3A_257 : i32
      %convert_element_type3A_259 = arith.extui %lt3A_258 : i1 to i32
      %cond3A_260 = arith.constant 0 : i32
      %cond3A_261 = arith.cmpi ne, %convert_element_type3A_259, %cond3A_260 : i32
      scf.if %cond3A_261 {
        %add3A_353 = arith.constant 8 : i32
        %add3A_354 = arith.addi %add3A_247, %add3A_353 : i32
        %dma_start3A_355 = arith.constant 0 : i32
        %dma_start3A_356 = tpu.memref_slice %arg7[%add3A_354, %dma_start3A_355] : memref<40x256xi32, #tpu.memory_space<vmem>> -> memref<1x256xi32, #tpu.memory_space<vmem>>
        %dma_start3A_357 = tpu.memref_squeeze %dma_start3A_356 : memref<1x256xi32, #tpu.memory_space<vmem>> -> memref<256xi32, #tpu.memory_space<vmem>>
        %dma_start3A_358 = arith.constant 0 : i32
        %dma_start3A_359 = arith.constant 0 : i32
        %dma_start3A_360 = tpu.memref_slice %arg18[%dma_start3A_358, %dma_start3A_359] : memref<10000x32xf32, #tpu.memory_space<vmem_shared>> -> memref<10000x32xf32, #tpu.memory_space<vmem_shared>>
        tpu.enqueue_indirect_dma source(%dma_start3A_360 : memref<10000x32xf32, #tpu.memory_space<vmem_shared>>) target(%arg11 : memref<256x32xf32, #tpu.memory_space<vmem>>) offsets(%dma_start3A_357 : memref<256xi32, #tpu.memory_space<vmem>>) semaphore(%arg21 : memref<!tpu.dma_semaphore, #tpu.memory_space<semaphore_mem>>)
      } else {
      }
      %mul3A_262 = arith.constant 8 : i32
      %mul3A_263 = arith.muli %scan3A_71, %mul3A_262 : i32
      %add3A_264 = arith.constant 3 : i32
      %add3A_265 = arith.addi %mul3A_263, %add3A_264 : i32
      %dma_wait3A_266 = arith.constant 0 : i32
      %dma_wait3A_267 = arith.constant 0 : i32
      %dma_wait3A_268 = tpu.memref_slice %arg8[%dma_wait3A_266, %dma_wait3A_267] : memref<40x256xi32, #tpu.memory_space<vmem>> -> memref<1x256xi32, #tpu.memory_space<vmem>>
      %dma_wait3A_269 = tpu.memref_squeeze %dma_wait3A_268 : memref<1x256xi32, #tpu.memory_space<vmem>> -> memref<256xi32, #tpu.memory_space<vmem>>
      %dma_wait3A_270 = arith.constant 0 : i32
      %dma_wait3A_271 = arith.constant 0 : i32
      %dma_wait3A_272 = tpu.memref_slice %arg17[%dma_wait3A_270, %dma_wait3A_271] : memref<10112x32xf32, #tpu.memory_space<vmem_shared>> -> memref<10112x32xf32, #tpu.memory_space<vmem_shared>>
      tpu.wait_indirect_dma semaphore(%arg30 : memref<!tpu.dma_semaphore, #tpu.memory_space<semaphore_mem>>) src(%arg12 : memref<256x32xf32, #tpu.memory_space<vmem>>) dst(%dma_wait3A_272 : memref<10112x32xf32, #tpu.memory_space<vmem_shared>>)
      %add3A_273 = arith.constant 8 : i32
      %add3A_274 = arith.addi %add3A_265, %add3A_273 : i32
      %lt3A_275 = arith.constant 40 : i32
      %lt3A_276 = arith.cmpi slt, %add3A_274, %lt3A_275 : i32
      %convert_element_type3A_277 = arith.extui %lt3A_276 : i1 to i32
      %cond3A_278 = arith.constant 0 : i32
      %cond3A_279 = arith.cmpi ne, %convert_element_type3A_277, %cond3A_278 : i32
      scf.if %cond3A_279 {
        %add3A_353 = arith.constant 8 : i32
        %add3A_354 = arith.addi %add3A_265, %add3A_353 : i32
        %dma_start3A_355 = arith.constant 0 : i32
        %dma_start3A_356 = tpu.memref_slice %arg7[%add3A_354, %dma_start3A_355] : memref<40x256xi32, #tpu.memory_space<vmem>> -> memref<1x256xi32, #tpu.memory_space<vmem>>
        %dma_start3A_357 = tpu.memref_squeeze %dma_start3A_356 : memref<1x256xi32, #tpu.memory_space<vmem>> -> memref<256xi32, #tpu.memory_space<vmem>>
        %dma_start3A_358 = arith.constant 0 : i32
        %dma_start3A_359 = arith.constant 0 : i32
        %dma_start3A_360 = tpu.memref_slice %arg18[%dma_start3A_358, %dma_start3A_359] : memref<10000x32xf32, #tpu.memory_space<vmem_shared>> -> memref<10000x32xf32, #tpu.memory_space<vmem_shared>>
        tpu.enqueue_indirect_dma source(%dma_start3A_360 : memref<10000x32xf32, #tpu.memory_space<vmem_shared>>) target(%arg12 : memref<256x32xf32, #tpu.memory_space<vmem>>) offsets(%dma_start3A_357 : memref<256xi32, #tpu.memory_space<vmem>>) semaphore(%arg22 : memref<!tpu.dma_semaphore, #tpu.memory_space<semaphore_mem>>)
      } else {
      }
      %mul3A_280 = arith.constant 8 : i32
      %mul3A_281 = arith.muli %scan3A_71, %mul3A_280 : i32
      %add3A_282 = arith.constant 4 : i32
      %add3A_283 = arith.addi %mul3A_281, %add3A_282 : i32
      %dma_wait3A_284 = arith.constant 0 : i32
      %dma_wait3A_285 = arith.constant 0 : i32
      %dma_wait3A_286 = tpu.memref_slice %arg8[%dma_wait3A_284, %dma_wait3A_285] : memref<40x256xi32, #tpu.memory_space<vmem>> -> memref<1x256xi32, #tpu.memory_space<vmem>>
      %dma_wait3A_287 = tpu.memref_squeeze %dma_wait3A_286 : memref<1x256xi32, #tpu.memory_space<vmem>> -> memref<256xi32, #tpu.memory_space<vmem>>
      %dma_wait3A_288 = arith.constant 0 : i32
      %dma_wait3A_289 = arith.constant 0 : i32
      %dma_wait3A_290 = tpu.memref_slice %arg17[%dma_wait3A_288, %dma_wait3A_289] : memref<10112x32xf32, #tpu.memory_space<vmem_shared>> -> memref<10112x32xf32, #tpu.memory_space<vmem_shared>>
      tpu.wait_indirect_dma semaphore(%arg31 : memref<!tpu.dma_semaphore, #tpu.memory_space<semaphore_mem>>) src(%arg13 : memref<256x32xf32, #tpu.memory_space<vmem>>) dst(%dma_wait3A_290 : memref<10112x32xf32, #tpu.memory_space<vmem_shared>>)
      %add3A_291 = arith.constant 8 : i32
      %add3A_292 = arith.addi %add3A_283, %add3A_291 : i32
      %lt3A_293 = arith.constant 40 : i32
      %lt3A_294 = arith.cmpi slt, %add3A_292, %lt3A_293 : i32
      %convert_element_type3A_295 = arith.extui %lt3A_294 : i1 to i32
      %cond3A_296 = arith.constant 0 : i32
      %cond3A_297 = arith.cmpi ne, %convert_element_type3A_295, %cond3A_296 : i32
      scf.if %cond3A_297 {
        %add3A_353 = arith.constant 8 : i32
        %add3A_354 = arith.addi %add3A_283, %add3A_353 : i32
        %dma_start3A_355 = arith.constant 0 : i32
        %dma_start3A_356 = tpu.memref_slice %arg7[%add3A_354, %dma_start3A_355] : memref<40x256xi32, #tpu.memory_space<vmem>> -> memref<1x256xi32, #tpu.memory_space<vmem>>
        %dma_start3A_357 = tpu.memref_squeeze %dma_start3A_356 : memref<1x256xi32, #tpu.memory_space<vmem>> -> memref<256xi32, #tpu.memory_space<vmem>>
        %dma_start3A_358 = arith.constant 0 : i32
        %dma_start3A_359 = arith.constant 0 : i32
        %dma_start3A_360 = tpu.memref_slice %arg18[%dma_start3A_358, %dma_start3A_359] : memref<10000x32xf32, #tpu.memory_space<vmem_shared>> -> memref<10000x32xf32, #tpu.memory_space<vmem_shared>>
        tpu.enqueue_indirect_dma source(%dma_start3A_360 : memref<10000x32xf32, #tpu.memory_space<vmem_shared>>) target(%arg13 : memref<256x32xf32, #tpu.memory_space<vmem>>) offsets(%dma_start3A_357 : memref<256xi32, #tpu.memory_space<vmem>>) semaphore(%arg23 : memref<!tpu.dma_semaphore, #tpu.memory_space<semaphore_mem>>)
      } else {
      }
      %mul3A_298 = arith.constant 8 : i32
      %mul3A_299 = arith.muli %scan3A_71, %mul3A_298 : i32
      %add3A_300 = arith.constant 5 : i32
      %add3A_301 = arith.addi %mul3A_299, %add3A_300 : i32
      %dma_wait3A_302 = arith.constant 0 : i32
      %dma_wait3A_303 = arith.constant 0 : i32
      %dma_wait3A_304 = tpu.memref_slice %arg8[%dma_wait3A_302, %dma_wait3A_303] : memref<40x256xi32, #tpu.memory_space<vmem>> -> memref<1x256xi32, #tpu.memory_space<vmem>>
      %dma_wait3A_305 = tpu.memref_squeeze %dma_wait3A_304 : memref<1x256xi32, #tpu.memory_space<vmem>> -> memref<256xi32, #tpu.memory_space<vmem>>
      %dma_wait3A_306 = arith.constant 0 : i32
      %dma_wait3A_307 = arith.constant 0 : i32
      %dma_wait3A_308 = tpu.memref_slice %arg17[%dma_wait3A_306, %dma_wait3A_307] : memref<10112x32xf32, #tpu.memory_space<vmem_shared>> -> memref<10112x32xf32, #tpu.memory_space<vmem_shared>>
      tpu.wait_indirect_dma semaphore(%arg32 : memref<!tpu.dma_semaphore, #tpu.memory_space<semaphore_mem>>) src(%arg14 : memref<256x32xf32, #tpu.memory_space<vmem>>) dst(%dma_wait3A_308 : memref<10112x32xf32, #tpu.memory_space<vmem_shared>>)
      %add3A_309 = arith.constant 8 : i32
      %add3A_310 = arith.addi %add3A_301, %add3A_309 : i32
      %lt3A_311 = arith.constant 40 : i32
      %lt3A_312 = arith.cmpi slt, %add3A_310, %lt3A_311 : i32
      %convert_element_type3A_313 = arith.extui %lt3A_312 : i1 to i32
      %cond3A_314 = arith.constant 0 : i32
      %cond3A_315 = arith.cmpi ne, %convert_element_type3A_313, %cond3A_314 : i32
      scf.if %cond3A_315 {
        %add3A_353 = arith.constant 8 : i32
        %add3A_354 = arith.addi %add3A_301, %add3A_353 : i32
        %dma_start3A_355 = arith.constant 0 : i32
        %dma_start3A_356 = tpu.memref_slice %arg7[%add3A_354, %dma_start3A_355] : memref<40x256xi32, #tpu.memory_space<vmem>> -> memref<1x256xi32, #tpu.memory_space<vmem>>
        %dma_start3A_357 = tpu.memref_squeeze %dma_start3A_356 : memref<1x256xi32, #tpu.memory_space<vmem>> -> memref<256xi32, #tpu.memory_space<vmem>>
        %dma_start3A_358 = arith.constant 0 : i32
        %dma_start3A_359 = arith.constant 0 : i32
        %dma_start3A_360 = tpu.memref_slice %arg18[%dma_start3A_358, %dma_start3A_359] : memref<10000x32xf32, #tpu.memory_space<vmem_shared>> -> memref<10000x32xf32, #tpu.memory_space<vmem_shared>>
        tpu.enqueue_indirect_dma source(%dma_start3A_360 : memref<10000x32xf32, #tpu.memory_space<vmem_shared>>) target(%arg14 : memref<256x32xf32, #tpu.memory_space<vmem>>) offsets(%dma_start3A_357 : memref<256xi32, #tpu.memory_space<vmem>>) semaphore(%arg24 : memref<!tpu.dma_semaphore, #tpu.memory_space<semaphore_mem>>)
      } else {
      }
      %mul3A_316 = arith.constant 8 : i32
      %mul3A_317 = arith.muli %scan3A_71, %mul3A_316 : i32
      %add3A_318 = arith.constant 6 : i32
      %add3A_319 = arith.addi %mul3A_317, %add3A_318 : i32
      %dma_wait3A_320 = arith.constant 0 : i32
      %dma_wait3A_321 = arith.constant 0 : i32
      %dma_wait3A_322 = tpu.memref_slice %arg8[%dma_wait3A_320, %dma_wait3A_321] : memref<40x256xi32, #tpu.memory_space<vmem>> -> memref<1x256xi32, #tpu.memory_space<vmem>>
      %dma_wait3A_323 = tpu.memref_squeeze %dma_wait3A_322 : memref<1x256xi32, #tpu.memory_space<vmem>> -> memref<256xi32, #tpu.memory_space<vmem>>
      %dma_wait3A_324 = arith.constant 0 : i32
      %dma_wait3A_325 = arith.constant 0 : i32
      %dma_wait3A_326 = tpu.memref_slice %arg17[%dma_wait3A_324, %dma_wait3A_325] : memref<10112x32xf32, #tpu.memory_space<vmem_shared>> -> memref<10112x32xf32, #tpu.memory_space<vmem_shared>>
      tpu.wait_indirect_dma semaphore(%arg33 : memref<!tpu.dma_semaphore, #tpu.memory_space<semaphore_mem>>) src(%arg15 : memref<256x32xf32, #tpu.memory_space<vmem>>) dst(%dma_wait3A_326 : memref<10112x32xf32, #tpu.memory_space<vmem_shared>>)
      %add3A_327 = arith.constant 8 : i32
      %add3A_328 = arith.addi %add3A_319, %add3A_327 : i32
      %lt3A_329 = arith.constant 40 : i32
      %lt3A_330 = arith.cmpi slt, %add3A_328, %lt3A_329 : i32
      %convert_element_type3A_331 = arith.extui %lt3A_330 : i1 to i32
      %cond3A_332 = arith.constant 0 : i32
      %cond3A_333 = arith.cmpi ne, %convert_element_type3A_331, %cond3A_332 : i32
      scf.if %cond3A_333 {
        %add3A_353 = arith.constant 8 : i32
        %add3A_354 = arith.addi %add3A_319, %add3A_353 : i32
        %dma_start3A_355 = arith.constant 0 : i32
        %dma_start3A_356 = tpu.memref_slice %arg7[%add3A_354, %dma_start3A_355] : memref<40x256xi32, #tpu.memory_space<vmem>> -> memref<1x256xi32, #tpu.memory_space<vmem>>
        %dma_start3A_357 = tpu.memref_squeeze %dma_start3A_356 : memref<1x256xi32, #tpu.memory_space<vmem>> -> memref<256xi32, #tpu.memory_space<vmem>>
        %dma_start3A_358 = arith.constant 0 : i32
        %dma_start3A_359 = arith.constant 0 : i32
        %dma_start3A_360 = tpu.memref_slice %arg18[%dma_start3A_358, %dma_start3A_359] : memref<10000x32xf32, #tpu.memory_space<vmem_shared>> -> memref<10000x32xf32, #tpu.memory_space<vmem_shared>>
        tpu.enqueue_indirect_dma source(%dma_start3A_360 : memref<10000x32xf32, #tpu.memory_space<vmem_shared>>) target(%arg15 : memref<256x32xf32, #tpu.memory_space<vmem>>) offsets(%dma_start3A_357 : memref<256xi32, #tpu.memory_space<vmem>>) semaphore(%arg25 : memref<!tpu.dma_semaphore, #tpu.memory_space<semaphore_mem>>)
      } else {
      }
      %mul3A_334 = arith.constant 8 : i32
      %mul3A_335 = arith.muli %scan3A_71, %mul3A_334 : i32
      %add3A_336 = arith.constant 7 : i32
      %add3A_337 = arith.addi %mul3A_335, %add3A_336 : i32
      %dma_wait3A_338 = arith.constant 0 : i32
      %dma_wait3A_339 = arith.constant 0 : i32
      %dma_wait3A_340 = tpu.memref_slice %arg8[%dma_wait3A_338, %dma_wait3A_339] : memref<40x256xi32, #tpu.memory_space<vmem>> -> memref<1x256xi32, #tpu.memory_space<vmem>>
      %dma_wait3A_341 = tpu.memref_squeeze %dma_wait3A_340 : memref<1x256xi32, #tpu.memory_space<vmem>> -> memref<256xi32, #tpu.memory_space<vmem>>
      %dma_wait3A_342 = arith.constant 0 : i32
      %dma_wait3A_343 = arith.constant 0 : i32
      %dma_wait3A_344 = tpu.memref_slice %arg17[%dma_wait3A_342, %dma_wait3A_343] : memref<10112x32xf32, #tpu.memory_space<vmem_shared>> -> memref<10112x32xf32, #tpu.memory_space<vmem_shared>>
      tpu.wait_indirect_dma semaphore(%arg34 : memref<!tpu.dma_semaphore, #tpu.memory_space<semaphore_mem>>) src(%arg16 : memref<256x32xf32, #tpu.memory_space<vmem>>) dst(%dma_wait3A_344 : memref<10112x32xf32, #tpu.memory_space<vmem_shared>>)
      %add3A_345 = arith.constant 8 : i32
      %add3A_346 = arith.addi %add3A_337, %add3A_345 : i32
      %lt3A_347 = arith.constant 40 : i32
      %lt3A_348 = arith.cmpi slt, %add3A_346, %lt3A_347 : i32
      %convert_element_type3A_349 = arith.extui %lt3A_348 : i1 to i32
      %cond3A_350 = arith.constant 0 : i32
      %cond3A_351 = arith.cmpi ne, %convert_element_type3A_349, %cond3A_350 : i32
      scf.if %cond3A_351 {
        %add3A_353 = arith.constant 8 : i32
        %add3A_354 = arith.addi %add3A_337, %add3A_353 : i32
        %dma_start3A_355 = arith.constant 0 : i32
        %dma_start3A_356 = tpu.memref_slice %arg7[%add3A_354, %dma_start3A_355] : memref<40x256xi32, #tpu.memory_space<vmem>> -> memref<1x256xi32, #tpu.memory_space<vmem>>
        %dma_start3A_357 = tpu.memref_squeeze %dma_start3A_356 : memref<1x256xi32, #tpu.memory_space<vmem>> -> memref<256xi32, #tpu.memory_space<vmem>>
        %dma_start3A_358 = arith.constant 0 : i32
        %dma_start3A_359 = arith.constant 0 : i32
        %dma_start3A_360 = tpu.memref_slice %arg18[%dma_start3A_358, %dma_start3A_359] : memref<10000x32xf32, #tpu.memory_space<vmem_shared>> -> memref<10000x32xf32, #tpu.memory_space<vmem_shared>>
        tpu.enqueue_indirect_dma source(%dma_start3A_360 : memref<10000x32xf32, #tpu.memory_space<vmem_shared>>) target(%arg16 : memref<256x32xf32, #tpu.memory_space<vmem>>) offsets(%dma_start3A_357 : memref<256xi32, #tpu.memory_space<vmem>>) semaphore(%arg26 : memref<!tpu.dma_semaphore, #tpu.memory_space<semaphore_mem>>)
      } else {
      }
      %scan3A_352 = arith.constant 0 : i32
      scf.yield %scan3A_352 : i32
    }
    %scan3A_69 = arith.constant 5 : i32
    %barrier3A_70 = arith.constant 0 : index
    tpu.barrier barrier_id(%barrier3A_70)
    "tpu.region"() ({
      %run_scoped3A = tpu.sem_alloc : memref<!tpu.dma_semaphore, #tpu.memory_space<semaphore_mem>>
      %dma_start3A_71 = arith.constant 0 : i32
      %dma_start3A_72 = tpu.memref_slice %arg6[%arg0, %mul3A_2, %dma_start3A_71] : memref<2x10112x32xf32, #tpu.memory_space<hbm>> -> memref<1x632x32xf32, #tpu.memory_space<hbm>>
      %dma_start3A_73 = tpu.memref_squeeze %dma_start3A_72 : memref<1x632x32xf32, #tpu.memory_space<hbm>> -> memref<632x32xf32, #tpu.memory_space<hbm>>
      %dma_start3A_74 = arith.constant 0 : i32
      %dma_start3A_75 = tpu.memref_slice %arg17[%mul3A_2, %dma_start3A_74] : memref<10112x32xf32, #tpu.memory_space<vmem_shared>> -> memref<632x32xf32, #tpu.memory_space<vmem_shared>>
      tpu.enqueue_dma source(%dma_start3A_75 : memref<632x32xf32, #tpu.memory_space<vmem_shared>>) target(%dma_start3A_73 : memref<632x32xf32, #tpu.memory_space<hbm>>) target_semaphore(%run_scoped3A : memref<!tpu.dma_semaphore, #tpu.memory_space<semaphore_mem>>)
      %dma_wait3A = arith.constant 0 : i32
      %dma_wait3A_76 = tpu.memref_slice %arg6[%arg0, %mul3A_2, %dma_wait3A] : memref<2x10112x32xf32, #tpu.memory_space<hbm>> -> memref<1x632x32xf32, #tpu.memory_space<hbm>>
      %dma_wait3A_77 = tpu.memref_squeeze %dma_wait3A_76 : memref<1x632x32xf32, #tpu.memory_space<hbm>> -> memref<632x32xf32, #tpu.memory_space<hbm>>
      %dma_wait3A_78 = arith.constant 0 : i32
      %dma_wait3A_79 = tpu.memref_slice %arg17[%mul3A_2, %dma_wait3A_78] : memref<10112x32xf32, #tpu.memory_space<vmem_shared>> -> memref<632x32xf32, #tpu.memory_space<vmem_shared>>
      tpu.wait_dma2 semaphore(%run_scoped3A : memref<!tpu.dma_semaphore, #tpu.memory_space<semaphore_mem>>) src(%dma_wait3A_79 : memref<632x32xf32, #tpu.memory_space<vmem_shared>>) dst(%dma_wait3A_77 : memref<632x32xf32, #tpu.memory_space<hbm>>)
      tpu.yield
    }) : () -> ()
    return
  }
}

#map = affine_map<(d0, d1) -> (0, 0)>
#map1 = affine_map<(d0, d1) -> (0, 0, 0)>
module attributes {stable_mosaic.version = 14 : i64} {
  func.func @_mp_kernel(%arg0: i32, %arg1: i32, %arg2: memref<10000x32xf32, #tpu.memory_space<hbm>>, %arg3: memref<32x40x256xi32, #tpu.memory_space<hbm>>, %arg4: memref<32x40x256xi32, #tpu.memory_space<hbm>>, %arg5: memref<10112x32xf32, #tpu.memory_space<hbm>>, %arg6: memref<2x10112x32xf32, #tpu.memory_space<hbm>>, %arg7: memref<40x256xi32, #tpu.memory_space<vmem>>, %arg8: memref<40x256xi32, #tpu.memory_space<vmem>>, %arg9: memref<256x32xf32, #tpu.memory_space<vmem>>, %arg10: memref<256x32xf32, #tpu.memory_space<vmem>>, %arg11: memref<256x32xf32, #tpu.memory_space<vmem>>, %arg12: memref<256x32xf32, #tpu.memory_space<vmem>>, %arg13: memref<256x32xf32, #tpu.memory_space<vmem>>, %arg14: memref<256x32xf32, #tpu.memory_space<vmem>>, %arg15: memref<256x32xf32, #tpu.memory_space<vmem>>, %arg16: memref<256x32xf32, #tpu.memory_space<vmem>>, %arg17: memref<10112x32xf32, #tpu.memory_space<vmem_shared>>, %arg18: memref<10000x32xf32, #tpu.memory_space<vmem_shared>>, %arg19: memref<!tpu.dma_semaphore, #tpu.memory_space<semaphore_mem>>, %arg20: memref<!tpu.dma_semaphore, #tpu.memory_space<semaphore_mem>>, %arg21: memref<!tpu.dma_semaphore, #tpu.memory_space<semaphore_mem>>, %arg22: memref<!tpu.dma_semaphore, #tpu.memory_space<semaphore_mem>>, %arg23: memref<!tpu.dma_semaphore, #tpu.memory_space<semaphore_mem>>, %arg24: memref<!tpu.dma_semaphore, #tpu.memory_space<semaphore_mem>>, %arg25: memref<!tpu.dma_semaphore, #tpu.memory_space<semaphore_mem>>, %arg26: memref<!tpu.dma_semaphore, #tpu.memory_space<semaphore_mem>>, %arg27: memref<!tpu.dma_semaphore, #tpu.memory_space<semaphore_mem>>, %arg28: memref<!tpu.dma_semaphore, #tpu.memory_space<semaphore_mem>>, %arg29: memref<!tpu.dma_semaphore, #tpu.memory_space<semaphore_mem>>, %arg30: memref<!tpu.dma_semaphore, #tpu.memory_space<semaphore_mem>>, %arg31: memref<!tpu.dma_semaphore, #tpu.memory_space<semaphore_mem>>, %arg32: memref<!tpu.dma_semaphore, #tpu.memory_space<semaphore_mem>>, %arg33: memref<!tpu.dma_semaphore, #tpu.memory_space<semaphore_mem>>, %arg34: memref<!tpu.dma_semaphore, #tpu.memory_space<semaphore_mem>>) attributes {dimension_semantics = [#tpu.dimension_semantics<core_parallel>, #tpu.dimension_semantics<subcore_parallel>], iteration_bounds = array<i64: 2, 16>, scalar_prefetch = 0 : i64, scratch_operands = 28 : i64, tpu.core_type = #tpu.core_type<sc_vector_subcore>, window_params = [{transform_indices = #map}, {transform_indices = #map1}, {transform_indices = #map1}, {transform_indices = #map}, {transform_indices = #map1}]} {
    %mul3A = arith.constant 2 : i32
    %mul3A_0 = arith.muli %arg1, %mul3A : i32
    %add3A = arith.addi %mul3A_0, %arg0 : i32
    %mul3A_1 = arith.constant 632 : i32
    %mul3A_2 = arith.muli %arg1, %mul3A_1 : i32
    "tpu.region"() ({
      %run_scoped3A = tpu.sem_alloc : memref<!tpu.dma_semaphore, #tpu.memory_space<semaphore_mem>>
      %dma_start3A_71 = arith.constant 0 : i32
      %dma_start3A_72 = tpu.memref_slice %arg17[%mul3A_2, %dma_start3A_71] : memref<10112x32xf32, #tpu.memory_space<vmem_shared>> -> memref<632x32xf32, #tpu.memory_space<vmem_shared>>
      %dma_start3A_73 = arith.constant 0 : i32
      %dma_start3A_74 = tpu.memref_slice %arg5[%mul3A_2, %dma_start3A_73] : memref<10112x32xf32, #tpu.memory_space<hbm>> -> memref<632x32xf32, #tpu.memory_space<hbm>>
      tpu.enqueue_dma source(%dma_start3A_74 : memref<632x32xf32, #tpu.memory_space<hbm>>) target(%dma_start3A_72 : memref<632x32xf32, #tpu.memory_space<vmem_shared>>) target_semaphore(%run_scoped3A : memref<!tpu.dma_semaphore, #tpu.memory_space<semaphore_mem>>)
      %dma_wait3A = arith.constant 0 : i32
      %dma_wait3A_75 = tpu.memref_slice %arg17[%mul3A_2, %dma_wait3A] : memref<10112x32xf32, #tpu.memory_space<vmem_shared>> -> memref<632x32xf32, #tpu.memory_space<vmem_shared>>
      %dma_wait3A_76 = arith.constant 0 : i32
      %dma_wait3A_77 = tpu.memref_slice %arg5[%mul3A_2, %dma_wait3A_76] : memref<10112x32xf32, #tpu.memory_space<hbm>> -> memref<632x32xf32, #tpu.memory_space<hbm>>
      tpu.wait_dma2 semaphore(%run_scoped3A : memref<!tpu.dma_semaphore, #tpu.memory_space<semaphore_mem>>) src(%dma_wait3A_77 : memref<632x32xf32, #tpu.memory_space<hbm>>) dst(%dma_wait3A_75 : memref<632x32xf32, #tpu.memory_space<vmem_shared>>)
      tpu.yield
    }) : () -> ()
    %lt3A = arith.constant 15 : i32
    %lt3A_3 = arith.cmpi slt, %arg1, %lt3A : i32
    %convert_element_type3A = arith.extui %lt3A_3 : i1 to i32
    %cond3A = arith.constant 0 : i32
    %cond3A_4 = arith.cmpi ne, %convert_element_type3A, %cond3A : i32
    scf.if %cond3A_4 {
      "tpu.region"() ({
        %run_scoped3A = tpu.sem_alloc : memref<!tpu.dma_semaphore, #tpu.memory_space<semaphore_mem>>
        %dma_start3A_71 = arith.constant 0 : i32
        %dma_start3A_72 = tpu.memref_slice %arg18[%mul3A_2, %dma_start3A_71] : memref<10000x32xf32, #tpu.memory_space<vmem_shared>> -> memref<632x32xf32, #tpu.memory_space<vmem_shared>>
        %dma_start3A_73 = arith.constant 0 : i32
        %dma_start3A_74 = tpu.memref_slice %arg2[%mul3A_2, %dma_start3A_73] : memref<10000x32xf32, #tpu.memory_space<hbm>> -> memref<632x32xf32, #tpu.memory_space<hbm>>
        tpu.enqueue_dma source(%dma_start3A_74 : memref<632x32xf32, #tpu.memory_space<hbm>>) target(%dma_start3A_72 : memref<632x32xf32, #tpu.memory_space<vmem_shared>>) target_semaphore(%run_scoped3A : memref<!tpu.dma_semaphore, #tpu.memory_space<semaphore_mem>>)
        %dma_wait3A = arith.constant 0 : i32
        %dma_wait3A_75 = tpu.memref_slice %arg18[%mul3A_2, %dma_wait3A] : memref<10000x32xf32, #tpu.memory_space<vmem_shared>> -> memref<632x32xf32, #tpu.memory_space<vmem_shared>>
        %dma_wait3A_76 = arith.constant 0 : i32
        %dma_wait3A_77 = tpu.memref_slice %arg2[%mul3A_2, %dma_wait3A_76] : memref<10000x32xf32, #tpu.memory_space<hbm>> -> memref<632x32xf32, #tpu.memory_space<hbm>>
        tpu.wait_dma2 semaphore(%run_scoped3A : memref<!tpu.dma_semaphore, #tpu.memory_space<semaphore_mem>>) src(%dma_wait3A_77 : memref<632x32xf32, #tpu.memory_space<hbm>>) dst(%dma_wait3A_75 : memref<632x32xf32, #tpu.memory_space<vmem_shared>>)
        tpu.yield
      }) : () -> ()
    } else {
    }
    %eq3A = arith.constant 15 : i32
    %eq3A_5 = arith.cmpi eq, %arg1, %eq3A : i32
    %convert_element_type3A_6 = arith.extui %eq3A_5 : i1 to i32
    %cond3A_7 = arith.constant 0 : i32
    %cond3A_8 = arith.cmpi ne, %convert_element_type3A_6, %cond3A_7 : i32
    scf.if %cond3A_8 {
      "tpu.region"() ({
        %run_scoped3A = tpu.sem_alloc : memref<!tpu.dma_semaphore, #tpu.memory_space<semaphore_mem>>
        %dma_start3A_71 = arith.constant 9480 : i32
        %dma_start3A_72 = arith.constant 0 : i32
        %dma_start3A_73 = tpu.memref_slice %arg18[%dma_start3A_71, %dma_start3A_72] : memref<10000x32xf32, #tpu.memory_space<vmem_shared>> -> memref<520x32xf32, #tpu.memory_space<vmem_shared>>
        %dma_start3A_74 = arith.constant 9480 : i32
        %dma_start3A_75 = arith.constant 0 : i32
        %dma_start3A_76 = tpu.memref_slice %arg2[%dma_start3A_74, %dma_start3A_75] : memref<10000x32xf32, #tpu.memory_space<hbm>> -> memref<520x32xf32, #tpu.memory_space<hbm>>
        tpu.enqueue_dma source(%dma_start3A_76 : memref<520x32xf32, #tpu.memory_space<hbm>>) target(%dma_start3A_73 : memref<520x32xf32, #tpu.memory_space<vmem_shared>>) target_semaphore(%run_scoped3A : memref<!tpu.dma_semaphore, #tpu.memory_space<semaphore_mem>>)
        %dma_wait3A = arith.constant 9480 : i32
        %dma_wait3A_77 = arith.constant 0 : i32
        %dma_wait3A_78 = tpu.memref_slice %arg18[%dma_wait3A, %dma_wait3A_77] : memref<10000x32xf32, #tpu.memory_space<vmem_shared>> -> memref<520x32xf32, #tpu.memory_space<vmem_shared>>
        %dma_wait3A_79 = arith.constant 9480 : i32
        %dma_wait3A_80 = arith.constant 0 : i32
        %dma_wait3A_81 = tpu.memref_slice %arg2[%dma_wait3A_79, %dma_wait3A_80] : memref<10000x32xf32, #tpu.memory_space<hbm>> -> memref<520x32xf32, #tpu.memory_space<hbm>>
        tpu.wait_dma2 semaphore(%run_scoped3A : memref<!tpu.dma_semaphore, #tpu.memory_space<semaphore_mem>>) src(%dma_wait3A_81 : memref<520x32xf32, #tpu.memory_space<hbm>>) dst(%dma_wait3A_78 : memref<520x32xf32, #tpu.memory_space<vmem_shared>>)
        tpu.yield
      }) : () -> ()
    } else {
    }
    "tpu.region"() ({
      %run_scoped3A = tpu.sem_alloc : memref<!tpu.dma_semaphore, #tpu.memory_space<semaphore_mem>>
      %dma_start3A_71 = arith.constant 0 : i32
      %dma_start3A_72 = arith.constant 0 : i32
      %dma_start3A_73 = tpu.memref_slice %arg3[%add3A, %dma_start3A_71, %dma_start3A_72] : memref<32x40x256xi32, #tpu.memory_space<hbm>> -> memref<1x40x256xi32, #tpu.memory_space<hbm>>
      %dma_start3A_74 = tpu.memref_squeeze %dma_start3A_73 : memref<1x40x256xi32, #tpu.memory_space<hbm>> -> memref<40x256xi32, #tpu.memory_space<hbm>>
      %dma_start3A_75 = arith.constant 0 : i32
      %dma_start3A_76 = arith.constant 0 : i32
      %dma_start3A_77 = tpu.memref_slice %arg3[%add3A, %dma_start3A_75, %dma_start3A_76] : memref<32x40x256xi32, #tpu.memory_space<hbm>> -> memref<1x40x256xi32, #tpu.memory_space<hbm>>
      %dma_start3A_78 = tpu.memref_squeeze %dma_start3A_77 : memref<1x40x256xi32, #tpu.memory_space<hbm>> -> memref<40x256xi32, #tpu.memory_space<hbm>>
      tpu.enqueue_dma source(%dma_start3A_78 : memref<40x256xi32, #tpu.memory_space<hbm>>) target(%arg7 : memref<40x256xi32, #tpu.memory_space<vmem>>) target_semaphore(%run_scoped3A : memref<!tpu.dma_semaphore, #tpu.memory_space<semaphore_mem>>)
      %dma_wait3A = arith.constant 0 : i32
      %dma_wait3A_79 = arith.constant 0 : i32
      %dma_wait3A_80 = tpu.memref_slice %arg3[%add3A, %dma_wait3A, %dma_wait3A_79] : memref<32x40x256xi32, #tpu.memory_space<hbm>> -> memref<1x40x256xi32, #tpu.memory_space<hbm>>
      %dma_wait3A_81 = tpu.memref_squeeze %dma_wait3A_80 : memref<1x40x256xi32, #tpu.memory_space<hbm>> -> memref<40x256xi32, #tpu.memory_space<hbm>>
      %dma_wait3A_82 = arith.constant 0 : i32
      %dma_wait3A_83 = arith.constant 0 : i32
      %dma_wait3A_84 = tpu.memref_slice %arg3[%add3A, %dma_wait3A_82, %dma_wait3A_83] : memref<32x40x256xi32, #tpu.memory_space<hbm>> -> memref<1x40x256xi32, #tpu.memory_space<hbm>>
      %dma_wait3A_85 = tpu.memref_squeeze %dma_wait3A_84 : memref<1x40x256xi32, #tpu.memory_space<hbm>> -> memref<40x256xi32, #tpu.memory_space<hbm>>
      tpu.wait_dma2 semaphore(%run_scoped3A : memref<!tpu.dma_semaphore, #tpu.memory_space<semaphore_mem>>) src(%dma_wait3A_85 : memref<40x256xi32, #tpu.memory_space<hbm>>) dst(%arg7 : memref<40x256xi32, #tpu.memory_space<vmem>>)
      tpu.yield
    }) : () -> ()
    "tpu.region"() ({
      %run_scoped3A = tpu.sem_alloc : memref<!tpu.dma_semaphore, #tpu.memory_space<semaphore_mem>>
      %dma_start3A_71 = arith.constant 0 : i32
      %dma_start3A_72 = arith.constant 0 : i32
      %dma_start3A_73 = tpu.memref_slice %arg4[%add3A, %dma_start3A_71, %dma_start3A_72] : memref<32x40x256xi32, #tpu.memory_space<hbm>> -> memref<1x40x256xi32, #tpu.memory_space<hbm>>
      %dma_start3A_74 = tpu.memref_squeeze %dma_start3A_73 : memref<1x40x256xi32, #tpu.memory_space<hbm>> -> memref<40x256xi32, #tpu.memory_space<hbm>>
      %dma_start3A_75 = arith.constant 0 : i32
      %dma_start3A_76 = arith.constant 0 : i32
      %dma_start3A_77 = tpu.memref_slice %arg4[%add3A, %dma_start3A_75, %dma_start3A_76] : memref<32x40x256xi32, #tpu.memory_space<hbm>> -> memref<1x40x256xi32, #tpu.memory_space<hbm>>
      %dma_start3A_78 = tpu.memref_squeeze %dma_start3A_77 : memref<1x40x256xi32, #tpu.memory_space<hbm>> -> memref<40x256xi32, #tpu.memory_space<hbm>>
      tpu.enqueue_dma source(%dma_start3A_78 : memref<40x256xi32, #tpu.memory_space<hbm>>) target(%arg8 : memref<40x256xi32, #tpu.memory_space<vmem>>) target_semaphore(%run_scoped3A : memref<!tpu.dma_semaphore, #tpu.memory_space<semaphore_mem>>)
      %dma_wait3A = arith.constant 0 : i32
      %dma_wait3A_79 = arith.constant 0 : i32
      %dma_wait3A_80 = tpu.memref_slice %arg4[%add3A, %dma_wait3A, %dma_wait3A_79] : memref<32x40x256xi32, #tpu.memory_space<hbm>> -> memref<1x40x256xi32, #tpu.memory_space<hbm>>
      %dma_wait3A_81 = tpu.memref_squeeze %dma_wait3A_80 : memref<1x40x256xi32, #tpu.memory_space<hbm>> -> memref<40x256xi32, #tpu.memory_space<hbm>>
      %dma_wait3A_82 = arith.constant 0 : i32
      %dma_wait3A_83 = arith.constant 0 : i32
      %dma_wait3A_84 = tpu.memref_slice %arg4[%add3A, %dma_wait3A_82, %dma_wait3A_83] : memref<32x40x256xi32, #tpu.memory_space<hbm>> -> memref<1x40x256xi32, #tpu.memory_space<hbm>>
      %dma_wait3A_85 = tpu.memref_squeeze %dma_wait3A_84 : memref<1x40x256xi32, #tpu.memory_space<hbm>> -> memref<40x256xi32, #tpu.memory_space<hbm>>
      tpu.wait_dma2 semaphore(%run_scoped3A : memref<!tpu.dma_semaphore, #tpu.memory_space<semaphore_mem>>) src(%dma_wait3A_85 : memref<40x256xi32, #tpu.memory_space<hbm>>) dst(%arg8 : memref<40x256xi32, #tpu.memory_space<vmem>>)
      tpu.yield
    }) : () -> ()
    %barrier3A = arith.constant 0 : index
    tpu.barrier barrier_id(%barrier3A)
    %dma_start3A = arith.constant 0 : i32
    %dma_start3A_9 = arith.constant 0 : i32
    %dma_start3A_10 = tpu.memref_slice %arg7[%dma_start3A, %dma_start3A_9] : memref<40x256xi32, #tpu.memory_space<vmem>> -> memref<1x256xi32, #tpu.memory_space<vmem>>
    %dma_start3A_11 = tpu.memref_squeeze %dma_start3A_10 : memref<1x256xi32, #tpu.memory_space<vmem>> -> memref<256xi32, #tpu.memory_space<vmem>>
    %dma_start3A_12 = arith.constant 0 : i32
    %dma_start3A_13 = arith.constant 0 : i32
    %dma_start3A_14 = tpu.memref_slice %arg18[%dma_start3A_12, %dma_start3A_13] : memref<10000x32xf32, #tpu.memory_space<vmem_shared>> -> memref<10000x32xf32, #tpu.memory_space<vmem_shared>>
    tpu.enqueue_indirect_dma source(%dma_start3A_14 : memref<10000x32xf32, #tpu.memory_space<vmem_shared>>) target(%arg9 : memref<256x32xf32, #tpu.memory_space<vmem>>) offsets(%dma_start3A_11 : memref<256xi32, #tpu.memory_space<vmem>>) semaphore(%arg19 : memref<!tpu.dma_semaphore, #tpu.memory_space<semaphore_mem>>)
    %dma_start3A_15 = arith.constant 1 : i32
    %dma_start3A_16 = arith.constant 0 : i32
    %dma_start3A_17 = tpu.memref_slice %arg7[%dma_start3A_15, %dma_start3A_16] : memref<40x256xi32, #tpu.memory_space<vmem>> -> memref<1x256xi32, #tpu.memory_space<vmem>>
    %dma_start3A_18 = tpu.memref_squeeze %dma_start3A_17 : memref<1x256xi32, #tpu.memory_space<vmem>> -> memref<256xi32, #tpu.memory_space<vmem>>
    %dma_start3A_19 = arith.constant 0 : i32
    %dma_start3A_20 = arith.constant 0 : i32
    %dma_start3A_21 = tpu.memref_slice %arg18[%dma_start3A_19, %dma_start3A_20] : memref<10000x32xf32, #tpu.memory_space<vmem_shared>> -> memref<10000x32xf32, #tpu.memory_space<vmem_shared>>
    tpu.enqueue_indirect_dma source(%dma_start3A_21 : memref<10000x32xf32, #tpu.memory_space<vmem_shared>>) target(%arg10 : memref<256x32xf32, #tpu.memory_space<vmem>>) offsets(%dma_start3A_18 : memref<256xi32, #tpu.memory_space<vmem>>) semaphore(%arg20 : memref<!tpu.dma_semaphore, #tpu.memory_space<semaphore_mem>>)
    %dma_start3A_22 = arith.constant 2 : i32
    %dma_start3A_23 = arith.constant 0 : i32
    %dma_start3A_24 = tpu.memref_slice %arg7[%dma_start3A_22, %dma_start3A_23] : memref<40x256xi32, #tpu.memory_space<vmem>> -> memref<1x256xi32, #tpu.memory_space<vmem>>
    %dma_start3A_25 = tpu.memref_squeeze %dma_start3A_24 : memref<1x256xi32, #tpu.memory_space<vmem>> -> memref<256xi32, #tpu.memory_space<vmem>>
    %dma_start3A_26 = arith.constant 0 : i32
    %dma_start3A_27 = arith.constant 0 : i32
    %dma_start3A_28 = tpu.memref_slice %arg18[%dma_start3A_26, %dma_start3A_27] : memref<10000x32xf32, #tpu.memory_space<vmem_shared>> -> memref<10000x32xf32, #tpu.memory_space<vmem_shared>>
    tpu.enqueue_indirect_dma source(%dma_start3A_28 : memref<10000x32xf32, #tpu.memory_space<vmem_shared>>) target(%arg11 : memref<256x32xf32, #tpu.memory_space<vmem>>) offsets(%dma_start3A_25 : memref<256xi32, #tpu.memory_space<vmem>>) semaphore(%arg21 : memref<!tpu.dma_semaphore, #tpu.memory_space<semaphore_mem>>)
    %dma_start3A_29 = arith.constant 3 : i32
    %dma_start3A_30 = arith.constant 0 : i32
    %dma_start3A_31 = tpu.memref_slice %arg7[%dma_start3A_29, %dma_start3A_30] : memref<40x256xi32, #tpu.memory_space<vmem>> -> memref<1x256xi32, #tpu.memory_space<vmem>>
    %dma_start3A_32 = tpu.memref_squeeze %dma_start3A_31 : memref<1x256xi32, #tpu.memory_space<vmem>> -> memref<256xi32, #tpu.memory_space<vmem>>
    %dma_start3A_33 = arith.constant 0 : i32
    %dma_start3A_34 = arith.constant 0 : i32
    %dma_start3A_35 = tpu.memref_slice %arg18[%dma_start3A_33, %dma_start3A_34] : memref<10000x32xf32, #tpu.memory_space<vmem_shared>> -> memref<10000x32xf32, #tpu.memory_space<vmem_shared>>
    tpu.enqueue_indirect_dma source(%dma_start3A_35 : memref<10000x32xf32, #tpu.memory_space<vmem_shared>>) target(%arg12 : memref<256x32xf32, #tpu.memory_space<vmem>>) offsets(%dma_start3A_32 : memref<256xi32, #tpu.memory_space<vmem>>) semaphore(%arg22 : memref<!tpu.dma_semaphore, #tpu.memory_space<semaphore_mem>>)
    %dma_start3A_36 = arith.constant 4 : i32
    %dma_start3A_37 = arith.constant 0 : i32
    %dma_start3A_38 = tpu.memref_slice %arg7[%dma_start3A_36, %dma_start3A_37] : memref<40x256xi32, #tpu.memory_space<vmem>> -> memref<1x256xi32, #tpu.memory_space<vmem>>
    %dma_start3A_39 = tpu.memref_squeeze %dma_start3A_38 : memref<1x256xi32, #tpu.memory_space<vmem>> -> memref<256xi32, #tpu.memory_space<vmem>>
    %dma_start3A_40 = arith.constant 0 : i32
    %dma_start3A_41 = arith.constant 0 : i32
    %dma_start3A_42 = tpu.memref_slice %arg18[%dma_start3A_40, %dma_start3A_41] : memref<10000x32xf32, #tpu.memory_space<vmem_shared>> -> memref<10000x32xf32, #tpu.memory_space<vmem_shared>>
    tpu.enqueue_indirect_dma source(%dma_start3A_42 : memref<10000x32xf32, #tpu.memory_space<vmem_shared>>) target(%arg13 : memref<256x32xf32, #tpu.memory_space<vmem>>) offsets(%dma_start3A_39 : memref<256xi32, #tpu.memory_space<vmem>>) semaphore(%arg23 : memref<!tpu.dma_semaphore, #tpu.memory_space<semaphore_mem>>)
    %dma_start3A_43 = arith.constant 5 : i32
    %dma_start3A_44 = arith.constant 0 : i32
    %dma_start3A_45 = tpu.memref_slice %arg7[%dma_start3A_43, %dma_start3A_44] : memref<40x256xi32, #tpu.memory_space<vmem>> -> memref<1x256xi32, #tpu.memory_space<vmem>>
    %dma_start3A_46 = tpu.memref_squeeze %dma_start3A_45 : memref<1x256xi32, #tpu.memory_space<vmem>> -> memref<256xi32, #tpu.memory_space<vmem>>
    %dma_start3A_47 = arith.constant 0 : i32
    %dma_start3A_48 = arith.constant 0 : i32
    %dma_start3A_49 = tpu.memref_slice %arg18[%dma_start3A_47, %dma_start3A_48] : memref<10000x32xf32, #tpu.memory_space<vmem_shared>> -> memref<10000x32xf32, #tpu.memory_space<vmem_shared>>
    tpu.enqueue_indirect_dma source(%dma_start3A_49 : memref<10000x32xf32, #tpu.memory_space<vmem_shared>>) target(%arg14 : memref<256x32xf32, #tpu.memory_space<vmem>>) offsets(%dma_start3A_46 : memref<256xi32, #tpu.memory_space<vmem>>) semaphore(%arg24 : memref<!tpu.dma_semaphore, #tpu.memory_space<semaphore_mem>>)
    %dma_start3A_50 = arith.constant 6 : i32
    %dma_start3A_51 = arith.constant 0 : i32
    %dma_start3A_52 = tpu.memref_slice %arg7[%dma_start3A_50, %dma_start3A_51] : memref<40x256xi32, #tpu.memory_space<vmem>> -> memref<1x256xi32, #tpu.memory_space<vmem>>
    %dma_start3A_53 = tpu.memref_squeeze %dma_start3A_52 : memref<1x256xi32, #tpu.memory_space<vmem>> -> memref<256xi32, #tpu.memory_space<vmem>>
    %dma_start3A_54 = arith.constant 0 : i32
    %dma_start3A_55 = arith.constant 0 : i32
    %dma_start3A_56 = tpu.memref_slice %arg18[%dma_start3A_54, %dma_start3A_55] : memref<10000x32xf32, #tpu.memory_space<vmem_shared>> -> memref<10000x32xf32, #tpu.memory_space<vmem_shared>>
    tpu.enqueue_indirect_dma source(%dma_start3A_56 : memref<10000x32xf32, #tpu.memory_space<vmem_shared>>) target(%arg15 : memref<256x32xf32, #tpu.memory_space<vmem>>) offsets(%dma_start3A_53 : memref<256xi32, #tpu.memory_space<vmem>>) semaphore(%arg25 : memref<!tpu.dma_semaphore, #tpu.memory_space<semaphore_mem>>)
    %dma_start3A_57 = arith.constant 7 : i32
    %dma_start3A_58 = arith.constant 0 : i32
    %dma_start3A_59 = tpu.memref_slice %arg7[%dma_start3A_57, %dma_start3A_58] : memref<40x256xi32, #tpu.memory_space<vmem>> -> memref<1x256xi32, #tpu.memory_space<vmem>>
    %dma_start3A_60 = tpu.memref_squeeze %dma_start3A_59 : memref<1x256xi32, #tpu.memory_space<vmem>> -> memref<256xi32, #tpu.memory_space<vmem>>
    %dma_start3A_61 = arith.constant 0 : i32
    %dma_start3A_62 = arith.constant 0 : i32
    %dma_start3A_63 = tpu.memref_slice %arg18[%dma_start3A_61, %dma_start3A_62] : memref<10000x32xf32, #tpu.memory_space<vmem_shared>> -> memref<10000x32xf32, #tpu.memory_space<vmem_shared>>
    tpu.enqueue_indirect_dma source(%dma_start3A_63 : memref<10000x32xf32, #tpu.memory_space<vmem_shared>>) target(%arg16 : memref<256x32xf32, #tpu.memory_space<vmem>>) offsets(%dma_start3A_60 : memref<256xi32, #tpu.memory_space<vmem>>) semaphore(%arg26 : memref<!tpu.dma_semaphore, #tpu.memory_space<semaphore_mem>>)
    %scan3A = arith.constant 0 : i32
    %scan3A_64 = arith.constant 0 : i32
    %scan3A_65 = arith.constant 5 : i32
    %scan3A_66 = arith.addi %scan3A_64, %scan3A_65 : i32
    %scan3A_67 = arith.constant 1 : i32
    %scan3A_68 = scf.for %scan3A_71 = %scan3A_64 to %scan3A_66 step %scan3A_67 iter_args(%scan3A_72 = %scan3A) -> (i32)  : i32 {
      %mul3A_73 = arith.constant 8 : i32
      %mul3A_74 = arith.muli %scan3A_71, %mul3A_73 : i32
      %add3A_75 = arith.constant 0 : i32
      %add3A_76 = arith.addi %mul3A_74, %add3A_75 : i32
      %dma_wait3A = arith.constant 0 : i32
      %dma_wait3A_77 = arith.constant 0 : i32
      %dma_wait3A_78 = tpu.memref_slice %arg7[%dma_wait3A, %dma_wait3A_77] : memref<40x256xi32, #tpu.memory_space<vmem>> -> memref<1x256xi32, #tpu.memory_space<vmem>>
      %dma_wait3A_79 = tpu.memref_squeeze %dma_wait3A_78 : memref<1x256xi32, #tpu.memory_space<vmem>> -> memref<256xi32, #tpu.memory_space<vmem>>
      %dma_wait3A_80 = arith.constant 0 : i32
      %dma_wait3A_81 = arith.constant 0 : i32
      %dma_wait3A_82 = tpu.memref_slice %arg18[%dma_wait3A_80, %dma_wait3A_81] : memref<10000x32xf32, #tpu.memory_space<vmem_shared>> -> memref<10000x32xf32, #tpu.memory_space<vmem_shared>>
      tpu.wait_indirect_dma semaphore(%arg19 : memref<!tpu.dma_semaphore, #tpu.memory_space<semaphore_mem>>) src(%dma_wait3A_82 : memref<10000x32xf32, #tpu.memory_space<vmem_shared>>) dst(%arg9 : memref<256x32xf32, #tpu.memory_space<vmem>>)
      %dma_start3A_83 = arith.constant 0 : i32
      %dma_start3A_84 = tpu.memref_slice %arg8[%add3A_76, %dma_start3A_83] : memref<40x256xi32, #tpu.memory_space<vmem>> -> memref<1x256xi32, #tpu.memory_space<vmem>>
      %dma_start3A_85 = tpu.memref_squeeze %dma_start3A_84 : memref<1x256xi32, #tpu.memory_space<vmem>> -> memref<256xi32, #tpu.memory_space<vmem>>
      %dma_start3A_86 = arith.constant 0 : i32
      %dma_start3A_87 = arith.constant 0 : i32
      %dma_start3A_88 = tpu.memref_slice %arg17[%dma_start3A_86, %dma_start3A_87] : memref<10112x32xf32, #tpu.memory_space<vmem_shared>> -> memref<10112x32xf32, #tpu.memory_space<vmem_shared>>
      tpu.enqueue_indirect_dma source(%arg9 : memref<256x32xf32, #tpu.memory_space<vmem>>) target(%dma_start3A_88 : memref<10112x32xf32, #tpu.memory_space<vmem_shared>>) offsets(%dma_start3A_85 : memref<256xi32, #tpu.memory_space<vmem>>) semaphore(%arg27 : memref<!tpu.dma_semaphore, #tpu.memory_space<semaphore_mem>>) {add = true}
      %mul3A_89 = arith.constant 8 : i32
      %mul3A_90 = arith.muli %scan3A_71, %mul3A_89 : i32
      %add3A_91 = arith.constant 1 : i32
      %add3A_92 = arith.addi %mul3A_90, %add3A_91 : i32
      %dma_wait3A_93 = arith.constant 0 : i32
      %dma_wait3A_94 = arith.constant 0 : i32
      %dma_wait3A_95 = tpu.memref_slice %arg7[%dma_wait3A_93, %dma_wait3A_94] : memref<40x256xi32, #tpu.memory_space<vmem>> -> memref<1x256xi32, #tpu.memory_space<vmem>>
      %dma_wait3A_96 = tpu.memref_squeeze %dma_wait3A_95 : memref<1x256xi32, #tpu.memory_space<vmem>> -> memref<256xi32, #tpu.memory_space<vmem>>
      %dma_wait3A_97 = arith.constant 0 : i32
      %dma_wait3A_98 = arith.constant 0 : i32
      %dma_wait3A_99 = tpu.memref_slice %arg18[%dma_wait3A_97, %dma_wait3A_98] : memref<10000x32xf32, #tpu.memory_space<vmem_shared>> -> memref<10000x32xf32, #tpu.memory_space<vmem_shared>>
      tpu.wait_indirect_dma semaphore(%arg20 : memref<!tpu.dma_semaphore, #tpu.memory_space<semaphore_mem>>) src(%dma_wait3A_99 : memref<10000x32xf32, #tpu.memory_space<vmem_shared>>) dst(%arg10 : memref<256x32xf32, #tpu.memory_space<vmem>>)
      %dma_start3A_100 = arith.constant 0 : i32
      %dma_start3A_101 = tpu.memref_slice %arg8[%add3A_92, %dma_start3A_100] : memref<40x256xi32, #tpu.memory_space<vmem>> -> memref<1x256xi32, #tpu.memory_space<vmem>>
      %dma_start3A_102 = tpu.memref_squeeze %dma_start3A_101 : memref<1x256xi32, #tpu.memory_space<vmem>> -> memref<256xi32, #tpu.memory_space<vmem>>
      %dma_start3A_103 = arith.constant 0 : i32
      %dma_start3A_104 = arith.constant 0 : i32
      %dma_start3A_105 = tpu.memref_slice %arg17[%dma_start3A_103, %dma_start3A_104] : memref<10112x32xf32, #tpu.memory_space<vmem_shared>> -> memref<10112x32xf32, #tpu.memory_space<vmem_shared>>
      tpu.enqueue_indirect_dma source(%arg10 : memref<256x32xf32, #tpu.memory_space<vmem>>) target(%dma_start3A_105 : memref<10112x32xf32, #tpu.memory_space<vmem_shared>>) offsets(%dma_start3A_102 : memref<256xi32, #tpu.memory_space<vmem>>) semaphore(%arg28 : memref<!tpu.dma_semaphore, #tpu.memory_space<semaphore_mem>>) {add = true}
      %mul3A_106 = arith.constant 8 : i32
      %mul3A_107 = arith.muli %scan3A_71, %mul3A_106 : i32
      %add3A_108 = arith.constant 2 : i32
      %add3A_109 = arith.addi %mul3A_107, %add3A_108 : i32
      %dma_wait3A_110 = arith.constant 0 : i32
      %dma_wait3A_111 = arith.constant 0 : i32
      %dma_wait3A_112 = tpu.memref_slice %arg7[%dma_wait3A_110, %dma_wait3A_111] : memref<40x256xi32, #tpu.memory_space<vmem>> -> memref<1x256xi32, #tpu.memory_space<vmem>>
      %dma_wait3A_113 = tpu.memref_squeeze %dma_wait3A_112 : memref<1x256xi32, #tpu.memory_space<vmem>> -> memref<256xi32, #tpu.memory_space<vmem>>
      %dma_wait3A_114 = arith.constant 0 : i32
      %dma_wait3A_115 = arith.constant 0 : i32
      %dma_wait3A_116 = tpu.memref_slice %arg18[%dma_wait3A_114, %dma_wait3A_115] : memref<10000x32xf32, #tpu.memory_space<vmem_shared>> -> memref<10000x32xf32, #tpu.memory_space<vmem_shared>>
      tpu.wait_indirect_dma semaphore(%arg21 : memref<!tpu.dma_semaphore, #tpu.memory_space<semaphore_mem>>) src(%dma_wait3A_116 : memref<10000x32xf32, #tpu.memory_space<vmem_shared>>) dst(%arg11 : memref<256x32xf32, #tpu.memory_space<vmem>>)
      %dma_start3A_117 = arith.constant 0 : i32
      %dma_start3A_118 = tpu.memref_slice %arg8[%add3A_109, %dma_start3A_117] : memref<40x256xi32, #tpu.memory_space<vmem>> -> memref<1x256xi32, #tpu.memory_space<vmem>>
      %dma_start3A_119 = tpu.memref_squeeze %dma_start3A_118 : memref<1x256xi32, #tpu.memory_space<vmem>> -> memref<256xi32, #tpu.memory_space<vmem>>
      %dma_start3A_120 = arith.constant 0 : i32
      %dma_start3A_121 = arith.constant 0 : i32
      %dma_start3A_122 = tpu.memref_slice %arg17[%dma_start3A_120, %dma_start3A_121] : memref<10112x32xf32, #tpu.memory_space<vmem_shared>> -> memref<10112x32xf32, #tpu.memory_space<vmem_shared>>
      tpu.enqueue_indirect_dma source(%arg11 : memref<256x32xf32, #tpu.memory_space<vmem>>) target(%dma_start3A_122 : memref<10112x32xf32, #tpu.memory_space<vmem_shared>>) offsets(%dma_start3A_119 : memref<256xi32, #tpu.memory_space<vmem>>) semaphore(%arg29 : memref<!tpu.dma_semaphore, #tpu.memory_space<semaphore_mem>>) {add = true}
      %mul3A_123 = arith.constant 8 : i32
      %mul3A_124 = arith.muli %scan3A_71, %mul3A_123 : i32
      %add3A_125 = arith.constant 3 : i32
      %add3A_126 = arith.addi %mul3A_124, %add3A_125 : i32
      %dma_wait3A_127 = arith.constant 0 : i32
      %dma_wait3A_128 = arith.constant 0 : i32
      %dma_wait3A_129 = tpu.memref_slice %arg7[%dma_wait3A_127, %dma_wait3A_128] : memref<40x256xi32, #tpu.memory_space<vmem>> -> memref<1x256xi32, #tpu.memory_space<vmem>>
      %dma_wait3A_130 = tpu.memref_squeeze %dma_wait3A_129 : memref<1x256xi32, #tpu.memory_space<vmem>> -> memref<256xi32, #tpu.memory_space<vmem>>
      %dma_wait3A_131 = arith.constant 0 : i32
      %dma_wait3A_132 = arith.constant 0 : i32
      %dma_wait3A_133 = tpu.memref_slice %arg18[%dma_wait3A_131, %dma_wait3A_132] : memref<10000x32xf32, #tpu.memory_space<vmem_shared>> -> memref<10000x32xf32, #tpu.memory_space<vmem_shared>>
      tpu.wait_indirect_dma semaphore(%arg22 : memref<!tpu.dma_semaphore, #tpu.memory_space<semaphore_mem>>) src(%dma_wait3A_133 : memref<10000x32xf32, #tpu.memory_space<vmem_shared>>) dst(%arg12 : memref<256x32xf32, #tpu.memory_space<vmem>>)
      %dma_start3A_134 = arith.constant 0 : i32
      %dma_start3A_135 = tpu.memref_slice %arg8[%add3A_126, %dma_start3A_134] : memref<40x256xi32, #tpu.memory_space<vmem>> -> memref<1x256xi32, #tpu.memory_space<vmem>>
      %dma_start3A_136 = tpu.memref_squeeze %dma_start3A_135 : memref<1x256xi32, #tpu.memory_space<vmem>> -> memref<256xi32, #tpu.memory_space<vmem>>
      %dma_start3A_137 = arith.constant 0 : i32
      %dma_start3A_138 = arith.constant 0 : i32
      %dma_start3A_139 = tpu.memref_slice %arg17[%dma_start3A_137, %dma_start3A_138] : memref<10112x32xf32, #tpu.memory_space<vmem_shared>> -> memref<10112x32xf32, #tpu.memory_space<vmem_shared>>
      tpu.enqueue_indirect_dma source(%arg12 : memref<256x32xf32, #tpu.memory_space<vmem>>) target(%dma_start3A_139 : memref<10112x32xf32, #tpu.memory_space<vmem_shared>>) offsets(%dma_start3A_136 : memref<256xi32, #tpu.memory_space<vmem>>) semaphore(%arg30 : memref<!tpu.dma_semaphore, #tpu.memory_space<semaphore_mem>>) {add = true}
      %mul3A_140 = arith.constant 8 : i32
      %mul3A_141 = arith.muli %scan3A_71, %mul3A_140 : i32
      %add3A_142 = arith.constant 4 : i32
      %add3A_143 = arith.addi %mul3A_141, %add3A_142 : i32
      %dma_wait3A_144 = arith.constant 0 : i32
      %dma_wait3A_145 = arith.constant 0 : i32
      %dma_wait3A_146 = tpu.memref_slice %arg7[%dma_wait3A_144, %dma_wait3A_145] : memref<40x256xi32, #tpu.memory_space<vmem>> -> memref<1x256xi32, #tpu.memory_space<vmem>>
      %dma_wait3A_147 = tpu.memref_squeeze %dma_wait3A_146 : memref<1x256xi32, #tpu.memory_space<vmem>> -> memref<256xi32, #tpu.memory_space<vmem>>
      %dma_wait3A_148 = arith.constant 0 : i32
      %dma_wait3A_149 = arith.constant 0 : i32
      %dma_wait3A_150 = tpu.memref_slice %arg18[%dma_wait3A_148, %dma_wait3A_149] : memref<10000x32xf32, #tpu.memory_space<vmem_shared>> -> memref<10000x32xf32, #tpu.memory_space<vmem_shared>>
      tpu.wait_indirect_dma semaphore(%arg23 : memref<!tpu.dma_semaphore, #tpu.memory_space<semaphore_mem>>) src(%dma_wait3A_150 : memref<10000x32xf32, #tpu.memory_space<vmem_shared>>) dst(%arg13 : memref<256x32xf32, #tpu.memory_space<vmem>>)
      %dma_start3A_151 = arith.constant 0 : i32
      %dma_start3A_152 = tpu.memref_slice %arg8[%add3A_143, %dma_start3A_151] : memref<40x256xi32, #tpu.memory_space<vmem>> -> memref<1x256xi32, #tpu.memory_space<vmem>>
      %dma_start3A_153 = tpu.memref_squeeze %dma_start3A_152 : memref<1x256xi32, #tpu.memory_space<vmem>> -> memref<256xi32, #tpu.memory_space<vmem>>
      %dma_start3A_154 = arith.constant 0 : i32
      %dma_start3A_155 = arith.constant 0 : i32
      %dma_start3A_156 = tpu.memref_slice %arg17[%dma_start3A_154, %dma_start3A_155] : memref<10112x32xf32, #tpu.memory_space<vmem_shared>> -> memref<10112x32xf32, #tpu.memory_space<vmem_shared>>
      tpu.enqueue_indirect_dma source(%arg13 : memref<256x32xf32, #tpu.memory_space<vmem>>) target(%dma_start3A_156 : memref<10112x32xf32, #tpu.memory_space<vmem_shared>>) offsets(%dma_start3A_153 : memref<256xi32, #tpu.memory_space<vmem>>) semaphore(%arg31 : memref<!tpu.dma_semaphore, #tpu.memory_space<semaphore_mem>>) {add = true}
      %mul3A_157 = arith.constant 8 : i32
      %mul3A_158 = arith.muli %scan3A_71, %mul3A_157 : i32
      %add3A_159 = arith.constant 5 : i32
      %add3A_160 = arith.addi %mul3A_158, %add3A_159 : i32
      %dma_wait3A_161 = arith.constant 0 : i32
      %dma_wait3A_162 = arith.constant 0 : i32
      %dma_wait3A_163 = tpu.memref_slice %arg7[%dma_wait3A_161, %dma_wait3A_162] : memref<40x256xi32, #tpu.memory_space<vmem>> -> memref<1x256xi32, #tpu.memory_space<vmem>>
      %dma_wait3A_164 = tpu.memref_squeeze %dma_wait3A_163 : memref<1x256xi32, #tpu.memory_space<vmem>> -> memref<256xi32, #tpu.memory_space<vmem>>
      %dma_wait3A_165 = arith.constant 0 : i32
      %dma_wait3A_166 = arith.constant 0 : i32
      %dma_wait3A_167 = tpu.memref_slice %arg18[%dma_wait3A_165, %dma_wait3A_166] : memref<10000x32xf32, #tpu.memory_space<vmem_shared>> -> memref<10000x32xf32, #tpu.memory_space<vmem_shared>>
      tpu.wait_indirect_dma semaphore(%arg24 : memref<!tpu.dma_semaphore, #tpu.memory_space<semaphore_mem>>) src(%dma_wait3A_167 : memref<10000x32xf32, #tpu.memory_space<vmem_shared>>) dst(%arg14 : memref<256x32xf32, #tpu.memory_space<vmem>>)
      %dma_start3A_168 = arith.constant 0 : i32
      %dma_start3A_169 = tpu.memref_slice %arg8[%add3A_160, %dma_start3A_168] : memref<40x256xi32, #tpu.memory_space<vmem>> -> memref<1x256xi32, #tpu.memory_space<vmem>>
      %dma_start3A_170 = tpu.memref_squeeze %dma_start3A_169 : memref<1x256xi32, #tpu.memory_space<vmem>> -> memref<256xi32, #tpu.memory_space<vmem>>
      %dma_start3A_171 = arith.constant 0 : i32
      %dma_start3A_172 = arith.constant 0 : i32
      %dma_start3A_173 = tpu.memref_slice %arg17[%dma_start3A_171, %dma_start3A_172] : memref<10112x32xf32, #tpu.memory_space<vmem_shared>> -> memref<10112x32xf32, #tpu.memory_space<vmem_shared>>
      tpu.enqueue_indirect_dma source(%arg14 : memref<256x32xf32, #tpu.memory_space<vmem>>) target(%dma_start3A_173 : memref<10112x32xf32, #tpu.memory_space<vmem_shared>>) offsets(%dma_start3A_170 : memref<256xi32, #tpu.memory_space<vmem>>) semaphore(%arg32 : memref<!tpu.dma_semaphore, #tpu.memory_space<semaphore_mem>>) {add = true}
      %mul3A_174 = arith.constant 8 : i32
      %mul3A_175 = arith.muli %scan3A_71, %mul3A_174 : i32
      %add3A_176 = arith.constant 6 : i32
      %add3A_177 = arith.addi %mul3A_175, %add3A_176 : i32
      %dma_wait3A_178 = arith.constant 0 : i32
      %dma_wait3A_179 = arith.constant 0 : i32
      %dma_wait3A_180 = tpu.memref_slice %arg7[%dma_wait3A_178, %dma_wait3A_179] : memref<40x256xi32, #tpu.memory_space<vmem>> -> memref<1x256xi32, #tpu.memory_space<vmem>>
      %dma_wait3A_181 = tpu.memref_squeeze %dma_wait3A_180 : memref<1x256xi32, #tpu.memory_space<vmem>> -> memref<256xi32, #tpu.memory_space<vmem>>
      %dma_wait3A_182 = arith.constant 0 : i32
      %dma_wait3A_183 = arith.constant 0 : i32
      %dma_wait3A_184 = tpu.memref_slice %arg18[%dma_wait3A_182, %dma_wait3A_183] : memref<10000x32xf32, #tpu.memory_space<vmem_shared>> -> memref<10000x32xf32, #tpu.memory_space<vmem_shared>>
      tpu.wait_indirect_dma semaphore(%arg25 : memref<!tpu.dma_semaphore, #tpu.memory_space<semaphore_mem>>) src(%dma_wait3A_184 : memref<10000x32xf32, #tpu.memory_space<vmem_shared>>) dst(%arg15 : memref<256x32xf32, #tpu.memory_space<vmem>>)
      %dma_start3A_185 = arith.constant 0 : i32
      %dma_start3A_186 = tpu.memref_slice %arg8[%add3A_177, %dma_start3A_185] : memref<40x256xi32, #tpu.memory_space<vmem>> -> memref<1x256xi32, #tpu.memory_space<vmem>>
      %dma_start3A_187 = tpu.memref_squeeze %dma_start3A_186 : memref<1x256xi32, #tpu.memory_space<vmem>> -> memref<256xi32, #tpu.memory_space<vmem>>
      %dma_start3A_188 = arith.constant 0 : i32
      %dma_start3A_189 = arith.constant 0 : i32
      %dma_start3A_190 = tpu.memref_slice %arg17[%dma_start3A_188, %dma_start3A_189] : memref<10112x32xf32, #tpu.memory_space<vmem_shared>> -> memref<10112x32xf32, #tpu.memory_space<vmem_shared>>
      tpu.enqueue_indirect_dma source(%arg15 : memref<256x32xf32, #tpu.memory_space<vmem>>) target(%dma_start3A_190 : memref<10112x32xf32, #tpu.memory_space<vmem_shared>>) offsets(%dma_start3A_187 : memref<256xi32, #tpu.memory_space<vmem>>) semaphore(%arg33 : memref<!tpu.dma_semaphore, #tpu.memory_space<semaphore_mem>>) {add = true}
      %mul3A_191 = arith.constant 8 : i32
      %mul3A_192 = arith.muli %scan3A_71, %mul3A_191 : i32
      %add3A_193 = arith.constant 7 : i32
      %add3A_194 = arith.addi %mul3A_192, %add3A_193 : i32
      %dma_wait3A_195 = arith.constant 0 : i32
      %dma_wait3A_196 = arith.constant 0 : i32
      %dma_wait3A_197 = tpu.memref_slice %arg7[%dma_wait3A_195, %dma_wait3A_196] : memref<40x256xi32, #tpu.memory_space<vmem>> -> memref<1x256xi32, #tpu.memory_space<vmem>>
      %dma_wait3A_198 = tpu.memref_squeeze %dma_wait3A_197 : memref<1x256xi32, #tpu.memory_space<vmem>> -> memref<256xi32, #tpu.memory_space<vmem>>
      %dma_wait3A_199 = arith.constant 0 : i32
      %dma_wait3A_200 = arith.constant 0 : i32
      %dma_wait3A_201 = tpu.memref_slice %arg18[%dma_wait3A_199, %dma_wait3A_200] : memref<10000x32xf32, #tpu.memory_space<vmem_shared>> -> memref<10000x32xf32, #tpu.memory_space<vmem_shared>>
      tpu.wait_indirect_dma semaphore(%arg26 : memref<!tpu.dma_semaphore, #tpu.memory_space<semaphore_mem>>) src(%dma_wait3A_201 : memref<10000x32xf32, #tpu.memory_space<vmem_shared>>) dst(%arg16 : memref<256x32xf32, #tpu.memory_space<vmem>>)
      %dma_start3A_202 = arith.constant 0 : i32
      %dma_start3A_203 = tpu.memref_slice %arg8[%add3A_194, %dma_start3A_202] : memref<40x256xi32, #tpu.memory_space<vmem>> -> memref<1x256xi32, #tpu.memory_space<vmem>>
      %dma_start3A_204 = tpu.memref_squeeze %dma_start3A_203 : memref<1x256xi32, #tpu.memory_space<vmem>> -> memref<256xi32, #tpu.memory_space<vmem>>
      %dma_start3A_205 = arith.constant 0 : i32
      %dma_start3A_206 = arith.constant 0 : i32
      %dma_start3A_207 = tpu.memref_slice %arg17[%dma_start3A_205, %dma_start3A_206] : memref<10112x32xf32, #tpu.memory_space<vmem_shared>> -> memref<10112x32xf32, #tpu.memory_space<vmem_shared>>
      tpu.enqueue_indirect_dma source(%arg16 : memref<256x32xf32, #tpu.memory_space<vmem>>) target(%dma_start3A_207 : memref<10112x32xf32, #tpu.memory_space<vmem_shared>>) offsets(%dma_start3A_204 : memref<256xi32, #tpu.memory_space<vmem>>) semaphore(%arg34 : memref<!tpu.dma_semaphore, #tpu.memory_space<semaphore_mem>>) {add = true}
      %mul3A_208 = arith.constant 8 : i32
      %mul3A_209 = arith.muli %scan3A_71, %mul3A_208 : i32
      %add3A_210 = arith.constant 0 : i32
      %add3A_211 = arith.addi %mul3A_209, %add3A_210 : i32
      %dma_wait3A_212 = arith.constant 0 : i32
      %dma_wait3A_213 = arith.constant 0 : i32
      %dma_wait3A_214 = tpu.memref_slice %arg8[%dma_wait3A_212, %dma_wait3A_213] : memref<40x256xi32, #tpu.memory_space<vmem>> -> memref<1x256xi32, #tpu.memory_space<vmem>>
      %dma_wait3A_215 = tpu.memref_squeeze %dma_wait3A_214 : memref<1x256xi32, #tpu.memory_space<vmem>> -> memref<256xi32, #tpu.memory_space<vmem>>
      %dma_wait3A_216 = arith.constant 0 : i32
      %dma_wait3A_217 = arith.constant 0 : i32
      %dma_wait3A_218 = tpu.memref_slice %arg17[%dma_wait3A_216, %dma_wait3A_217] : memref<10112x32xf32, #tpu.memory_space<vmem_shared>> -> memref<10112x32xf32, #tpu.memory_space<vmem_shared>>
      tpu.wait_indirect_dma semaphore(%arg27 : memref<!tpu.dma_semaphore, #tpu.memory_space<semaphore_mem>>) src(%arg9 : memref<256x32xf32, #tpu.memory_space<vmem>>) dst(%dma_wait3A_218 : memref<10112x32xf32, #tpu.memory_space<vmem_shared>>)
      %add3A_219 = arith.constant 8 : i32
      %add3A_220 = arith.addi %add3A_211, %add3A_219 : i32
      %lt3A_221 = arith.constant 40 : i32
      %lt3A_222 = arith.cmpi slt, %add3A_220, %lt3A_221 : i32
      %convert_element_type3A_223 = arith.extui %lt3A_222 : i1 to i32
      %cond3A_224 = arith.constant 0 : i32
      %cond3A_225 = arith.cmpi ne, %convert_element_type3A_223, %cond3A_224 : i32
      scf.if %cond3A_225 {
        %add3A_353 = arith.constant 8 : i32
        %add3A_354 = arith.addi %add3A_211, %add3A_353 : i32
        %dma_start3A_355 = arith.constant 0 : i32
        %dma_start3A_356 = tpu.memref_slice %arg7[%add3A_354, %dma_start3A_355] : memref<40x256xi32, #tpu.memory_space<vmem>> -> memref<1x256xi32, #tpu.memory_space<vmem>>
        %dma_start3A_357 = tpu.memref_squeeze %dma_start3A_356 : memref<1x256xi32, #tpu.memory_space<vmem>> -> memref<256xi32, #tpu.memory_space<vmem>>
        %dma_start3A_358 = arith.constant 0 : i32
        %dma_start3A_359 = arith.constant 0 : i32
        %dma_start3A_360 = tpu.memref_slice %arg18[%dma_start3A_358, %dma_start3A_359] : memref<10000x32xf32, #tpu.memory_space<vmem_shared>> -> memref<10000x32xf32, #tpu.memory_space<vmem_shared>>
        tpu.enqueue_indirect_dma source(%dma_start3A_360 : memref<10000x32xf32, #tpu.memory_space<vmem_shared>>) target(%arg9 : memref<256x32xf32, #tpu.memory_space<vmem>>) offsets(%dma_start3A_357 : memref<256xi32, #tpu.memory_space<vmem>>) semaphore(%arg19 : memref<!tpu.dma_semaphore, #tpu.memory_space<semaphore_mem>>)
      } else {
      }
      %mul3A_226 = arith.constant 8 : i32
      %mul3A_227 = arith.muli %scan3A_71, %mul3A_226 : i32
      %add3A_228 = arith.constant 1 : i32
      %add3A_229 = arith.addi %mul3A_227, %add3A_228 : i32
      %dma_wait3A_230 = arith.constant 0 : i32
      %dma_wait3A_231 = arith.constant 0 : i32
      %dma_wait3A_232 = tpu.memref_slice %arg8[%dma_wait3A_230, %dma_wait3A_231] : memref<40x256xi32, #tpu.memory_space<vmem>> -> memref<1x256xi32, #tpu.memory_space<vmem>>
      %dma_wait3A_233 = tpu.memref_squeeze %dma_wait3A_232 : memref<1x256xi32, #tpu.memory_space<vmem>> -> memref<256xi32, #tpu.memory_space<vmem>>
      %dma_wait3A_234 = arith.constant 0 : i32
      %dma_wait3A_235 = arith.constant 0 : i32
      %dma_wait3A_236 = tpu.memref_slice %arg17[%dma_wait3A_234, %dma_wait3A_235] : memref<10112x32xf32, #tpu.memory_space<vmem_shared>> -> memref<10112x32xf32, #tpu.memory_space<vmem_shared>>
      tpu.wait_indirect_dma semaphore(%arg28 : memref<!tpu.dma_semaphore, #tpu.memory_space<semaphore_mem>>) src(%arg10 : memref<256x32xf32, #tpu.memory_space<vmem>>) dst(%dma_wait3A_236 : memref<10112x32xf32, #tpu.memory_space<vmem_shared>>)
      %add3A_237 = arith.constant 8 : i32
      %add3A_238 = arith.addi %add3A_229, %add3A_237 : i32
      %lt3A_239 = arith.constant 40 : i32
      %lt3A_240 = arith.cmpi slt, %add3A_238, %lt3A_239 : i32
      %convert_element_type3A_241 = arith.extui %lt3A_240 : i1 to i32
      %cond3A_242 = arith.constant 0 : i32
      %cond3A_243 = arith.cmpi ne, %convert_element_type3A_241, %cond3A_242 : i32
      scf.if %cond3A_243 {
        %add3A_353 = arith.constant 8 : i32
        %add3A_354 = arith.addi %add3A_229, %add3A_353 : i32
        %dma_start3A_355 = arith.constant 0 : i32
        %dma_start3A_356 = tpu.memref_slice %arg7[%add3A_354, %dma_start3A_355] : memref<40x256xi32, #tpu.memory_space<vmem>> -> memref<1x256xi32, #tpu.memory_space<vmem>>
        %dma_start3A_357 = tpu.memref_squeeze %dma_start3A_356 : memref<1x256xi32, #tpu.memory_space<vmem>> -> memref<256xi32, #tpu.memory_space<vmem>>
        %dma_start3A_358 = arith.constant 0 : i32
        %dma_start3A_359 = arith.constant 0 : i32
        %dma_start3A_360 = tpu.memref_slice %arg18[%dma_start3A_358, %dma_start3A_359] : memref<10000x32xf32, #tpu.memory_space<vmem_shared>> -> memref<10000x32xf32, #tpu.memory_space<vmem_shared>>
        tpu.enqueue_indirect_dma source(%dma_start3A_360 : memref<10000x32xf32, #tpu.memory_space<vmem_shared>>) target(%arg10 : memref<256x32xf32, #tpu.memory_space<vmem>>) offsets(%dma_start3A_357 : memref<256xi32, #tpu.memory_space<vmem>>) semaphore(%arg20 : memref<!tpu.dma_semaphore, #tpu.memory_space<semaphore_mem>>)
      } else {
      }
      %mul3A_244 = arith.constant 8 : i32
      %mul3A_245 = arith.muli %scan3A_71, %mul3A_244 : i32
      %add3A_246 = arith.constant 2 : i32
      %add3A_247 = arith.addi %mul3A_245, %add3A_246 : i32
      %dma_wait3A_248 = arith.constant 0 : i32
      %dma_wait3A_249 = arith.constant 0 : i32
      %dma_wait3A_250 = tpu.memref_slice %arg8[%dma_wait3A_248, %dma_wait3A_249] : memref<40x256xi32, #tpu.memory_space<vmem>> -> memref<1x256xi32, #tpu.memory_space<vmem>>
      %dma_wait3A_251 = tpu.memref_squeeze %dma_wait3A_250 : memref<1x256xi32, #tpu.memory_space<vmem>> -> memref<256xi32, #tpu.memory_space<vmem>>
      %dma_wait3A_252 = arith.constant 0 : i32
      %dma_wait3A_253 = arith.constant 0 : i32
      %dma_wait3A_254 = tpu.memref_slice %arg17[%dma_wait3A_252, %dma_wait3A_253] : memref<10112x32xf32, #tpu.memory_space<vmem_shared>> -> memref<10112x32xf32, #tpu.memory_space<vmem_shared>>
      tpu.wait_indirect_dma semaphore(%arg29 : memref<!tpu.dma_semaphore, #tpu.memory_space<semaphore_mem>>) src(%arg11 : memref<256x32xf32, #tpu.memory_space<vmem>>) dst(%dma_wait3A_254 : memref<10112x32xf32, #tpu.memory_space<vmem_shared>>)
      %add3A_255 = arith.constant 8 : i32
      %add3A_256 = arith.addi %add3A_247, %add3A_255 : i32
      %lt3A_257 = arith.constant 40 : i32
      %lt3A_258 = arith.cmpi slt, %add3A_256, %lt3A_257 : i32
      %convert_element_type3A_259 = arith.extui %lt3A_258 : i1 to i32
      %cond3A_260 = arith.constant 0 : i32
      %cond3A_261 = arith.cmpi ne, %convert_element_type3A_259, %cond3A_260 : i32
      scf.if %cond3A_261 {
        %add3A_353 = arith.constant 8 : i32
        %add3A_354 = arith.addi %add3A_247, %add3A_353 : i32
        %dma_start3A_355 = arith.constant 0 : i32
        %dma_start3A_356 = tpu.memref_slice %arg7[%add3A_354, %dma_start3A_355] : memref<40x256xi32, #tpu.memory_space<vmem>> -> memref<1x256xi32, #tpu.memory_space<vmem>>
        %dma_start3A_357 = tpu.memref_squeeze %dma_start3A_356 : memref<1x256xi32, #tpu.memory_space<vmem>> -> memref<256xi32, #tpu.memory_space<vmem>>
        %dma_start3A_358 = arith.constant 0 : i32
        %dma_start3A_359 = arith.constant 0 : i32
        %dma_start3A_360 = tpu.memref_slice %arg18[%dma_start3A_358, %dma_start3A_359] : memref<10000x32xf32, #tpu.memory_space<vmem_shared>> -> memref<10000x32xf32, #tpu.memory_space<vmem_shared>>
        tpu.enqueue_indirect_dma source(%dma_start3A_360 : memref<10000x32xf32, #tpu.memory_space<vmem_shared>>) target(%arg11 : memref<256x32xf32, #tpu.memory_space<vmem>>) offsets(%dma_start3A_357 : memref<256xi32, #tpu.memory_space<vmem>>) semaphore(%arg21 : memref<!tpu.dma_semaphore, #tpu.memory_space<semaphore_mem>>)
      } else {
      }
      %mul3A_262 = arith.constant 8 : i32
      %mul3A_263 = arith.muli %scan3A_71, %mul3A_262 : i32
      %add3A_264 = arith.constant 3 : i32
      %add3A_265 = arith.addi %mul3A_263, %add3A_264 : i32
      %dma_wait3A_266 = arith.constant 0 : i32
      %dma_wait3A_267 = arith.constant 0 : i32
      %dma_wait3A_268 = tpu.memref_slice %arg8[%dma_wait3A_266, %dma_wait3A_267] : memref<40x256xi32, #tpu.memory_space<vmem>> -> memref<1x256xi32, #tpu.memory_space<vmem>>
      %dma_wait3A_269 = tpu.memref_squeeze %dma_wait3A_268 : memref<1x256xi32, #tpu.memory_space<vmem>> -> memref<256xi32, #tpu.memory_space<vmem>>
      %dma_wait3A_270 = arith.constant 0 : i32
      %dma_wait3A_271 = arith.constant 0 : i32
      %dma_wait3A_272 = tpu.memref_slice %arg17[%dma_wait3A_270, %dma_wait3A_271] : memref<10112x32xf32, #tpu.memory_space<vmem_shared>> -> memref<10112x32xf32, #tpu.memory_space<vmem_shared>>
      tpu.wait_indirect_dma semaphore(%arg30 : memref<!tpu.dma_semaphore, #tpu.memory_space<semaphore_mem>>) src(%arg12 : memref<256x32xf32, #tpu.memory_space<vmem>>) dst(%dma_wait3A_272 : memref<10112x32xf32, #tpu.memory_space<vmem_shared>>)
      %add3A_273 = arith.constant 8 : i32
      %add3A_274 = arith.addi %add3A_265, %add3A_273 : i32
      %lt3A_275 = arith.constant 40 : i32
      %lt3A_276 = arith.cmpi slt, %add3A_274, %lt3A_275 : i32
      %convert_element_type3A_277 = arith.extui %lt3A_276 : i1 to i32
      %cond3A_278 = arith.constant 0 : i32
      %cond3A_279 = arith.cmpi ne, %convert_element_type3A_277, %cond3A_278 : i32
      scf.if %cond3A_279 {
        %add3A_353 = arith.constant 8 : i32
        %add3A_354 = arith.addi %add3A_265, %add3A_353 : i32
        %dma_start3A_355 = arith.constant 0 : i32
        %dma_start3A_356 = tpu.memref_slice %arg7[%add3A_354, %dma_start3A_355] : memref<40x256xi32, #tpu.memory_space<vmem>> -> memref<1x256xi32, #tpu.memory_space<vmem>>
        %dma_start3A_357 = tpu.memref_squeeze %dma_start3A_356 : memref<1x256xi32, #tpu.memory_space<vmem>> -> memref<256xi32, #tpu.memory_space<vmem>>
        %dma_start3A_358 = arith.constant 0 : i32
        %dma_start3A_359 = arith.constant 0 : i32
        %dma_start3A_360 = tpu.memref_slice %arg18[%dma_start3A_358, %dma_start3A_359] : memref<10000x32xf32, #tpu.memory_space<vmem_shared>> -> memref<10000x32xf32, #tpu.memory_space<vmem_shared>>
        tpu.enqueue_indirect_dma source(%dma_start3A_360 : memref<10000x32xf32, #tpu.memory_space<vmem_shared>>) target(%arg12 : memref<256x32xf32, #tpu.memory_space<vmem>>) offsets(%dma_start3A_357 : memref<256xi32, #tpu.memory_space<vmem>>) semaphore(%arg22 : memref<!tpu.dma_semaphore, #tpu.memory_space<semaphore_mem>>)
      } else {
      }
      %mul3A_280 = arith.constant 8 : i32
      %mul3A_281 = arith.muli %scan3A_71, %mul3A_280 : i32
      %add3A_282 = arith.constant 4 : i32
      %add3A_283 = arith.addi %mul3A_281, %add3A_282 : i32
      %dma_wait3A_284 = arith.constant 0 : i32
      %dma_wait3A_285 = arith.constant 0 : i32
      %dma_wait3A_286 = tpu.memref_slice %arg8[%dma_wait3A_284, %dma_wait3A_285] : memref<40x256xi32, #tpu.memory_space<vmem>> -> memref<1x256xi32, #tpu.memory_space<vmem>>
      %dma_wait3A_287 = tpu.memref_squeeze %dma_wait3A_286 : memref<1x256xi32, #tpu.memory_space<vmem>> -> memref<256xi32, #tpu.memory_space<vmem>>
      %dma_wait3A_288 = arith.constant 0 : i32
      %dma_wait3A_289 = arith.constant 0 : i32
      %dma_wait3A_290 = tpu.memref_slice %arg17[%dma_wait3A_288, %dma_wait3A_289] : memref<10112x32xf32, #tpu.memory_space<vmem_shared>> -> memref<10112x32xf32, #tpu.memory_space<vmem_shared>>
      tpu.wait_indirect_dma semaphore(%arg31 : memref<!tpu.dma_semaphore, #tpu.memory_space<semaphore_mem>>) src(%arg13 : memref<256x32xf32, #tpu.memory_space<vmem>>) dst(%dma_wait3A_290 : memref<10112x32xf32, #tpu.memory_space<vmem_shared>>)
      %add3A_291 = arith.constant 8 : i32
      %add3A_292 = arith.addi %add3A_283, %add3A_291 : i32
      %lt3A_293 = arith.constant 40 : i32
      %lt3A_294 = arith.cmpi slt, %add3A_292, %lt3A_293 : i32
      %convert_element_type3A_295 = arith.extui %lt3A_294 : i1 to i32
      %cond3A_296 = arith.constant 0 : i32
      %cond3A_297 = arith.cmpi ne, %convert_element_type3A_295, %cond3A_296 : i32
      scf.if %cond3A_297 {
        %add3A_353 = arith.constant 8 : i32
        %add3A_354 = arith.addi %add3A_283, %add3A_353 : i32
        %dma_start3A_355 = arith.constant 0 : i32
        %dma_start3A_356 = tpu.memref_slice %arg7[%add3A_354, %dma_start3A_355] : memref<40x256xi32, #tpu.memory_space<vmem>> -> memref<1x256xi32, #tpu.memory_space<vmem>>
        %dma_start3A_357 = tpu.memref_squeeze %dma_start3A_356 : memref<1x256xi32, #tpu.memory_space<vmem>> -> memref<256xi32, #tpu.memory_space<vmem>>
        %dma_start3A_358 = arith.constant 0 : i32
        %dma_start3A_359 = arith.constant 0 : i32
        %dma_start3A_360 = tpu.memref_slice %arg18[%dma_start3A_358, %dma_start3A_359] : memref<10000x32xf32, #tpu.memory_space<vmem_shared>> -> memref<10000x32xf32, #tpu.memory_space<vmem_shared>>
        tpu.enqueue_indirect_dma source(%dma_start3A_360 : memref<10000x32xf32, #tpu.memory_space<vmem_shared>>) target(%arg13 : memref<256x32xf32, #tpu.memory_space<vmem>>) offsets(%dma_start3A_357 : memref<256xi32, #tpu.memory_space<vmem>>) semaphore(%arg23 : memref<!tpu.dma_semaphore, #tpu.memory_space<semaphore_mem>>)
      } else {
      }
      %mul3A_298 = arith.constant 8 : i32
      %mul3A_299 = arith.muli %scan3A_71, %mul3A_298 : i32
      %add3A_300 = arith.constant 5 : i32
      %add3A_301 = arith.addi %mul3A_299, %add3A_300 : i32
      %dma_wait3A_302 = arith.constant 0 : i32
      %dma_wait3A_303 = arith.constant 0 : i32
      %dma_wait3A_304 = tpu.memref_slice %arg8[%dma_wait3A_302, %dma_wait3A_303] : memref<40x256xi32, #tpu.memory_space<vmem>> -> memref<1x256xi32, #tpu.memory_space<vmem>>
      %dma_wait3A_305 = tpu.memref_squeeze %dma_wait3A_304 : memref<1x256xi32, #tpu.memory_space<vmem>> -> memref<256xi32, #tpu.memory_space<vmem>>
      %dma_wait3A_306 = arith.constant 0 : i32
      %dma_wait3A_307 = arith.constant 0 : i32
      %dma_wait3A_308 = tpu.memref_slice %arg17[%dma_wait3A_306, %dma_wait3A_307] : memref<10112x32xf32, #tpu.memory_space<vmem_shared>> -> memref<10112x32xf32, #tpu.memory_space<vmem_shared>>
      tpu.wait_indirect_dma semaphore(%arg32 : memref<!tpu.dma_semaphore, #tpu.memory_space<semaphore_mem>>) src(%arg14 : memref<256x32xf32, #tpu.memory_space<vmem>>) dst(%dma_wait3A_308 : memref<10112x32xf32, #tpu.memory_space<vmem_shared>>)
      %add3A_309 = arith.constant 8 : i32
      %add3A_310 = arith.addi %add3A_301, %add3A_309 : i32
      %lt3A_311 = arith.constant 40 : i32
      %lt3A_312 = arith.cmpi slt, %add3A_310, %lt3A_311 : i32
      %convert_element_type3A_313 = arith.extui %lt3A_312 : i1 to i32
      %cond3A_314 = arith.constant 0 : i32
      %cond3A_315 = arith.cmpi ne, %convert_element_type3A_313, %cond3A_314 : i32
      scf.if %cond3A_315 {
        %add3A_353 = arith.constant 8 : i32
        %add3A_354 = arith.addi %add3A_301, %add3A_353 : i32
        %dma_start3A_355 = arith.constant 0 : i32
        %dma_start3A_356 = tpu.memref_slice %arg7[%add3A_354, %dma_start3A_355] : memref<40x256xi32, #tpu.memory_space<vmem>> -> memref<1x256xi32, #tpu.memory_space<vmem>>
        %dma_start3A_357 = tpu.memref_squeeze %dma_start3A_356 : memref<1x256xi32, #tpu.memory_space<vmem>> -> memref<256xi32, #tpu.memory_space<vmem>>
        %dma_start3A_358 = arith.constant 0 : i32
        %dma_start3A_359 = arith.constant 0 : i32
        %dma_start3A_360 = tpu.memref_slice %arg18[%dma_start3A_358, %dma_start3A_359] : memref<10000x32xf32, #tpu.memory_space<vmem_shared>> -> memref<10000x32xf32, #tpu.memory_space<vmem_shared>>
        tpu.enqueue_indirect_dma source(%dma_start3A_360 : memref<10000x32xf32, #tpu.memory_space<vmem_shared>>) target(%arg14 : memref<256x32xf32, #tpu.memory_space<vmem>>) offsets(%dma_start3A_357 : memref<256xi32, #tpu.memory_space<vmem>>) semaphore(%arg24 : memref<!tpu.dma_semaphore, #tpu.memory_space<semaphore_mem>>)
      } else {
      }
      %mul3A_316 = arith.constant 8 : i32
      %mul3A_317 = arith.muli %scan3A_71, %mul3A_316 : i32
      %add3A_318 = arith.constant 6 : i32
      %add3A_319 = arith.addi %mul3A_317, %add3A_318 : i32
      %dma_wait3A_320 = arith.constant 0 : i32
      %dma_wait3A_321 = arith.constant 0 : i32
      %dma_wait3A_322 = tpu.memref_slice %arg8[%dma_wait3A_320, %dma_wait3A_321] : memref<40x256xi32, #tpu.memory_space<vmem>> -> memref<1x256xi32, #tpu.memory_space<vmem>>
      %dma_wait3A_323 = tpu.memref_squeeze %dma_wait3A_322 : memref<1x256xi32, #tpu.memory_space<vmem>> -> memref<256xi32, #tpu.memory_space<vmem>>
      %dma_wait3A_324 = arith.constant 0 : i32
      %dma_wait3A_325 = arith.constant 0 : i32
      %dma_wait3A_326 = tpu.memref_slice %arg17[%dma_wait3A_324, %dma_wait3A_325] : memref<10112x32xf32, #tpu.memory_space<vmem_shared>> -> memref<10112x32xf32, #tpu.memory_space<vmem_shared>>
      tpu.wait_indirect_dma semaphore(%arg33 : memref<!tpu.dma_semaphore, #tpu.memory_space<semaphore_mem>>) src(%arg15 : memref<256x32xf32, #tpu.memory_space<vmem>>) dst(%dma_wait3A_326 : memref<10112x32xf32, #tpu.memory_space<vmem_shared>>)
      %add3A_327 = arith.constant 8 : i32
      %add3A_328 = arith.addi %add3A_319, %add3A_327 : i32
      %lt3A_329 = arith.constant 40 : i32
      %lt3A_330 = arith.cmpi slt, %add3A_328, %lt3A_329 : i32
      %convert_element_type3A_331 = arith.extui %lt3A_330 : i1 to i32
      %cond3A_332 = arith.constant 0 : i32
      %cond3A_333 = arith.cmpi ne, %convert_element_type3A_331, %cond3A_332 : i32
      scf.if %cond3A_333 {
        %add3A_353 = arith.constant 8 : i32
        %add3A_354 = arith.addi %add3A_319, %add3A_353 : i32
        %dma_start3A_355 = arith.constant 0 : i32
        %dma_start3A_356 = tpu.memref_slice %arg7[%add3A_354, %dma_start3A_355] : memref<40x256xi32, #tpu.memory_space<vmem>> -> memref<1x256xi32, #tpu.memory_space<vmem>>
        %dma_start3A_357 = tpu.memref_squeeze %dma_start3A_356 : memref<1x256xi32, #tpu.memory_space<vmem>> -> memref<256xi32, #tpu.memory_space<vmem>>
        %dma_start3A_358 = arith.constant 0 : i32
        %dma_start3A_359 = arith.constant 0 : i32
        %dma_start3A_360 = tpu.memref_slice %arg18[%dma_start3A_358, %dma_start3A_359] : memref<10000x32xf32, #tpu.memory_space<vmem_shared>> -> memref<10000x32xf32, #tpu.memory_space<vmem_shared>>
        tpu.enqueue_indirect_dma source(%dma_start3A_360 : memref<10000x32xf32, #tpu.memory_space<vmem_shared>>) target(%arg15 : memref<256x32xf32, #tpu.memory_space<vmem>>) offsets(%dma_start3A_357 : memref<256xi32, #tpu.memory_space<vmem>>) semaphore(%arg25 : memref<!tpu.dma_semaphore, #tpu.memory_space<semaphore_mem>>)
      } else {
      }
      %mul3A_334 = arith.constant 8 : i32
      %mul3A_335 = arith.muli %scan3A_71, %mul3A_334 : i32
      %add3A_336 = arith.constant 7 : i32
      %add3A_337 = arith.addi %mul3A_335, %add3A_336 : i32
      %dma_wait3A_338 = arith.constant 0 : i32
      %dma_wait3A_339 = arith.constant 0 : i32
      %dma_wait3A_340 = tpu.memref_slice %arg8[%dma_wait3A_338, %dma_wait3A_339] : memref<40x256xi32, #tpu.memory_space<vmem>> -> memref<1x256xi32, #tpu.memory_space<vmem>>
      %dma_wait3A_341 = tpu.memref_squeeze %dma_wait3A_340 : memref<1x256xi32, #tpu.memory_space<vmem>> -> memref<256xi32, #tpu.memory_space<vmem>>
      %dma_wait3A_342 = arith.constant 0 : i32
      %dma_wait3A_343 = arith.constant 0 : i32
      %dma_wait3A_344 = tpu.memref_slice %arg17[%dma_wait3A_342, %dma_wait3A_343] : memref<10112x32xf32, #tpu.memory_space<vmem_shared>> -> memref<10112x32xf32, #tpu.memory_space<vmem_shared>>
      tpu.wait_indirect_dma semaphore(%arg34 : memref<!tpu.dma_semaphore, #tpu.memory_space<semaphore_mem>>) src(%arg16 : memref<256x32xf32, #tpu.memory_space<vmem>>) dst(%dma_wait3A_344 : memref<10112x32xf32, #tpu.memory_space<vmem_shared>>)
      %add3A_345 = arith.constant 8 : i32
      %add3A_346 = arith.addi %add3A_337, %add3A_345 : i32
      %lt3A_347 = arith.constant 40 : i32
      %lt3A_348 = arith.cmpi slt, %add3A_346, %lt3A_347 : i32
      %convert_element_type3A_349 = arith.extui %lt3A_348 : i1 to i32
      %cond3A_350 = arith.constant 0 : i32
      %cond3A_351 = arith.cmpi ne, %convert_element_type3A_349, %cond3A_350 : i32
      scf.if %cond3A_351 {
        %add3A_353 = arith.constant 8 : i32
        %add3A_354 = arith.addi %add3A_337, %add3A_353 : i32
        %dma_start3A_355 = arith.constant 0 : i32
        %dma_start3A_356 = tpu.memref_slice %arg7[%add3A_354, %dma_start3A_355] : memref<40x256xi32, #tpu.memory_space<vmem>> -> memref<1x256xi32, #tpu.memory_space<vmem>>
        %dma_start3A_357 = tpu.memref_squeeze %dma_start3A_356 : memref<1x256xi32, #tpu.memory_space<vmem>> -> memref<256xi32, #tpu.memory_space<vmem>>
        %dma_start3A_358 = arith.constant 0 : i32
        %dma_start3A_359 = arith.constant 0 : i32
        %dma_start3A_360 = tpu.memref_slice %arg18[%dma_start3A_358, %dma_start3A_359] : memref<10000x32xf32, #tpu.memory_space<vmem_shared>> -> memref<10000x32xf32, #tpu.memory_space<vmem_shared>>
        tpu.enqueue_indirect_dma source(%dma_start3A_360 : memref<10000x32xf32, #tpu.memory_space<vmem_shared>>) target(%arg16 : memref<256x32xf32, #tpu.memory_space<vmem>>) offsets(%dma_start3A_357 : memref<256xi32, #tpu.memory_space<vmem>>) semaphore(%arg26 : memref<!tpu.dma_semaphore, #tpu.memory_space<semaphore_mem>>)
      } else {
      }
      %scan3A_352 = arith.constant 0 : i32
      scf.yield %scan3A_352 : i32
    }
    %scan3A_69 = arith.constant 5 : i32
    %barrier3A_70 = arith.constant 0 : index
    tpu.barrier barrier_id(%barrier3A_70)
    "tpu.region"() ({
      %run_scoped3A = tpu.sem_alloc : memref<!tpu.dma_semaphore, #tpu.memory_space<semaphore_mem>>
      %dma_start3A_71 = arith.constant 0 : i32
      %dma_start3A_72 = tpu.memref_slice %arg6[%arg0, %mul3A_2, %dma_start3A_71] : memref<2x10112x32xf32, #tpu.memory_space<hbm>> -> memref<1x632x32xf32, #tpu.memory_space<hbm>>
      %dma_start3A_73 = tpu.memref_squeeze %dma_start3A_72 : memref<1x632x32xf32, #tpu.memory_space<hbm>> -> memref<632x32xf32, #tpu.memory_space<hbm>>
      %dma_start3A_74 = arith.constant 0 : i32
      %dma_start3A_75 = tpu.memref_slice %arg17[%mul3A_2, %dma_start3A_74] : memref<10112x32xf32, #tpu.memory_space<vmem_shared>> -> memref<632x32xf32, #tpu.memory_space<vmem_shared>>
      tpu.enqueue_dma source(%dma_start3A_75 : memref<632x32xf32, #tpu.memory_space<vmem_shared>>) target(%dma_start3A_73 : memref<632x32xf32, #tpu.memory_space<hbm>>) target_semaphore(%run_scoped3A : memref<!tpu.dma_semaphore, #tpu.memory_space<semaphore_mem>>)
      %dma_wait3A = arith.constant 0 : i32
      %dma_wait3A_76 = tpu.memref_slice %arg6[%arg0, %mul3A_2, %dma_wait3A] : memref<2x10112x32xf32, #tpu.memory_space<hbm>> -> memref<1x632x32xf32, #tpu.memory_space<hbm>>
      %dma_wait3A_77 = tpu.memref_squeeze %dma_wait3A_76 : memref<1x632x32xf32, #tpu.memory_space<hbm>> -> memref<632x32xf32, #tpu.memory_space<hbm>>
      %dma_wait3A_78 = arith.constant 0 : i32
      %dma_wait3A_79 = tpu.memref_slice %arg17[%mul3A_2, %dma_wait3A_78] : memref<10112x32xf32, #tpu.memory_space<vmem_shared>> -> memref<632x32xf32, #tpu.memory_space<vmem_shared>>
      tpu.wait_dma2 semaphore(%run_scoped3A : memref<!tpu.dma_semaphore, #tpu.memory_space<semaphore_mem>>) src(%dma_wait3A_79 : memref<632x32xf32, #tpu.memory_space<vmem_shared>>) dst(%dma_wait3A_77 : memref<632x32xf32, #tpu.memory_space<hbm>>)
      tpu.yield
    }) : () -> ()
    return
  }
}

module attributes {stable_mosaic.version = 14 : i64} {
  func.func @_lin1_body(%arg0: memref<32x10240xf32, #tpu.memory_space<vmem>>, %arg1: memref<10000x128xf32, #tpu.memory_space<vmem>>, %arg2: memref<128x32xf32, #tpu.memory_space<vmem>>, %arg3: memref<10000x32xf32, #tpu.memory_space<vmem>>, %arg4: memref<10000x1xf32, #tpu.memory_space<vmem>>) attributes {dimension_semantics = [], scalar_prefetch = 0 : i64, scratch_operands = 0 : i64, tpu.core_type = #tpu.core_type<tc>} {
    %get3A = arith.constant 0 : index
    %get3A_0 = arith.constant 0 : index
    %get3A_1 = vector.load %arg0[%get3A, %get3A_0] : memref<32x10240xf32, #tpu.memory_space<vmem>>, vector<32x10240xf32>
    %reduce_sum3A = arith.constant dense<0.000000e+00> : vector<10240xf32>
    %reduce_sum3A_2 = vector.multi_reduction <add>, %get3A_1, %reduce_sum3A [0] : vector<32x10240xf32> to vector<10240xf32>
    %broadcast_in_dim3A = vector.shape_cast %reduce_sum3A_2 : vector<10240xf32> to vector<1x10240xf32>
    %gt3A = arith.constant 0.000000e+00 : f32
    %gt3A_3 = vector.broadcast %gt3A : f32 to vector<1x10240xf32>
    %gt3A_4 = arith.cmpf ogt, %broadcast_in_dim3A, %gt3A_3 : vector<1x10240xf32>
    %rsqrt3A = math.rsqrt %broadcast_in_dim3A : vector<1x10240xf32>
    %jit3A = arith.constant 0.000000e+00 : f32
    %broadcast_in_dim3A_5 = vector.broadcast %jit3A : f32 to vector<1x10240xf32>
    %select_n3A = arith.select %gt3A_4, %rsqrt3A, %broadcast_in_dim3A_5 : vector<1x10240xi1>, vector<1x10240xf32>
    %reshape3A = vector.shape_cast %select_n3A : vector<1x10240xf32> to vector<10240x1xf32>
    %slice3A = vector.extract_strided_slice %reshape3A {offsets = [0, 0], sizes = [10000, 1], strides = [1, 1]} : vector<10240x1xf32> to vector<10000x1xf32>
    %swap3A = arith.constant 0 : index
    %swap3A_6 = arith.constant 0 : index
    %swap3A_7 = vector.load %arg4[%swap3A, %swap3A_6] : memref<10000x1xf32, #tpu.memory_space<vmem>>, vector<10000x1xf32>
    tpu.vector_store %arg4[%swap3A, %swap3A_6], %slice3A {strides = array<i32>} : memref<10000x1xf32, #tpu.memory_space<vmem>>, vector<10000x1xf32>,
    %get3A_8 = arith.constant 0 : index
    %get3A_9 = arith.constant 0 : index
    %get3A_10 = vector.load %arg1[%get3A_8, %get3A_9] : memref<10000x128xf32, #tpu.memory_space<vmem>>, vector<10000x128xf32>
    %get3A_11 = arith.constant 0 : index
    %get3A_12 = arith.constant 0 : index
    %get3A_13 = vector.load %arg2[%get3A_11, %get3A_12] : memref<128x32xf32, #tpu.memory_space<vmem>>, vector<128x32xf32>
    %dot_general3A = arith.constant dense<0.000000e+00> : vector<10000x32xf32>
    %dot_general3A_14 = tpu.matmul %get3A_10, %get3A_13, %dot_general3A {dimension_numbers = #tpu.dot_dimension_numbers<[1], [0], [0], [1], [0, 0, 1, 1], [], []>, transpose_lhs_hint = false} : vector<10000x128xf32>, vector<128x32xf32>, vector<10000x32xf32> -> vector<10000x32xf32>
    %mul3A = vector.broadcast %slice3A : vector<10000x1xf32> to vector<10000x32xf32>
    %mul3A_15 = arith.mulf %dot_general3A_14, %mul3A : vector<10000x32xf32>
    %swap3A_16 = arith.constant 0 : index
    %swap3A_17 = arith.constant 0 : index
    %swap3A_18 = vector.load %arg3[%swap3A_16, %swap3A_17] : memref<10000x32xf32, #tpu.memory_space<vmem>>, vector<10000x32xf32>
    tpu.vector_store %arg3[%swap3A_16, %swap3A_17], %mul3A_15 {strides = array<i32>} : memref<10000x32xf32, #tpu.memory_space<vmem>>, vector<10000x32xf32>,
    return
  }
}

module attributes {stable_mosaic.version = 14 : i64} {
  func.func @_mid_body(%arg0: memref<2x10112x32xf32, #tpu.memory_space<vmem>>, %arg1: memref<10000x1xf32, #tpu.memory_space<vmem>>, %arg2: memref<1x32xf32, #tpu.memory_space<vmem>>, %arg3: memref<32x32xf32, #tpu.memory_space<vmem>>, %arg4: memref<10000x32xf32, #tpu.memory_space<vmem>>) attributes {dimension_semantics = [], scalar_prefetch = 0 : i64, scratch_operands = 0 : i64, tpu.core_type = #tpu.core_type<tc>} {
    %get3A = arith.constant 0 : index
    %get3A_0 = arith.constant 0 : index
    %get3A_1 = arith.constant 0 : index
    %get3A_2 = vector.load %arg0[%get3A, %get3A_0, %get3A_1] : memref<2x10112x32xf32, #tpu.memory_space<vmem>>, vector<1x10000x32xf32>
    %get3A_3 = vector.shape_cast %get3A_2 : vector<1x10000x32xf32> to vector<10000x32xf32>
    %get3A_4 = arith.constant 1 : index
    %get3A_5 = arith.constant 0 : index
    %get3A_6 = arith.constant 0 : index
    %get3A_7 = vector.load %arg0[%get3A_4, %get3A_5, %get3A_6] : memref<2x10112x32xf32, #tpu.memory_space<vmem>>, vector<1x10000x32xf32>
    %get3A_8 = vector.shape_cast %get3A_7 : vector<1x10000x32xf32> to vector<10000x32xf32>
    %add3A = arith.addf %get3A_3, %get3A_8 : vector<10000x32xf32>
    %get3A_9 = arith.constant 0 : index
    %get3A_10 = arith.constant 0 : index
    %get3A_11 = vector.load %arg1[%get3A_9, %get3A_10] : memref<10000x1xf32, #tpu.memory_space<vmem>>, vector<10000x1xf32>
    %mul3A = vector.broadcast %get3A_11 : vector<10000x1xf32> to vector<10000x32xf32>
    %mul3A_12 = arith.mulf %add3A, %mul3A : vector<10000x32xf32>
    %get3A_13 = arith.constant 0 : index
    %get3A_14 = arith.constant 0 : index
    %get3A_15 = vector.load %arg2[%get3A_13, %get3A_14] : memref<1x32xf32, #tpu.memory_space<vmem>>, vector<1x32xf32>
    %add3A_16 = vector.broadcast %get3A_15 : vector<1x32xf32> to vector<10000x32xf32>
    %add3A_17 = arith.addf %mul3A_12, %add3A_16 : vector<10000x32xf32>
    %gt3A = arith.constant 0.000000e+00 : f32
    %gt3A_18 = vector.broadcast %gt3A : f32 to vector<10000x32xf32>
    %gt3A_19 = arith.cmpf ogt, %add3A_17, %gt3A_18 : vector<10000x32xf32>
    %min3A = arith.constant 0.000000e+00 : f32
    %min3A_20 = vector.broadcast %min3A : f32 to vector<10000x32xf32>
    %min3A_21 = arith.minimumf %add3A_17, %min3A_20 : vector<10000x32xf32>
    %exp3A = math.exp %min3A_21 : vector<10000x32xf32>
    %sub3A = arith.constant 1.000000e+00 : f32
    %sub3A_22 = vector.broadcast %sub3A : f32 to vector<10000x32xf32>
    %sub3A_23 = arith.subf %exp3A, %sub3A_22 : vector<10000x32xf32>
    %select_n3A = arith.select %gt3A_19, %add3A_17, %sub3A_23 : vector<10000x32xi1>, vector<10000x32xf32>
    %get3A_24 = arith.constant 0 : index
    %get3A_25 = arith.constant 0 : index
    %get3A_26 = vector.load %arg3[%get3A_24, %get3A_25] : memref<32x32xf32, #tpu.memory_space<vmem>>, vector<32x32xf32>
    %dot_general3A = arith.constant dense<0.000000e+00> : vector<10000x32xf32>
    %dot_general3A_27 = tpu.matmul %select_n3A, %get3A_26, %dot_general3A {dimension_numbers = #tpu.dot_dimension_numbers<[1], [0], [0], [1], [0, 0, 1, 1], [], []>, transpose_lhs_hint = false} : vector<10000x32xf32>, vector<32x32xf32>, vector<10000x32xf32> -> vector<10000x32xf32>
    %get3A_28 = arith.constant 0 : index
    %get3A_29 = arith.constant 0 : index
    %get3A_30 = vector.load %arg1[%get3A_28, %get3A_29] : memref<10000x1xf32, #tpu.memory_space<vmem>>, vector<10000x1xf32>
    %mul3A_31 = vector.broadcast %get3A_30 : vector<10000x1xf32> to vector<10000x32xf32>
    %mul3A_32 = arith.mulf %dot_general3A_27, %mul3A_31 : vector<10000x32xf32>
    %swap3A = arith.constant 0 : index
    %swap3A_33 = arith.constant 0 : index
    %swap3A_34 = vector.load %arg4[%swap3A, %swap3A_33] : memref<10000x32xf32, #tpu.memory_space<vmem>>, vector<10000x32xf32>
    tpu.vector_store %arg4[%swap3A, %swap3A_33], %mul3A_32 {strides = array<i32>} : memref<10000x32xf32, #tpu.memory_space<vmem>>, vector<10000x32xf32>,
    return
  }
}

module attributes {stable_mosaic.version = 14 : i64} {
  func.func @_head_body(%arg0: memref<2x10112x32xf32, #tpu.memory_space<vmem>>, %arg1: memref<10000x1xf32, #tpu.memory_space<vmem>>, %arg2: memref<1x32xf32, #tpu.memory_space<vmem>>, %arg3: memref<1x10000xi32, #tpu.memory_space<vmem>>, %arg4: memref<32x64xf32, #tpu.memory_space<vmem>>, %arg5: memref<1x64xf32, #tpu.memory_space<vmem>>, %arg6: memref<64x32xf32, #tpu.memory_space<vmem>>, %arg7: memref<1x32xf32, #tpu.memory_space<vmem>>, %arg8: memref<32x1xf32, #tpu.memory_space<vmem>>, %arg9: memref<1x1xf32, #tpu.memory_space<vmem>>, %arg10: memref<128x1xf32, #tpu.memory_space<vmem>>) attributes {dimension_semantics = [], scalar_prefetch = 0 : i64, scratch_operands = 0 : i64, tpu.core_type = #tpu.core_type<tc>} {
    %get3A = arith.constant 0 : index
    %get3A_0 = arith.constant 0 : index
    %get3A_1 = arith.constant 0 : index
    %get3A_2 = vector.load %arg0[%get3A, %get3A_0, %get3A_1] : memref<2x10112x32xf32, #tpu.memory_space<vmem>>, vector<1x10000x32xf32>
    %get3A_3 = vector.shape_cast %get3A_2 : vector<1x10000x32xf32> to vector<10000x32xf32>
    %get3A_4 = arith.constant 1 : index
    %get3A_5 = arith.constant 0 : index
    %get3A_6 = arith.constant 0 : index
    %get3A_7 = vector.load %arg0[%get3A_4, %get3A_5, %get3A_6] : memref<2x10112x32xf32, #tpu.memory_space<vmem>>, vector<1x10000x32xf32>
    %get3A_8 = vector.shape_cast %get3A_7 : vector<1x10000x32xf32> to vector<10000x32xf32>
    %add3A = arith.addf %get3A_3, %get3A_8 : vector<10000x32xf32>
    %get3A_9 = arith.constant 0 : index
    %get3A_10 = arith.constant 0 : index
    %get3A_11 = vector.load %arg1[%get3A_9, %get3A_10] : memref<10000x1xf32, #tpu.memory_space<vmem>>, vector<10000x1xf32>
    %mul3A = vector.broadcast %get3A_11 : vector<10000x1xf32> to vector<10000x32xf32>
    %mul3A_12 = arith.mulf %add3A, %mul3A : vector<10000x32xf32>
    %get3A_13 = arith.constant 0 : index
    %get3A_14 = arith.constant 0 : index
    %get3A_15 = vector.load %arg2[%get3A_13, %get3A_14] : memref<1x32xf32, #tpu.memory_space<vmem>>, vector<1x32xf32>
    %add3A_16 = vector.broadcast %get3A_15 : vector<1x32xf32> to vector<10000x32xf32>
    %add3A_17 = arith.addf %mul3A_12, %add3A_16 : vector<10000x32xf32>
    %gt3A = arith.constant 0.000000e+00 : f32
    %gt3A_18 = vector.broadcast %gt3A : f32 to vector<10000x32xf32>
    %gt3A_19 = arith.cmpf ogt, %add3A_17, %gt3A_18 : vector<10000x32xf32>
    %min3A = arith.constant 0.000000e+00 : f32
    %min3A_20 = vector.broadcast %min3A : f32 to vector<10000x32xf32>
    %min3A_21 = arith.minimumf %add3A_17, %min3A_20 : vector<10000x32xf32>
    %exp3A = math.exp %min3A_21 : vector<10000x32xf32>
    %sub3A = arith.constant 1.000000e+00 : f32
    %sub3A_22 = vector.broadcast %sub3A : f32 to vector<10000x32xf32>
    %sub3A_23 = arith.subf %exp3A, %sub3A_22 : vector<10000x32xf32>
    %select_n3A = arith.select %gt3A_19, %add3A_17, %sub3A_23 : vector<10000x32xi1>, vector<10000x32xf32>
    %iota3A = tpu.iota {dimensions = array<i32: 0>} : vector<128x10000xi32>
    %get3A_24 = arith.constant 0 : index
    %get3A_25 = arith.constant 0 : index
    %get3A_26 = vector.load %arg3[%get3A_24, %get3A_25] : memref<1x10000xi32, #tpu.memory_space<vmem>>, vector<1x10000xi32>
    %eq3A = vector.broadcast %get3A_26 : vector<1x10000xi32> to vector<128x10000xi32>
    %eq3A_27 = arith.cmpi eq, %eq3A, %iota3A : vector<128x10000xi32>
    %convert_element_type3A = arith.extui %eq3A_27 : vector<128x10000xi1> to vector<128x10000xi32>
    %convert_element_type3A_28 = arith.sitofp %convert_element_type3A : vector<128x10000xi32> to vector<128x10000xf32>
    %dot_general3A = arith.constant dense<0.000000e+00> : vector<128x32xf32>
    %dot_general3A_29 = tpu.matmul %convert_element_type3A_28, %select_n3A, %dot_general3A {dimension_numbers = #tpu.dot_dimension_numbers<[1], [0], [0], [1], [0, 0, 1, 1], [], []>, transpose_lhs_hint = false} : vector<128x10000xf32>, vector<10000x32xf32>, vector<128x32xf32> -> vector<128x32xf32>
    %get3A_30 = arith.constant 0 : index
    %get3A_31 = arith.constant 0 : index
    %get3A_32 = vector.load %arg4[%get3A_30, %get3A_31] : memref<32x64xf32, #tpu.memory_space<vmem>>, vector<32x64xf32>
    %dot_general3A_33 = arith.constant dense<0.000000e+00> : vector<128x64xf32>
    %dot_general3A_34 = tpu.matmul %dot_general3A_29, %get3A_32, %dot_general3A_33 {dimension_numbers = #tpu.dot_dimension_numbers<[1], [0], [0], [1], [0, 0, 1, 1], [], []>, transpose_lhs_hint = false} : vector<128x32xf32>, vector<32x64xf32>, vector<128x64xf32> -> vector<128x64xf32>
    %get3A_35 = arith.constant 0 : index
    %get3A_36 = arith.constant 0 : index
    %get3A_37 = vector.load %arg5[%get3A_35, %get3A_36] : memref<1x64xf32, #tpu.memory_space<vmem>>, vector<1x64xf32>
    %add3A_38 = vector.broadcast %get3A_37 : vector<1x64xf32> to vector<128x64xf32>
    %add3A_39 = arith.addf %dot_general3A_34, %add3A_38 : vector<128x64xf32>
    %max3A = arith.constant 0.000000e+00 : f32
    %max3A_40 = vector.broadcast %max3A : f32 to vector<128x64xf32>
    %max3A_41 = arith.maximumf %add3A_39, %max3A_40 : vector<128x64xf32>
    %get3A_42 = arith.constant 0 : index
    %get3A_43 = arith.constant 0 : index
    %get3A_44 = vector.load %arg6[%get3A_42, %get3A_43] : memref<64x32xf32, #tpu.memory_space<vmem>>, vector<64x32xf32>
    %dot_general3A_45 = arith.constant dense<0.000000e+00> : vector<128x32xf32>
    %dot_general3A_46 = tpu.matmul %max3A_41, %get3A_44, %dot_general3A_45 {dimension_numbers = #tpu.dot_dimension_numbers<[1], [0], [0], [1], [0, 0, 1, 1], [], []>, transpose_lhs_hint = false} : vector<128x64xf32>, vector<64x32xf32>, vector<128x32xf32> -> vector<128x32xf32>
    %get3A_47 = arith.constant 0 : index
    %get3A_48 = arith.constant 0 : index
    %get3A_49 = vector.load %arg7[%get3A_47, %get3A_48] : memref<1x32xf32, #tpu.memory_space<vmem>>, vector<1x32xf32>
    %add3A_50 = vector.broadcast %get3A_49 : vector<1x32xf32> to vector<128x32xf32>
    %add3A_51 = arith.addf %dot_general3A_46, %add3A_50 : vector<128x32xf32>
    %max3A_52 = arith.constant 0.000000e+00 : f32
    %max3A_53 = vector.broadcast %max3A_52 : f32 to vector<128x32xf32>
    %max3A_54 = arith.maximumf %add3A_51, %max3A_53 : vector<128x32xf32>
    %get3A_55 = arith.constant 0 : index
    %get3A_56 = arith.constant 0 : index
    %get3A_57 = vector.load %arg8[%get3A_55, %get3A_56] : memref<32x1xf32, #tpu.memory_space<vmem>>, vector<32x1xf32>
    %dot_general3A_58 = arith.constant dense<0.000000e+00> : vector<128x1xf32>
    %dot_general3A_59 = tpu.matmul %max3A_54, %get3A_57, %dot_general3A_58 {dimension_numbers = #tpu.dot_dimension_numbers<[1], [0], [0], [1], [0, 0, 1, 1], [], []>, transpose_lhs_hint = false} : vector<128x32xf32>, vector<32x1xf32>, vector<128x1xf32> -> vector<128x1xf32>
    %get3A_60 = arith.constant 0 : index
    %get3A_61 = arith.constant 0 : index
    %get3A_62 = vector.load %arg9[%get3A_60, %get3A_61] : memref<1x1xf32, #tpu.memory_space<vmem>>, vector<1x1xf32>
    %add3A_63 = vector.broadcast %get3A_62 : vector<1x1xf32> to vector<128x1xf32>
    %add3A_64 = arith.addf %dot_general3A_59, %add3A_63 : vector<128x1xf32>
    %neg3A = arith.constant 0.000000e+00 : f32
    %neg3A_65 = vector.broadcast %neg3A : f32 to vector<128x1xf32>
    %neg3A_66 = arith.subf %neg3A_65, %add3A_64 : vector<128x1xf32>
    %exp3A_67 = math.exp %neg3A_66 : vector<128x1xf32>
    %add3A_68 = arith.constant 1.000000e+00 : f32
    %add3A_69 = vector.broadcast %add3A_68 : f32 to vector<128x1xf32>
    %add3A_70 = arith.addf %add3A_69, %exp3A_67 : vector<128x1xf32>
    %div3A = arith.constant 1.000000e+00 : f32
    %div3A_71 = vector.broadcast %div3A : f32 to vector<128x1xf32>
    %div3A_72 = arith.divf %div3A_71, %add3A_70 : vector<128x1xf32>
    %swap3A = arith.constant 0 : index
    %swap3A_73 = arith.constant 0 : index
    %swap3A_74 = vector.load %arg10[%swap3A, %swap3A_73] : memref<128x1xf32, #tpu.memory_space<vmem>>, vector<128x1xf32>
    tpu.vector_store %arg10[%swap3A, %swap3A_73], %div3A_72 {strides = array<i32>} : memref<128x1xf32, #tpu.memory_space<vmem>>, vector<128x1xf32>,
    return
  }
}

</mosaic_0001>

<sc_bundles>
// kernel: kernel.10.cloned.1.call-start
scs
__scs_entry_jumppad:
0x0: {  	(pc) =	sbr.rel $0x88, $3  }
0x1: {  	(tag) =	ssettag $0x0;
	lr =	simm.s32 $0x1  }
0x2: {  	[smem:$0x3F92] =	sst lr;
	_ =	strace $0xD0000000  }
0x3: {  	_ = 	snop  }
0x4: {  	_ = 	snop  }
0x5: {  	_ = 	snop  }
0x6: {  	_ = 	snop  }
0x7: {  	_ = 	snop  }
__scs_overlays_trampoline_lowered:
0x8: {  	[smem:$0x3FA1] =	sst s0  }
0x9: {  	[smem:$0x3FA2] =	sst s1  }
0xa: {  	[smem:$0x3FA3] =	sst s2  }
0xb: {  	[smem:$0x3FA4] =	sst s3  }
0xc: {  	[smem:$0x3FA5] =	sst s4  }
0xd: {  	[smem:$0x3FA6] =	sst s5  }
0xe: {  	[smem:$0x3FA7] =	sst s6  }
0xf: {  	[smem:$0x3FA8] =	sst s7  }
0x10: {  	[smem:$0x3FA9] =	sst s8  }
0x11: {  	[smem:$0x3FAA] =	sst s9;
	s0 =	simm.s32 @!p0 $0x0  }
0x12: {  	s1 =	sld [smem:$0x3F90];
	s0 =	simm.s32 @p0 $0x1  }
0x13: {  	[smem:$0x3FAB] =	sst s0;
	s0 =	simm.s32 @!p1 $0x0  }
0x14: {  	s2 =	sld [smem:$0x3F8F];
	s0 =	simm.s32 @p1 $0x1  }
0x15: {  	[smem:$0x3FAC] =	sst s0;
	s0 =	simm.s32 @!p2 $0x0  }
0x16: {  	s3 =	sld [smem:$0x3FDB];
	s0 =	simm.s32 @p2 $0x1  }
0x17: {  	s4 =	simm.s32 $0x1BF5;
	[smem:$0x3FAE] =	sst s0  }
0x18: {  	s0 =	sld [smem:$0x3F91];
	_ =	swait.ge [sflag:s4], $0x0  }
0x19: {  	s7 =	sld [smem:$0x3F92]  }
0x1a: {  	s8 =	sadd.s32 $0xFFFFE003, lr  }
0x1b: {  	s9 =	sadd.s32 $0xFFFFFEF7, lr;
	s5 =	simm.s32 $0xFFFFFFFF;
	p2 =	slt.u32 s8, $0xFFFFF086  }
0x1c: {  	p1 =	slt.u32 s9, $0xF7A;
	s5 =	simm.s32 @!p2 $0x0  }
0x1d: {  	s5 =	simm.s32 @p1 $0x1;
	p0 =	seq.s32 s7, s2  }
0x1e: {  	s7 =	smul.u32 @!p0 $0xF7A, s2;
	p2 =	seq.s32 @!p0 s5, $0x0  }
0x1f: {  	s9 =	smul.u32 $0xF7A, s1;
	s8 =	simm.s32 @!p0 $0x1BF5;
	p2 =	por !p2, p0  }
0x20: {  	[sflag:s8] =	ssyncset.s32 @!p0 $0xFFFFF086;
	s6 =	sadd.s32 @!p0 s3, s7;
	s7 =	simm.s32 @!p0 $0x108  }
0x21: {  	s3 =	sadd.s32 s3, s9;
	s6 =	sadd.s32 @!p0 $0x88, s6;
	s7 =	simm.s32 @p2 $0x1082  }
0x22: {  	[simem:s7], [sflag:s8] =	dma.local @!p0 [hbm:s6], $0xF7A  }
0x23: {  	s9 =	sor.u32 $0xD0000000, s2;
	s6 =	simm.s32 $0x108;
	_ =	swait.ge @!p0 [sflag:s8], $0x0  }
0x24: {  	s3 =	sadd.s32 $0x88, s3;
	s6 =	simm.s32 @!p1 $0x1082;
	[sflag:s4] =	ssyncset.s32 $0xFFFFF086  }
0x25: {  	[simem:s6], [sflag:s4] =	dma.local [hbm:s3], $0xF7A  }
0x26: {  	[smem:$0x3F92] =	sst s1;
	(tag) =	ssettag s2;
	_ =	strace s9  }
0x27: {  	s1 =	sld [smem:$0x3FA2]  }
0x28: {  	s2 =	sld [smem:$0x3FA3]  }
0x29: {  	s4 =	sld [smem:$0x3FA5]  }
0x2a: {  	p0 =	seq.s32 s5, $0x0;
	s5 =	sld [smem:$0x3FA6]  }
0x2b: {  	s6 =	sld [smem:$0x3FA7]  }
0x2c: {  	s7 =	sld [smem:$0x3FA8]  }
0x2d: {  	s3 =	simm.s32 $0x108;
	s8 =	sld [smem:$0x3FA9]  }
0x2e: {  	s3 =	simm.s32 @!p0 $0x1082;
	s9 =	sld [smem:$0x3FAA]  }
0x2f: {  	lr =	sadd.s32 s0, s3;
	s0 =	sld [smem:$0x3FA1]  }
0x30: {  	s3 =	sld [smem:$0x3FA4]  }
0x31: {  	[smem:$0x3FAD] =	sst s10  }
0x32: {  	s10 =	sld [smem:$0x3FAB];
	_ =	sdelay $0x3  }
0x33: {  	p0 =	seq.s32 s10, $0x1;
	s10 =	sld [smem:$0x3FAD];
	_ =	sdelay $0x3  }
0x34: {  	[smem:$0x3FAD] =	sst s10  }
0x35: {  	s10 =	sld [smem:$0x3FAC];
	_ =	sdelay $0x3  }
0x36: {  	p1 =	seq.s32 s10, $0x1;
	s10 =	sld [smem:$0x3FAD];
	_ =	sdelay $0x3  }
0x37: {  	[smem:$0x3FAD] =	sst s10  }
0x38: {  	s10 =	sld [smem:$0x3FAE]  }
0x39: {  	_ = 	snop;
	(pc) =	sbr.ind lr, $3  }
0x3a: {  	_ = 	snop  }
0x3b: {  	_ = 	snop  }
0x3c: {  	p2 =	seq.s32 s10, $0x1;
	s10 =	sld [smem:$0x3FAD]  }
0x3d: {  	_ =	shalt  }
0x3e: {  	_ =	shalt  }
0x3f: {  	_ =	shalt  }
0x40: {  	_ =	shalt  }
0x41: {  	_ =	shalt  }
0x42: {  	_ =	shalt  }
0x43: {  	_ =	shalt  }
0x44: {  	_ =	shalt  }
0x45: {  	_ =	shalt  }
0x46: {  	_ =	shalt  }
0x47: {  	_ =	shalt  }
0x48: {  	_ =	shalt  }
0x49: {  	_ =	shalt  }
0x4a: {  	_ =	shalt  }
0x4b: {  	_ =	shalt  }
0x4c: {  	_ =	shalt  }
0x4d: {  	_ =	shalt  }
0x4e: {  	_ =	shalt  }
0x4f: {  	_ =	shalt  }
0x50: {  	_ =	shalt  }
0x51: {  	_ =	shalt  }
0x52: {  	_ =	shalt  }
0x53: {  	_ =	shalt  }
0x54: {  	_ =	shalt  }
0x55: {  	_ =	shalt  }
0x56: {  	_ =	shalt  }
0x57: {  	_ =	shalt  }
0x58: {  	_ =	shalt  }
0x59: {  	_ =	shalt  }
0x5a: {  	_ =	shalt  }
0x5b: {  	_ =	shalt  }
0x5c: {  	_ =	shalt  }
0x5d: {  	_ =	shalt  }
0x5e: {  	_ =	shalt  }
0x5f: {  	_ =	shalt  }
0x60: {  	_ =	shalt  }
0x61: {  	_ =	shalt  }
0x62: {  	_ =	shalt  }
0x63: {  	_ =	shalt  }
0x64: {  	_ =	shalt  }
0x65: {  	_ =	shalt  }
0x66: {  	_ =	shalt  }
0x67: {  	_ =	shalt  }
0x68: {  	_ =	shalt  }
0x69: {  	_ =	shalt  }
0x6a: {  	_ =	shalt  }
0x6b: {  	_ =	shalt  }
0x6c: {  	_ =	shalt  }
0x6d: {  	_ =	shalt  }
0x6e: {  	_ =	shalt  }
0x6f: {  	_ =	shalt  }
0x70: {  	_ =	shalt  }
0x71: {  	_ =	shalt  }
0x72: {  	_ =	shalt  }
0x73: {  	_ =	shalt  }
0x74: {  	_ =	shalt  }
0x75: {  	_ =	shalt  }
0x76: {  	_ =	shalt  }
0x77: {  	_ =	shalt  }
0x78: {  	_ =	shalt  }
0x79: {  	_ =	shalt  }
0x7a: {  	_ =	shalt  }
0x7b: {  	_ =	shalt  }
0x7c: {  	_ =	shalt  }
0x7d: {  	_ =	shalt  }
0x7e: {  	_ =	shalt  }
0x7f: {  	_ =	shalt  }
0x80: {  	_ =	shalt  }
0x81: {  	_ =	shalt  }
0x82: {  	_ =	shalt  }
0x83: {  	_ =	shalt  }
0x84: {  	_ =	shalt  }
0x85: {  	_ =	shalt  }
0x86: {  	_ =	shalt  }
0x87: {  	_ =	shalt  }
.Lfunc_end0:
.L_simem_size_0:
called_computation_lowered:
.L_overlay_start_0:
0x88: {  	s2 =	sld [smem:$0x3FD9]  }
0x89: {  	s3 =	sld [smem:$0x3FFE];
	_ =	sdelay $0x1  }
0x8a: {  	s1 =	srdreg.scid  }
0x8b: {  	s0 =	sand.u32 $0x1, s1  }
0x8c: {  	s16 =	sshll.u32 s0, $0xA;
	s2 =	sadd.s32 s3, s2  }
0x8d: {  	s2 =	sadd.s32 s2, s16  }
0x8e: {  	[smem:$0x3FB9] =	sst s2  }
0x8f: {  	_ = 	snop  }
0x90: {  	(tm) =	ssettm $0x1  }
0x91: {  	s17 =	sld [smem:$0x3FFB];
	_ =	sdelay $0x3  }
0x92: {  	_ =	strace s17  }
0x93: {  	s2 =	sld [smem:$0x3FFC];
	_ =	sdelay $0x3  }
0x94: {  	_ =	strace s2  }
0x95: {  	s2 =	sld [smem:$0x3FFD];
	_ =	sdelay $0x3  }
0x96: {  	_ =	strace s2  }
0x97: {  	_ =	strace $0x8FFFFFFF  }
0x98: {  	s18 =	sld [smem:$0x3FDB];
	_ =	sdelay $0x1  }
0x99: {  	s19 =	simm.s32 $_scs_section_size  }
0x9a: {  	s4 =	simm.s32 $_size__tile_overlayer_lowered;
	s5 =	simm.s32 $_tile_overlayer_lowered  }
0x9b: {  	s22 =	simm.s32 $0x1BFF;
	s21 =	sshll.u32 s5, $0x1;
	s2 =	sadd.s32 s19, s18  }
0x9c: {  	s6 =	simm.s32 $0x0;
	s20 =	sshll.u32 s4, $0x1;
	s4 =	sadd.s32 s21, s2  }
0x9d: {  	[timem:s6], [sflag:s22] =	dma.local [hbm:s4], s20  }
0x9e: {  	_ =	swait.ge [sflag:s22], s20  }
0x9f: {  	s3 =	ssub.s32 $0x0, s20;
	[sflag:s22] =	ssyncset.done $0x0  }
0xa0: {  	[sflag:s22] =	ssyncadd.s32 s3;
	_ =	sdelay $0x1  }
0xa1: {  	s23 =	simm.s32 $0x1B8B  }
0xa2: {  	_ =	swait.ge [sflag:s23], $0x1  }
0xa3: {  	[sflag:s23] =	ssyncset.done $0x0  }
0xa4: {  	s25 =	simm.s32 $0x1B8E;
	s24 =	sld [smem:$0x3FFE];
	[sflag:s23] =	ssyncadd.s32 $0xFFFFFFFF  }
0xa5: {  	s26 =	simm.s32 $execute0_lowered;
	[smem:$0x3FD2] =	sst s25  }
0xa6: {  	s4 =	sshll.u32 s26, $0x1;
	_ =	strace $0x80000046;
	[dreg:$0x1] =	wrdreg $0xFFFFFFFF  }
0xa7: {  	s28 =	simm.s32 $_size_execute0_lowered;
	s2 =	sadd.s32 s2, s4;
	[dreg:$0x0] =	wrdreg $0x0  }
0xa8: {  	s4 =	sshll.u32 s28, $0x1;
	[dreg:$0x2] =	wrdreg s2  }
0xa9: {  	[dreg:$0x3] =	wrdreg s4  }
0xaa: {  	[dreg:$0x4] =	wrdreg $0xC0  }
0xab: {  	_ =	task [dreg:s6], $0x5FFFF  }
0xac: {  	[dreg:$0x1] =	wrdreg $0xFFFFFFFF  }
0xad: {  	[dreg:$0x0] =	wrdreg $0x60  }
0xae: {  	[dreg:$0x2] =	wrdreg s24  }
0xaf: {  	[dreg:$0x3] =	wrdreg $0x9  }
0xb0: {  	_ =	task.clear_ibuf [dreg:s6], $0x4FFFF;
	_ =	strace $0x90000046  }
0xb1: {  	s29 =	simm.s32 $0x9;
	_ =	strace $0x80000048  }
0xb2: {  	_ =	swait.ge [sflag:s29], $0x1  }
0xb3: {  	[sflag:s29] =	ssyncadd.s32 $0xFFFFFFFF  }
0xb4: {  	_ =	strace $0x90000048  }
0xb5: {  	_ =	sfence  }
0xb6: {  	s30 =	sld [smem:$0x0];
	_ =	sdelay $0x2  }
0xb7: {  	s31 =	sshll.u32 s1, $0xD;
	s1 =	sshrl.u32 s1, $0x2  }
0xb8: {  	s3 =	sand.u32 $0x4000, s31;
	s1 =	sadd.s32 s1, s30  }
0xb9: {  	s0 =	sor.u32 s3, s0;
	s1 =	sshll.u32 s1, $0x11  }
0xba: {  	s0 =	sor.u32 s1, s0  }
0xbb: {  	s0 =	sadd.s32 $0x8F2B, s0  }
0xbc: {  	[sflag:s0] =	ssyncadd.remote.s32 $0x1  }
0xbd: {  	_ =	sfence.sel $0xFFFF  }
0xbe: {  	[dreg:$0x0] =	wrdreg $0xFFFFFFFF;
	(pc) =	sbr.abs _section_cstart, $3  }
0xbf: {  	[dreg:$0x1] =	wrdreg $0xFFFFFFFF  }
0xc0: {  	_ =	task.clear_ibuf [dreg:s6], $0x2FFFF;
	_ =	strace $0x9FFFFFFF  }
0xc1: {  	(tm) =	ssettm $0x7FFFFFFF  }
tec
execute0_lowered:
.L_overlay_start_1:
0x0: {  	(tag) =	ssettag $0x1  }
0x1: {  	s1 =	srdreg.scid  }
0x2: {  	s0 =	stileid.u32;
	s5 =	rddreg [dreg:$0x0]  }
0x3: {  	s2 =	simm.s32 $0x0;
	s8 =	simm.s32 $0x80;
	s9 =	simm.s32 $0x400  }
0x4: {  	s10 =	simm.s32 $0x0;
	s3 =	sand.u32 $0x1, s1;
	s29 =	sshll.u32 s0, $0x1  }
0x5: {  	s30 =	sshrl.u32 s0, $0x2;
	s1 =	rddreg [dreg:$0x1];
	s4 =	sor.u32 s3, s29  }
0x6: {  	[smem:$0x7FF] =	sst s2;
	s6 =	smul.u32 $0x14000, s30;
	s7 =	sshll.u32 s4, $0x7  }
0x7: {  	s3 =	ssub.s32 $0x2, s3;
	s4 =	smul.u32 $0x500, s4;
	s7 =	sand.u32 $0x380, s7  }
0x8: {  	_ =	strace $0x80000047;
	s31 =	sshrl.u32 s3, $0x1;
	s6 =	sor.u32 s6, s7  }
0x9: {  	s4 =	sadd.s32 s4, s5;
	s7 =	simm.s32 $0x2800;
	s6 =	sshrl.u32 s6, $0x3  }
0xa: {  	s5 =	sadd.s32 s6, s5;
	s6 =	ssub.s32 s3, s31;
	s3 =	sadd.s32 $0xCE00, s4  }
0xb: {  	v0 =	vimm.f32 $0.0e+00;
	v1 =	vimm.f32 $1.000000000e+00;
	s4 =	sadd.s32 $0x16E00, s5;
	s5 =	smax.u32 s6, $0x1;
	s6 =	simm.s32 $0x1  }
.LBB2_1:
0xc: {  	[tilespmem:s2], [sflag:$0x1] =	stream.linear.gather [hbm4b:s3+s2], $0x2800, $0x38;
	[tilespmem:$0x5000] =	vst v63  }
0xd: {  	_ =	swait.ge [sflag:s6], $0x2800  }
0xe: {  	[sflag:s6] =	ssyncset.done $0x0  }
0xf: {  	s11 =	simm.s32 $0x0;
	[sflag:s6] =	ssyncadd.s32 $0xFFFFD800  }
.LBB2_2:
0x10: {  	p0 =	sne.s32 s11, $0x9FC0  }
.Ltmp0:
0x11: {  	_ = 	snop;
	(pc) =	sbr.rel @p0 .LBB2_2-.Ltmp0, $3  }
0x12: {  	_ =	sdelay $0x1  }
0x13: {  	s12 =	sshra.s32 s11, $0x2  }
0x14: {  	s11 =	sadd.s32 $0x40, s11;
	[tilespmem:s12+$0x2800] =	vst v0  }
0x15: {  	s11 =	simm.s32 $0x0;
	s12 =	simm.s32 $0x0  }
0x16: {  	s13 =	simm.s32 $0x0;
	s12 =	sand.u32 $0x3800, s12;
	s14 =	sand.u32 $0x400, s11  }
0x17: {  	s13 =	sand.u32 $0x380, s13;
	s12 =	sor.u32 s14, s12  }
0x18: {  	s31 =	sand.u32 $0x70, s11;
	s12 =	sor.u32 s13, s12  }
0x19: {  	s13 =	sor.u32 s31, s12  }
0x1a: {  	v2 =	vld [tilespmem:s13+$0x0];
	_ =	sdelay $0x2  }
0x1b: {  	s15 =	simm.s32 $0x10  }
0x1c: {  	s14 =	simm.s32 $0x8;
	s12 =	simm.s32 $0x80;
	s13 =	simm.s32 $0x2  }
.LBB2_4:
0x1d: {  	p0 =	sne.s32 s13, $0x27F;
	s15 =	sand.u32 $0x3800, s15;
	s16 =	sand.u32 $0x400, s12  }
0x1e: {  	s14 =	sand.u32 $0x380, s14;
	s11 =	sadd.s32 $0x10, s11;
	s15 =	sor.u32 s16, s15  }
0x1f: {  	s16 =	sand.u32 $0x70, s11;
	s14 =	sor.u32 s14, s15  }
0x20: {  	s14 =	sor.u32 s16, s14;
	[tilespmem:v2+s7+$0x0] =	vst.idx.add.f32.msk $0xffff, v1  }
.Ltmp1:
0x21: {  	v2 =	vld [tilespmem:s14+$0x0];
	(pc) =	sbr.rel @p0 .LBB2_4-.Ltmp1, $3  }
0x22: {  	_ =	sdelay $0x1  }
0x23: {  	s12 =	sadd.s32 $0x80, s12  }
0x24: {  	s15 =	sshll.u32 s13, $0x4;
	s14 =	sshll.u32 s13, $0x3;
	s13 =	sadd.s32 $0x1, s13  }
0x25: {  	_ = 	snop  }
0x26: {  	s13 =	sand.u32 $0x3800, s15;
	s12 =	sand.u32 $0x400, s12  }
0x27: {  	s14 =	sand.u32 $0x380, s14;
	s11 =	sadd.s32 $0x10, s11;
	s12 =	sor.u32 s12, s13  }
0x28: {  	s11 =	sand.u32 $0x70, s11;
	s12 =	sor.u32 s14, s12  }
0x29: {  	[tilespmem:v2+s7+$0x0] =	vst.idx.add.f32.msk $0xffff, v1;
	s11 =	sor.u32 s11, s12  }
0x2a: {  	v2 =	vld [tilespmem:s11+$0x0];
	_ =	sdelay $0x5  }
0x2b: {  	s10 =	sadd.s32 $0x1, s10  }
0x2c: {  	p0 =	sne.s32 s10, s5  }
.Ltmp2:
0x2d: {  	[tilespmem:v2+s7+$0x0] =	vst.idx.add.f32.msk $0xffff, v1;
	(pc) =	sbr.rel @p0 .LBB2_1-.Ltmp2, $4  }
0x2e: {  	[hbm4b:s4+s8] =	stream.strided.scatter [tilespmem:s7], [sflag:$0x1], $0x2800, s9, s8, $0x38;
	[tilespmem:$0x5000] =	vst v63  }
0x2f: {  	_ =	swait.ge [sflag:s6], $0x2800  }
0x30: {  	[sflag:s6] =	ssyncset.done $0x0  }
0x31: {  	[sflag:s6] =	ssyncadd.s32 $0xFFFFD800  }
0x32: {  	_ =	sfence.sel $0x180000  }
0x33: {  	[bflag:$0x0] =	sbarrier.arrive $0xFFFF  }
0x34: {  	p0 =	sne.s32 s0, $0x0;
	_ =	strace $0x90000047  }
0x35: {  	s0 =	sadd.s32 @!p0 $0x100000, s1;
	[bflag:$0x2] =	sbarrier.arrive $0xFFFF  }
0x36: {  	[sflag:s0] =	ssyncadd.tile.s32 @!p0 $0x1;
	_ =	shalt  }
.Lfunc_end2:
_tile_overlayer_lowered:
.L_overlay_start_2:
0x37: {  	(tag) =	ssettag $0x2  }
0x38: {  	s0 =	rddreg [dreg:$0x0];
	s2 =	stileid.u32  }
0x39: {  	s1 =	rddreg [dreg:$0x1];
	p0 =	sne.s32 s2, $0x0  }
0x3a: {  	s3 =	rddreg [dreg:$0x2];
	[bflag:$0x3] =	sbarrier.arrive $0xFFFF;
	s2 =	simm.s32 @!p0 $0x1C01  }
0x3b: {  	[timem:s3], [sflag:s2] =	dma.local @!p0 [hbm:s0], s1  }
0x3c: {  	s0 =	simm.s32 @!p0 $0x1  }
0x3d: {  	_ =	swait.ge @!p0 [sflag:s0], s1  }
0x3e: {  	s1 =	ssub.s32 @!p0 $0x0, s1;
	[sflag:s0] =	ssyncset.done @!p0 $0x0  }
0x3f: {  	[sflag:s0] =	ssyncadd.s32 @!p0 s1  }
0x40: {  	[bflag:$0x3] =	sbarrier.arrive $0xFFFF  }
0x41: {  	_ =	shalt  }

// kernel: kernel.13.cloned.1.call-start
scs
__scs_entry_jumppad:
0x0: {  	(pc) =	sbr.rel $0x88, $3  }
0x1: {  	(tag) =	ssettag $0x0;
	lr =	simm.s32 $0x1  }
0x2: {  	[smem:$0x3F92] =	sst lr;
	_ =	strace $0xD0000000  }
0x3: {  	_ = 	snop  }
0x4: {  	_ = 	snop  }
0x5: {  	_ = 	snop  }
0x6: {  	_ = 	snop  }
0x7: {  	_ = 	snop  }
__scs_overlays_trampoline_lowered:
0x8: {  	[smem:$0x3FA1] =	sst s0  }
0x9: {  	[smem:$0x3FA2] =	sst s1  }
0xa: {  	[smem:$0x3FA3] =	sst s2  }
0xb: {  	[smem:$0x3FA4] =	sst s3  }
0xc: {  	[smem:$0x3FA5] =	sst s4  }
0xd: {  	[smem:$0x3FA6] =	sst s5  }
0xe: {  	[smem:$0x3FA7] =	sst s6  }
0xf: {  	[smem:$0x3FA8] =	sst s7  }
0x10: {  	[smem:$0x3FA9] =	sst s8  }
0x11: {  	[smem:$0x3FAA] =	sst s9;
	s0 =	simm.s32 @!p0 $0x0  }
0x12: {  	s1 =	sld [smem:$0x3F90];
	s0 =	simm.s32 @p0 $0x1  }
0x13: {  	[smem:$0x3FAB] =	sst s0;
	s0 =	simm.s32 @!p1 $0x0  }
0x14: {  	s2 =	sld [smem:$0x3F8F];
	s0 =	simm.s32 @p1 $0x1  }
0x15: {  	[smem:$0x3FAC] =	sst s0;
	s0 =	simm.s32 @!p2 $0x0  }
0x16: {  	s3 =	sld [smem:$0x3FDB];
	s0 =	simm.s32 @p2 $0x1  }
0x17: {  	s4 =	simm.s32 $0x1BF5;
	[smem:$0x3FAE] =	sst s0  }
0x18: {  	s0 =	sld [smem:$0x3F91];
	_ =	swait.ge [sflag:s4], $0x0  }
0x19: {  	s7 =	sld [smem:$0x3F92]  }
0x1a: {  	s8 =	sadd.s32 $0xFFFFE003, lr  }
0x1b: {  	s9 =	sadd.s32 $0xFFFFFEF7, lr;
	s5 =	simm.s32 $0xFFFFFFFF;
	p2 =	slt.u32 s8, $0xFFFFF086  }
0x1c: {  	p1 =	slt.u32 s9, $0xF7A;
	s5 =	simm.s32 @!p2 $0x0  }
0x1d: {  	s5 =	simm.s32 @p1 $0x1;
	p0 =	seq.s32 s7, s2  }
0x1e: {  	s7 =	smul.u32 @!p0 $0xF7A, s2;
	p2 =	seq.s32 @!p0 s5, $0x0  }
0x1f: {  	s9 =	smul.u32 $0xF7A, s1;
	s8 =	simm.s32 @!p0 $0x1BF5;
	p2 =	por !p2, p0  }
0x20: {  	[sflag:s8] =	ssyncset.s32 @!p0 $0xFFFFF086;
	s6 =	sadd.s32 @!p0 s3, s7;
	s7 =	simm.s32 @!p0 $0x108  }
0x21: {  	s3 =	sadd.s32 s3, s9;
	s6 =	sadd.s32 @!p0 $0x88, s6;
	s7 =	simm.s32 @p2 $0x1082  }
0x22: {  	[simem:s7], [sflag:s8] =	dma.local @!p0 [hbm:s6], $0xF7A  }
0x23: {  	s9 =	sor.u32 $0xD0000000, s2;
	s6 =	simm.s32 $0x108;
	_ =	swait.ge @!p0 [sflag:s8], $0x0  }
0x24: {  	s3 =	sadd.s32 $0x88, s3;
	s6 =	simm.s32 @!p1 $0x1082;
	[sflag:s4] =	ssyncset.s32 $0xFFFFF086  }
0x25: {  	[simem:s6], [sflag:s4] =	dma.local [hbm:s3], $0xF7A  }
0x26: {  	[smem:$0x3F92] =	sst s1;
	(tag) =	ssettag s2;
	_ =	strace s9  }
0x27: {  	s1 =	sld [smem:$0x3FA2]  }
0x28: {  	s2 =	sld [smem:$0x3FA3]  }
0x29: {  	s4 =	sld [smem:$0x3FA5]  }
0x2a: {  	p0 =	seq.s32 s5, $0x0;
	s5 =	sld [smem:$0x3FA6]  }
0x2b: {  	s6 =	sld [smem:$0x3FA7]  }
0x2c: {  	s7 =	sld [smem:$0x3FA8]  }
0x2d: {  	s3 =	simm.s32 $0x108;
	s8 =	sld [smem:$0x3FA9]  }
0x2e: {  	s3 =	simm.s32 @!p0 $0x1082;
	s9 =	sld [smem:$0x3FAA]  }
0x2f: {  	lr =	sadd.s32 s0, s3;
	s0 =	sld [smem:$0x3FA1]  }
0x30: {  	s3 =	sld [smem:$0x3FA4]  }
0x31: {  	[smem:$0x3FAD] =	sst s10  }
0x32: {  	s10 =	sld [smem:$0x3FAB];
	_ =	sdelay $0x3  }
0x33: {  	p0 =	seq.s32 s10, $0x1;
	s10 =	sld [smem:$0x3FAD];
	_ =	sdelay $0x3  }
0x34: {  	[smem:$0x3FAD] =	sst s10  }
0x35: {  	s10 =	sld [smem:$0x3FAC];
	_ =	sdelay $0x3  }
0x36: {  	p1 =	seq.s32 s10, $0x1;
	s10 =	sld [smem:$0x3FAD];
	_ =	sdelay $0x3  }
0x37: {  	[smem:$0x3FAD] =	sst s10  }
0x38: {  	s10 =	sld [smem:$0x3FAE]  }
0x39: {  	_ = 	snop;
	(pc) =	sbr.ind lr, $3  }
0x3a: {  	_ = 	snop  }
0x3b: {  	_ = 	snop  }
0x3c: {  	p2 =	seq.s32 s10, $0x1;
	s10 =	sld [smem:$0x3FAD]  }
0x3d: {  	_ =	shalt  }
0x3e: {  	_ =	shalt  }
0x3f: {  	_ =	shalt  }
0x40: {  	_ =	shalt  }
0x41: {  	_ =	shalt  }
0x42: {  	_ =	shalt  }
0x43: {  	_ =	shalt  }
0x44: {  	_ =	shalt  }
0x45: {  	_ =	shalt  }
0x46: {  	_ =	shalt  }
0x47: {  	_ =	shalt  }
0x48: {  	_ =	shalt  }
0x49: {  	_ =	shalt  }
0x4a: {  	_ =	shalt  }
0x4b: {  	_ =	shalt  }
0x4c: {  	_ =	shalt  }
0x4d: {  	_ =	shalt  }
0x4e: {  	_ =	shalt  }
0x4f: {  	_ =	shalt  }
0x50: {  	_ =	shalt  }
0x51: {  	_ =	shalt  }
0x52: {  	_ =	shalt  }
0x53: {  	_ =	shalt  }
0x54: {  	_ =	shalt  }
0x55: {  	_ =	shalt  }
0x56: {  	_ =	shalt  }
0x57: {  	_ =	shalt  }
0x58: {  	_ =	shalt  }
0x59: {  	_ =	shalt  }
0x5a: {  	_ =	shalt  }
0x5b: {  	_ =	shalt  }
0x5c: {  	_ =	shalt  }
0x5d: {  	_ =	shalt  }
0x5e: {  	_ =	shalt  }
0x5f: {  	_ =	shalt  }
0x60: {  	_ =	shalt  }
0x61: {  	_ =	shalt  }
0x62: {  	_ =	shalt  }
0x63: {  	_ =	shalt  }
0x64: {  	_ =	shalt  }
0x65: {  	_ =	shalt  }
0x66: {  	_ =	shalt  }
0x67: {  	_ =	shalt  }
0x68: {  	_ =	shalt  }
0x69: {  	_ =	shalt  }
0x6a: {  	_ =	shalt  }
0x6b: {  	_ =	shalt  }
0x6c: {  	_ =	shalt  }
0x6d: {  	_ =	shalt  }
0x6e: {  	_ =	shalt  }
0x6f: {  	_ =	shalt  }
0x70: {  	_ =	shalt  }
0x71: {  	_ =	shalt  }
0x72: {  	_ =	shalt  }
0x73: {  	_ =	shalt  }
0x74: {  	_ =	shalt  }
0x75: {  	_ =	shalt  }
0x76: {  	_ =	shalt  }
0x77: {  	_ =	shalt  }
0x78: {  	_ =	shalt  }
0x79: {  	_ =	shalt  }
0x7a: {  	_ =	shalt  }
0x7b: {  	_ =	shalt  }
0x7c: {  	_ =	shalt  }
0x7d: {  	_ =	shalt  }
0x7e: {  	_ =	shalt  }
0x7f: {  	_ =	shalt  }
0x80: {  	_ =	shalt  }
0x81: {  	_ =	shalt  }
0x82: {  	_ =	shalt  }
0x83: {  	_ =	shalt  }
0x84: {  	_ =	shalt  }
0x85: {  	_ =	shalt  }
0x86: {  	_ =	shalt  }
0x87: {  	_ =	shalt  }
.Lfunc_end0:
.L_simem_size_0:
called_computation.1_lowered:
.L_overlay_start_0:
0x88: {  	s2 =	sld [smem:$0x3FD9]  }
0x89: {  	s3 =	sld [smem:$0x3FFE];
	_ =	sdelay $0x1  }
0x8a: {  	s1 =	srdreg.scid  }
0x8b: {  	s0 =	sand.u32 $0x1, s1  }
0x8c: {  	s16 =	sshll.u32 s0, $0xA;
	s2 =	sadd.s32 s3, s2  }
0x8d: {  	s2 =	sadd.s32 s2, s16  }
0x8e: {  	[smem:$0x3FB9] =	sst s2  }
0x8f: {  	_ = 	snop  }
0x90: {  	(tm) =	ssettm $0x1  }
0x91: {  	s17 =	sld [smem:$0x3FFB];
	_ =	sdelay $0x3  }
0x92: {  	_ =	strace s17  }
0x93: {  	s2 =	sld [smem:$0x3FFC];
	_ =	sdelay $0x3  }
0x94: {  	_ =	strace s2  }
0x95: {  	s2 =	sld [smem:$0x3FFD];
	_ =	sdelay $0x3  }
0x96: {  	_ =	strace s2  }
0x97: {  	_ =	strace $0x8FFFFFFF  }
0x98: {  	s18 =	sld [smem:$0x3FDB];
	_ =	sdelay $0x1  }
0x99: {  	s19 =	simm.s32 $_scs_section_size  }
0x9a: {  	s4 =	simm.s32 $_size__tile_overlayer_lowered;
	s5 =	simm.s32 $_tile_overlayer_lowered  }
0x9b: {  	s22 =	simm.s32 $0x1BFF;
	s21 =	sshll.u32 s5, $0x1;
	s2 =	sadd.s32 s19, s18  }
0x9c: {  	s6 =	simm.s32 $0x0;
	s20 =	sshll.u32 s4, $0x1;
	s4 =	sadd.s32 s21, s2  }
0x9d: {  	[timem:s6], [sflag:s22] =	dma.local [hbm:s4], s20  }
0x9e: {  	_ =	swait.ge [sflag:s22], s20  }
0x9f: {  	s3 =	ssub.s32 $0x0, s20;
	[sflag:s22] =	ssyncset.done $0x0  }
0xa0: {  	[sflag:s22] =	ssyncadd.s32 s3;
	_ =	sdelay $0x1  }
0xa1: {  	s23 =	simm.s32 $0x1B8B  }
0xa2: {  	_ =	swait.ge [sflag:s23], $0x1  }
0xa3: {  	[sflag:s23] =	ssyncset.done $0x0  }
0xa4: {  	s25 =	simm.s32 $0x1B8E;
	s24 =	sld [smem:$0x3FFE];
	[sflag:s23] =	ssyncadd.s32 $0xFFFFFFFF  }
0xa5: {  	s26 =	simm.s32 $execute0_lowered;
	[smem:$0x3FD2] =	sst s25  }
0xa6: {  	s4 =	sshll.u32 s26, $0x1;
	_ =	strace $0x80000049;
	[dreg:$0x1] =	wrdreg $0xFFFFFFFF  }
0xa7: {  	s28 =	simm.s32 $_size_execute0_lowered;
	s2 =	sadd.s32 s2, s4;
	[dreg:$0x0] =	wrdreg $0x0  }
0xa8: {  	s4 =	sshll.u32 s28, $0x1;
	[dreg:$0x2] =	wrdreg s2  }
0xa9: {  	[dreg:$0x3] =	wrdreg s4  }
0xaa: {  	[dreg:$0x4] =	wrdreg $0xC0  }
0xab: {  	_ =	task [dreg:s6], $0x5FFFF  }
0xac: {  	[dreg:$0x1] =	wrdreg $0xFFFFFFFF  }
0xad: {  	[dreg:$0x0] =	wrdreg $0x60  }
0xae: {  	[dreg:$0x2] =	wrdreg s24  }
0xaf: {  	[dreg:$0x3] =	wrdreg $0x150000  }
0xb0: {  	[dreg:$0x4] =	wrdreg $0x19F000  }
0xb1: {  	[dreg:$0x5] =	wrdreg $0x9  }
0xb2: {  	_ =	task.clear_ibuf [dreg:s6], $0x6FFFF;
	_ =	strace $0x90000049  }
0xb3: {  	s29 =	simm.s32 $0x9;
	_ =	strace $0x8000004B  }
0xb4: {  	_ =	swait.ge [sflag:s29], $0x1  }
0xb5: {  	[sflag:s29] =	ssyncadd.s32 $0xFFFFFFFF  }
0xb6: {  	_ =	strace $0x9000004B  }
0xb7: {  	_ =	sfence  }
0xb8: {  	s30 =	sld [smem:$0x0];
	_ =	sdelay $0x2  }
0xb9: {  	s31 =	sshll.u32 s1, $0xD;
	s1 =	sshrl.u32 s1, $0x2  }
0xba: {  	s3 =	sand.u32 $0x4000, s31;
	s1 =	sadd.s32 s1, s30  }
0xbb: {  	s0 =	sor.u32 s3, s0;
	s1 =	sshll.u32 s1, $0x11  }
0xbc: {  	s0 =	sor.u32 s1, s0  }
0xbd: {  	s0 =	sadd.s32 $0x8F2B, s0  }
0xbe: {  	[sflag:s0] =	ssyncadd.remote.s32 $0x1  }
0xbf: {  	_ =	sfence.sel $0xFFFF  }
0xc0: {  	[dreg:$0x0] =	wrdreg $0xFFFFFFFF;
	(pc) =	sbr.abs _section_cstart, $3  }
0xc1: {  	[dreg:$0x1] =	wrdreg $0xFFFFFFFF  }
0xc2: {  	_ =	task.clear_ibuf [dreg:s6], $0x2FFFF;
	_ =	strace $0x9FFFFFFF  }
0xc3: {  	(tm) =	ssettm $0x7FFFFFFF  }
tec
execute0_lowered:
.L_overlay_start_1:
0x0: {  	(tag) =	ssettag $0x1  }
0x1: {  	s0 =	rddreg [dreg:$0x0]  }
0x2: {  	s2 =	rddreg [dreg:$0x1]  }
0x3: {  	s3 =	rddreg [dreg:$0x2]  }
0x4: {  	s10 =	stileid.u32;
	s1 =	srdreg.scid;
	s5 =	simm.s32 $0x0  }
0x5: {  	s18 =	simm.s32 $0x100;
	s19 =	simm.s32 $0x5000;
	s20 =	simm.s32 $0x7000  }
0x6: {  	s29 =	simm.s32 $0xF000;
	s31 =	simm.s32 $0x11000;
	s17 =	simm.s32 $0x1  }
0x7: {  	s21 =	simm.s32 $0x2;
	s28 =	simm.s32 $0x5;
	s30 =	simm.s32 $0x6  }
0x8: {  	s12 =	simm.s32 $0xE;
	s15 =	simm.s32 $0xF;
	s16 =	simm.s32 $0x10  }
0x9: {  	s4 =	smul.u32 $0x4F00, s10;
	s1 =	sand.u32 $0x1, s1;
	[smem:$0x7FF] =	sst s5  }
0xa: {  	s22 =	sshll.u32 s10, $0x1;
	s9 =	sshll.u32 s10, $0x6;
	p0 =	seq.s32 s10, $0xF  }
0xb: {  	s10 =	simm.s32 $0xC;
	s6 =	smul.u32 $0x4F000, s1;
	_ =	strace $0x8000004A  }
0xc: {  	s5 =	sor.u32 s1, s22;
	s1 =	ssub.s32 $0x2, s1;
	s13 =	sor.u32 $0x1C11, s9  }
0xd: {  	s22 =	simm.s32 $0x9000;
	s9 =	simm.s32 $0xB;
	s7 =	sshrl.u32 s4, $0x3  }
0xe: {  	s5 =	smul.u32 $0x500, s5;
	s8 =	sshrl.u32 s1, $0x1;
	s23 =	sadd.s32 s4, s2  }
0xf: {  	[dreg:$0x5] =	wrdreg s13;
	s6 =	sadd.s32 s4, s6;
	s7 =	sadd.s32 s7, s0  }
0x10: {  	s1 =	ssub.s32 s1, s8;
	s4 =	sadd.s32 s4, s3;
	s14 =	sshrl.u32 s23, $0x3  }
0x11: {  	s23 =	simm.s32 $0x3;
	s8 =	simm.s32 $0xA;
	s6 =	sshrl.u32 s6, $0x3  }
0x12: {  	s5 =	sadd.s32 s5, s0;
	s11 =	sadd.s32 $0x16C00, s7;
	[dreg:$0xc] =	wrdreg s14  }
0x13: {  	s7 =	sadd.s32 $0xCE00, s7;
	s6 =	sadd.s32 s6, s0;
	[dreg:$0x4] =	wrdreg s11  }
0x14: {  	[dreg:$0x6] =	wrdreg s7;
	s7 =	sadd.s32 $0x4A100, s3;
	s0 =	sadd.s32 $0x16220, s0  }
0x15: {  	s24 =	sadd.s32 $0x20E00, s5;
	s25 =	sadd.s32 $0x2E00, s5;
	[dreg:$0x7] =	wrdreg s0  }
0x16: {  	s5 =	smax.u32 s1, $0x1;
	s1 =	simm.s32 $0x13000;
	[dreg:$0x8] =	wrdreg s24  }
0x17: {  	s11 =	simm.s32 $0xD;
	[dreg:$0x9] =	wrdreg s25;
	s26 =	sadd.s32 $0x2AE00, s6  }
.Ltmp0:
0x18: {  	[dreg:$0xb] =	wrdreg s5;
	s0 =	sshrl.u32 @p0 s7, $0x3;
	(pc) =	sbr.rel .LBB2_1-.Ltmp0, $4  }
0x19: {  	s24 =	simm.s32 $0xB000;
	s25 =	simm.s32 $0x4;
	[dreg:$0xa] =	wrdreg s26  }
0x1a: {  	s5 =	simm.s32 $0x8;
	s6 =	simm.s32 $0x0;
	[dreg:$0xd] =	wrdreg s0  }
0x1b: {  	s7 =	simm.s32 $0x9;
	s0 =	sshrl.u32 @!p0 s4, $0x3;
	[dreg:$0xf] =	wrdreg s6  }
0x1c: {  	s26 =	simm.s32 $0xD000;
	[dreg:$0xe] =	wrdreg s0;
	s0 =	simm.s32 $0x7  }
.LBB2_4:
0x1d: {  	_ =	swait.ge [sflag:s8], $0x2000  }
0x1e: {  	[sflag:s8] =	ssyncset.done $0x0  }
0x1f: {  	[sflag:s8] =	ssyncadd.s32 $0xFFFFE000  }
0x20: {  	_ =	swait.ge [sflag:s9], $0x2000  }
0x21: {  	[sflag:s9] =	ssyncset.done $0x0  }
0x22: {  	[sflag:s9] =	ssyncadd.s32 $0xFFFFE000  }
0x23: {  	_ =	swait.ge [sflag:s10], $0x2000  }
0x24: {  	[sflag:s10] =	ssyncset.done $0x0  }
0x25: {  	[sflag:s10] =	ssyncadd.s32 $0xFFFFE000  }
0x26: {  	_ =	swait.ge [sflag:s11], $0x2000  }
0x27: {  	[sflag:s11] =	ssyncset.done $0x0  }
0x28: {  	[sflag:s11] =	ssyncadd.s32 $0xFFFFE000  }
0x29: {  	_ =	swait.ge [sflag:s12], $0x2000  }
0x2a: {  	[sflag:s12] =	ssyncset.done $0x0  }
0x2b: {  	[sflag:s12] =	ssyncadd.s32 $0xFFFFE000  }
0x2c: {  	_ =	swait.ge [sflag:s15], $0x2000  }
0x2d: {  	[sflag:s15] =	ssyncset.done $0x0  }
0x2e: {  	[sflag:s15] =	ssyncadd.s32 $0xFFFFE000  }
0x2f: {  	_ =	swait.ge [sflag:s16], $0x2000  }
0x30: {  	[sflag:s16] =	ssyncset.done $0x0  }
0x31: {  	[sflag:s16] =	ssyncadd.s32 $0xFFFFE000  }
0x32: {  	[bflag:$0x0] =	sbarrier.arrive $0xFFFF  }
0x33: {  	s13 =	rddreg [dreg:$0x5]  }
0x34: {  	s6 =	rddreg [dreg:$0xa]  }
0x35: {  	s14 =	rddreg [dreg:$0xc]  }
0x36: {  	[hbm:s6], [sflag:s13] =	dma.local [spmem:s14], $0x9E0  }
0x37: {  	s6 =	simm.s32 $0x11  }
0x38: {  	_ =	swait.ge [sflag:s6], $0x9E0  }
0x39: {  	s4 =	rddreg [dreg:$0xf]  }
0x3a: {  	[sflag:s6] =	ssyncset.done $0x0;
	s6 =	rddreg [dreg:$0xb];
	s4 =	sadd.s32 $0x1, s4  }
0x3b: {  	p1 =	sne.s32 s4, s6  }
.Ltmp1:
0x3c: {  	_ = 	snop;
	(pc) =	sbr.rel @!p1 .LBB2_5-.Ltmp1, $3  }
0x3d: {  	_ =	sdelay $0x1  }
0x3e: {  	s6 =	simm.s32 $0x11  }
0x3f: {  	[dreg:$0xf] =	wrdreg s4;
	[sflag:s6] =	ssyncadd.s32 $0xFFFFF620  }
.LBB2_1:
0x40: {  	s4 =	simm.s32 $0x11;
	s6 =	rddreg [dreg:$0x4]  }
0x41: {  	[spmem:s14], [sflag:s13] =	dma.local [hbm:s6], $0x9E0  }
0x42: {  	_ =	swait.ge [sflag:s4], $0x9E0  }
0x43: {  	[sflag:s4] =	ssyncset.done $0x0;
	s6 =	rddreg [dreg:$0x7]  }
0x44: {  	s14 =	rddreg [dreg:$0xd];
	[sflag:s4] =	ssyncadd.s32 $0xFFFFF620  }
0x45: {  	[spmem:s14], [sflag:s13] =	dma.local @p0 [hbm:s6], $0x820  }
0x46: {  	s6 =	simm.s32 @p0 $0x11  }
0x47: {  	_ =	swait.ge @p0 [sflag:s6], $0x820  }
0x48: {  	[sflag:s6] =	ssyncset.done @p0 $0x0;
	s14 =	rddreg [dreg:$0xe]  }
0x49: {  	[sflag:s6] =	ssyncadd.s32 @p0 $0xFFFFF7E0;
	s6 =	rddreg [dreg:$0x6]  }
0x4a: {  	[spmem:s14], [sflag:s13] =	dma.local @!p0 [hbm:s6], $0x9E0  }
0x4b: {  	s6 =	simm.s32 @!p0 $0x11  }
0x4c: {  	_ =	swait.ge @!p0 [sflag:s6], $0x9E0  }
0x4d: {  	[sflag:s6] =	ssyncset.done @!p0 $0x0  }
0x4e: {  	s14 =	rddreg [dreg:$0x8];
	[sflag:s6] =	ssyncadd.s32 @!p0 $0xFFFFF620;
	s6 =	simm.s32 $0x0  }
0x4f: {  	[tilespmem:s6], [sflag:$0x11] =	stream.linear.gather [hbm4b:s14+s6], $0x2800, $0x38;
	[tilespmem:$0x1ED20] =	vst v63  }
0x50: {  	_ =	swait.ge [sflag:s4], $0x2800  }
0x51: {  	[sflag:s4] =	ssyncset.done $0x0  }
0x52: {  	s14 =	simm.s32 $0x2800;
	s13 =	rddreg [dreg:$0x9];
	[sflag:s4] =	ssyncadd.s32 $0xFFFFD800  }
0x53: {  	[tilespmem:s14], [sflag:$0x11] =	stream.linear.gather [hbm4b:s13+s6], $0x2800, $0x38;
	[tilespmem:$0x1ED20] =	vst v63  }
0x54: {  	_ =	swait.ge [sflag:s4], $0x2800  }
0x55: {  	[sflag:s4] =	ssyncset.done $0x0  }
0x56: {  	[sflag:s4] =	ssyncadd.s32 $0xFFFFD800  }
0x57: {  	[bflag:$0x0] =	sbarrier.arrive $0xFFFF  }
0x58: {  	[tilespmem:s19], [sflag:$0x1] =	stream.indirect.gather [spmem:s3], $0x20, s6, s18, $0xb8;
	[tilespmem:$0x1ED20] =	vst v63  }
0x59: {  	_ = 	snop  }
0x5a: {  	[tilespmem:s20], [sflag:$0x2] =	stream.indirect.gather [spmem:s3], $0x20, s18, s18, $0xb8;
	[tilespmem:$0x1ED20] =	vst v63  }
0x5b: {  	s6 =	simm.s32 $0x200  }
0x5c: {  	[tilespmem:s22], [sflag:$0x3] =	stream.indirect.gather [spmem:s3], $0x20, s6, s18, $0xb8;
	[tilespmem:$0x1ED20] =	vst v63  }
0x5d: {  	s13 =	simm.s32 $0x300  }
0x5e: {  	[tilespmem:s24], [sflag:$0x4] =	stream.indirect.gather [spmem:s3], $0x20, s13, s18, $0xb8;
	[tilespmem:$0x1ED20] =	vst v63  }
0x5f: {  	s14 =	simm.s32 $0x400  }
0x60: {  	[tilespmem:s26], [sflag:$0x5] =	stream.indirect.gather [spmem:s3], $0x20, s14, s18, $0xb8;
	[tilespmem:$0x1ED20] =	vst v63  }
0x61: {  	s6 =	simm.s32 $0x500  }
0x62: {  	[tilespmem:s29], [sflag:$0x6] =	stream.indirect.gather [spmem:s3], $0x20, s6, s18, $0xb8;
	[tilespmem:$0x1ED20] =	vst v63  }
0x63: {  	s13 =	simm.s32 $0x600  }
0x64: {  	[tilespmem:s31], [sflag:$0x7] =	stream.indirect.gather [spmem:s3], $0x20, s13, s18, $0xb8;
	[tilespmem:$0x1ED20] =	vst v63  }
0x65: {  	s14 =	simm.s32 $0x700;
	s13 =	simm.s32 $0x0  }
0x66: {  	[tilespmem:s1], [sflag:$0x8] =	stream.indirect.gather [spmem:s3], $0x20, s14, s18, $0xb8;
	[tilespmem:$0x1ED20] =	vst v63  }
.LBB2_2:
0x67: {  	_ =	swait.ge [sflag:s17], $0x2000  }
0x68: {  	s6 =	sshra.s32 s13, $0x2;
	[sflag:s17] =	ssyncset.done $0x0  }
0x69: {  	s14 =	sadd.s32 $0x2800, s6;
	[sflag:s17] =	ssyncadd.s32 $0xFFFFE000  }
0x6a: {  	[spmem:s2] =	stream.indirect.scatter.add.f32 [tilespmem:s19], [sflag:$0x9], $0x20, s14, s18, $0xb8;
	[tilespmem:$0x1ED20] =	vst v63  }
0x6b: {  	_ =	swait.ge [sflag:s21], $0x2000  }
0x6c: {  	[sflag:s21] =	ssyncset.done $0x0  }
0x6d: {  	s4 =	sadd.s32 $0x2900, s6;
	[sflag:s21] =	ssyncadd.s32 $0xFFFFE000  }
0x6e: {  	[spmem:s2] =	stream.indirect.scatter.add.f32 [tilespmem:s20], [sflag:$0xA], $0x20, s4, s18, $0xb8;
	[tilespmem:$0x1ED20] =	vst v63  }
0x6f: {  	_ =	swait.ge [sflag:s23], $0x2000  }
0x70: {  	[sflag:s23] =	ssyncset.done $0x0  }
0x71: {  	s4 =	sadd.s32 $0x2A00, s6;
	[sflag:s23] =	ssyncadd.s32 $0xFFFFE000  }
0x72: {  	[spmem:s2] =	stream.indirect.scatter.add.f32 [tilespmem:s22], [sflag:$0xB], $0x20, s4, s18, $0xb8;
	[tilespmem:$0x1ED20] =	vst v63  }
0x73: {  	_ =	swait.ge [sflag:s25], $0x2000  }
0x74: {  	[sflag:s25] =	ssyncset.done $0x0  }
0x75: {  	s4 =	sadd.s32 $0x2B00, s6;
	[sflag:s25] =	ssyncadd.s32 $0xFFFFE000  }
0x76: {  	[spmem:s2] =	stream.indirect.scatter.add.f32 [tilespmem:s24], [sflag:$0xC], $0x20, s4, s18, $0xb8;
	[tilespmem:$0x1ED20] =	vst v63  }
0x77: {  	_ =	swait.ge [sflag:s28], $0x2000  }
0x78: {  	[sflag:s28] =	ssyncset.done $0x0  }
0x79: {  	s4 =	sadd.s32 $0x2C00, s6;
	[sflag:s28] =	ssyncadd.s32 $0xFFFFE000  }
0x7a: {  	[spmem:s2] =	stream.indirect.scatter.add.f32 [tilespmem:s26], [sflag:$0xD], $0x20, s4, s18, $0xb8;
	[tilespmem:$0x1ED20] =	vst v63  }
0x7b: {  	_ =	swait.ge [sflag:s30], $0x2000  }
0x7c: {  	[sflag:s30] =	ssyncset.done $0x0  }
0x7d: {  	s4 =	sadd.s32 $0x2D00, s6;
	[sflag:s30] =	ssyncadd.s32 $0xFFFFE000  }
0x7e: {  	[spmem:s2] =	stream.indirect.scatter.add.f32 [tilespmem:s29], [sflag:$0xE], $0x20, s4, s18, $0xb8;
	[tilespmem:$0x1ED20] =	vst v63  }
0x7f: {  	_ =	swait.ge [sflag:s0], $0x2000  }
0x80: {  	[sflag:s0] =	ssyncset.done $0x0  }
0x81: {  	s4 =	sadd.s32 $0x2E00, s6;
	[sflag:s0] =	ssyncadd.s32 $0xFFFFE000  }
0x82: {  	[spmem:s2] =	stream.indirect.scatter.add.f32 [tilespmem:s31], [sflag:$0xF], $0x20, s4, s18, $0xb8;
	[tilespmem:$0x1ED20] =	vst v63  }
0x83: {  	_ =	swait.ge [sflag:s5], $0x2000  }
0x84: {  	p1 =	seq.s32 s13, $0x8000;
	[sflag:s5] =	ssyncset.done $0x0  }
.Ltmp2:
0x85: {  	s4 =	sadd.s32 $0x2F00, s6;
	[sflag:s5] =	ssyncadd.s32 $0xFFFFE000;
	(pc) =	sbr.rel @p1 .LBB2_4-.Ltmp2, $4  }
0x86: {  	[spmem:s2] =	stream.indirect.scatter.add.f32 [tilespmem:s1], [sflag:$0x10], $0x20, s4, s18, $0xb8;
	[tilespmem:$0x1ED20] =	vst v63  }
0x87: {  	_ =	swait.ge [sflag:s7], $0x2000  }
0x88: {  	[sflag:s7] =	ssyncset.done $0x0  }
0x89: {  	[sflag:s7] =	ssyncadd.s32 $0xFFFFE000  }
0x8a: {  	s14 =	sadd.s32 $0x800, s6  }
0x8b: {  	[tilespmem:s19], [sflag:$0x1] =	stream.indirect.gather [spmem:s3], $0x20, s14, s18, $0xb8;
	[tilespmem:$0x1ED20] =	vst v63  }
0x8c: {  	_ =	swait.ge [sflag:s8], $0x2000  }
0x8d: {  	[sflag:s8] =	ssyncset.done $0x0  }
0x8e: {  	s4 =	sadd.s32 $0x900, s6;
	[sflag:s8] =	ssyncadd.s32 $0xFFFFE000  }
0x8f: {  	[tilespmem:s20], [sflag:$0x2] =	stream.indirect.gather [spmem:s3], $0x20, s4, s18, $0xb8;
	[tilespmem:$0x1ED20] =	vst v63  }
0x90: {  	_ =	swait.ge [sflag:s9], $0x2000  }
0x91: {  	[sflag:s9] =	ssyncset.done $0x0  }
0x92: {  	s4 =	sadd.s32 $0xA00, s6;
	[sflag:s9] =	ssyncadd.s32 $0xFFFFE000  }
0x93: {  	[tilespmem:s22], [sflag:$0x3] =	stream.indirect.gather [spmem:s3], $0x20, s4, s18, $0xb8;
	[tilespmem:$0x1ED20] =	vst v63  }
0x94: {  	_ =	swait.ge [sflag:s10], $0x2000  }
0x95: {  	[sflag:s10] =	ssyncset.done $0x0  }
0x96: {  	s4 =	sadd.s32 $0xB00, s6;
	[sflag:s10] =	ssyncadd.s32 $0xFFFFE000  }
0x97: {  	[tilespmem:s24], [sflag:$0x4] =	stream.indirect.gather [spmem:s3], $0x20, s4, s18, $0xb8;
	[tilespmem:$0x1ED20] =	vst v63  }
0x98: {  	_ =	swait.ge [sflag:s11], $0x2000  }
0x99: {  	[sflag:s11] =	ssyncset.done $0x0  }
0x9a: {  	s4 =	sadd.s32 $0xC00, s6;
	[sflag:s11] =	ssyncadd.s32 $0xFFFFE000  }
0x9b: {  	[tilespmem:s26], [sflag:$0x5] =	stream.indirect.gather [spmem:s3], $0x20, s4, s18, $0xb8;
	[tilespmem:$0x1ED20] =	vst v63  }
0x9c: {  	_ =	swait.ge [sflag:s12], $0x2000  }
0x9d: {  	[sflag:s12] =	ssyncset.done $0x0  }
0x9e: {  	s4 =	sadd.s32 $0xD00, s6;
	[sflag:s12] =	ssyncadd.s32 $0xFFFFE000  }
0x9f: {  	[tilespmem:s29], [sflag:$0x6] =	stream.indirect.gather [spmem:s3], $0x20, s4, s18, $0xb8;
	[tilespmem:$0x1ED20] =	vst v63  }
0xa0: {  	_ =	swait.ge [sflag:s15], $0x2000  }
0xa1: {  	[sflag:s15] =	ssyncset.done $0x0  }
0xa2: {  	s4 =	sadd.s32 $0xE00, s6;
	[sflag:s15] =	ssyncadd.s32 $0xFFFFE000  }
0xa3: {  	[tilespmem:s31], [sflag:$0x7] =	stream.indirect.gather [spmem:s3], $0x20, s4, s18, $0xb8;
	[tilespmem:$0x1ED20] =	vst v63  }
.Ltmp3:
0xa4: {  	_ = 	snop;
	(pc) =	sbr.rel .LBB2_2-.Ltmp3, $4  }
0xa5: {  	_ =	swait.ge [sflag:s16], $0x2000  }
0xa6: {  	[sflag:s16] =	ssyncset.done $0x0  }
0xa7: {  	s13 =	sadd.s32 $0x2000, s13;
	s14 =	sadd.s32 $0xF00, s6;
	[sflag:s16] =	ssyncadd.s32 $0xFFFFE000  }
0xa8: {  	[tilespmem:s1], [sflag:$0x8] =	stream.indirect.gather [spmem:s3], $0x20, s14, s18, $0xb8;
	[tilespmem:$0x1ED20] =	vst v63  }
.LBB2_5:
0xa9: {  	_ =	sfence.sel $0x180000  }
0xaa: {  	[bflag:$0x0] =	sbarrier.arrive $0xFFFF  }
0xab: {  	_ =	strace $0x9000004A  }
0xac: {  	s0 =	stileid.u32;
	[bflag:$0x2] =	sbarrier.arrive $0xFFFF  }
0xad: {  	p0 =	sne.s32 s0, $0x0;
	s0 =	rddreg [dreg:$0x3]  }
0xae: {  	s0 =	sadd.s32 @!p0 $0x100000, s0  }
0xaf: {  	[sflag:s0] =	ssyncadd.tile.s32 @!p0 $0x1;
	_ =	shalt  }
.Lfunc_end2:
_tile_overlayer_lowered:
.L_overlay_start_2:
0xb0: {  	(tag) =	ssettag $0x2  }
0xb1: {  	s0 =	rddreg [dreg:$0x0];
	s2 =	stileid.u32  }
0xb2: {  	s1 =	rddreg [dreg:$0x1];
	p0 =	sne.s32 s2, $0x0  }
0xb3: {  	s3 =	rddreg [dreg:$0x2];
	[bflag:$0x3] =	sbarrier.arrive $0xFFFF;
	s2 =	simm.s32 @!p0 $0x1C11  }
0xb4: {  	[timem:s3], [sflag:s2] =	dma.local @!p0 [hbm:s0], s1  }
0xb5: {  	s0 =	simm.s32 @!p0 $0x11  }
0xb6: {  	_ =	swait.ge @!p0 [sflag:s0], s1  }
0xb7: {  	s1 =	ssub.s32 @!p0 $0x0, s1;
	[sflag:s0] =	ssyncset.done @!p0 $0x0  }
0xb8: {  	[sflag:s0] =	ssyncadd.s32 @!p0 s1  }
0xb9: {  	[bflag:$0x3] =	sbarrier.arrive $0xFFFF  }
0xba: {  	_ =	shalt  }

// kernel: kernel.16.cloned.1.call-start
scs
__scs_entry_jumppad:
0x0: {  	(pc) =	sbr.rel $0x88, $3  }
0x1: {  	(tag) =	ssettag $0x0;
	lr =	simm.s32 $0x1  }
0x2: {  	[smem:$0x3F92] =	sst lr;
	_ =	strace $0xD0000000  }
0x3: {  	_ = 	snop  }
0x4: {  	_ = 	snop  }
0x5: {  	_ = 	snop  }
0x6: {  	_ = 	snop  }
0x7: {  	_ = 	snop  }
__scs_overlays_trampoline_lowered:
0x8: {  	[smem:$0x3FA1] =	sst s0  }
0x9: {  	[smem:$0x3FA2] =	sst s1  }
0xa: {  	[smem:$0x3FA3] =	sst s2  }
0xb: {  	[smem:$0x3FA4] =	sst s3  }
0xc: {  	[smem:$0x3FA5] =	sst s4  }
0xd: {  	[smem:$0x3FA6] =	sst s5  }
0xe: {  	[smem:$0x3FA7] =	sst s6  }
0xf: {  	[smem:$0x3FA8] =	sst s7  }
0x10: {  	[smem:$0x3FA9] =	sst s8  }
0x11: {  	[smem:$0x3FAA] =	sst s9;
	s0 =	simm.s32 @!p0 $0x0  }
0x12: {  	s1 =	sld [smem:$0x3F90];
	s0 =	simm.s32 @p0 $0x1  }
0x13: {  	[smem:$0x3FAB] =	sst s0;
	s0 =	simm.s32 @!p1 $0x0  }
0x14: {  	s2 =	sld [smem:$0x3F8F];
	s0 =	simm.s32 @p1 $0x1  }
0x15: {  	[smem:$0x3FAC] =	sst s0;
	s0 =	simm.s32 @!p2 $0x0  }
0x16: {  	s3 =	sld [smem:$0x3FDB];
	s0 =	simm.s32 @p2 $0x1  }
0x17: {  	s4 =	simm.s32 $0x1BF5;
	[smem:$0x3FAE] =	sst s0  }
0x18: {  	s0 =	sld [smem:$0x3F91];
	_ =	swait.ge [sflag:s4], $0x0  }
0x19: {  	s7 =	sld [smem:$0x3F92]  }
0x1a: {  	s8 =	sadd.s32 $0xFFFFE003, lr  }
0x1b: {  	s9 =	sadd.s32 $0xFFFFFEF7, lr;
	s5 =	simm.s32 $0xFFFFFFFF;
	p2 =	slt.u32 s8, $0xFFFFF086  }
0x1c: {  	p1 =	slt.u32 s9, $0xF7A;
	s5 =	simm.s32 @!p2 $0x0  }
0x1d: {  	s5 =	simm.s32 @p1 $0x1;
	p0 =	seq.s32 s7, s2  }
0x1e: {  	s7 =	smul.u32 @!p0 $0xF7A, s2;
	p2 =	seq.s32 @!p0 s5, $0x0  }
0x1f: {  	s9 =	smul.u32 $0xF7A, s1;
	s8 =	simm.s32 @!p0 $0x1BF5;
	p2 =	por !p2, p0  }
0x20: {  	[sflag:s8] =	ssyncset.s32 @!p0 $0xFFFFF086;
	s6 =	sadd.s32 @!p0 s3, s7;
	s7 =	simm.s32 @!p0 $0x108  }
0x21: {  	s3 =	sadd.s32 s3, s9;
	s6 =	sadd.s32 @!p0 $0x88, s6;
	s7 =	simm.s32 @p2 $0x1082  }
0x22: {  	[simem:s7], [sflag:s8] =	dma.local @!p0 [hbm:s6], $0xF7A  }
0x23: {  	s9 =	sor.u32 $0xD0000000, s2;
	s6 =	simm.s32 $0x108;
	_ =	swait.ge @!p0 [sflag:s8], $0x0  }
0x24: {  	s3 =	sadd.s32 $0x88, s3;
	s6 =	simm.s32 @!p1 $0x1082;
	[sflag:s4] =	ssyncset.s32 $0xFFFFF086  }
0x25: {  	[simem:s6], [sflag:s4] =	dma.local [hbm:s3], $0xF7A  }
0x26: {  	[smem:$0x3F92] =	sst s1;
	(tag) =	ssettag s2;
	_ =	strace s9  }
0x27: {  	s1 =	sld [smem:$0x3FA2]  }
0x28: {  	s2 =	sld [smem:$0x3FA3]  }
0x29: {  	s4 =	sld [smem:$0x3FA5]  }
0x2a: {  	p0 =	seq.s32 s5, $0x0;
	s5 =	sld [smem:$0x3FA6]  }
0x2b: {  	s6 =	sld [smem:$0x3FA7]  }
0x2c: {  	s7 =	sld [smem:$0x3FA8]  }
0x2d: {  	s3 =	simm.s32 $0x108;
	s8 =	sld [smem:$0x3FA9]  }
0x2e: {  	s3 =	simm.s32 @!p0 $0x1082;
	s9 =	sld [smem:$0x3FAA]  }
0x2f: {  	lr =	sadd.s32 s0, s3;
	s0 =	sld [smem:$0x3FA1]  }
0x30: {  	s3 =	sld [smem:$0x3FA4]  }
0x31: {  	[smem:$0x3FAD] =	sst s10  }
0x32: {  	s10 =	sld [smem:$0x3FAB];
	_ =	sdelay $0x3  }
0x33: {  	p0 =	seq.s32 s10, $0x1;
	s10 =	sld [smem:$0x3FAD];
	_ =	sdelay $0x3  }
0x34: {  	[smem:$0x3FAD] =	sst s10  }
0x35: {  	s10 =	sld [smem:$0x3FAC];
	_ =	sdelay $0x3  }
0x36: {  	p1 =	seq.s32 s10, $0x1;
	s10 =	sld [smem:$0x3FAD];
	_ =	sdelay $0x3  }
0x37: {  	[smem:$0x3FAD] =	sst s10  }
0x38: {  	s10 =	sld [smem:$0x3FAE]  }
0x39: {  	_ = 	snop;
	(pc) =	sbr.ind lr, $3  }
0x3a: {  	_ = 	snop  }
0x3b: {  	_ = 	snop  }
0x3c: {  	p2 =	seq.s32 s10, $0x1;
	s10 =	sld [smem:$0x3FAD]  }
0x3d: {  	_ =	shalt  }
0x3e: {  	_ =	shalt  }
0x3f: {  	_ =	shalt  }
0x40: {  	_ =	shalt  }
0x41: {  	_ =	shalt  }
0x42: {  	_ =	shalt  }
0x43: {  	_ =	shalt  }
0x44: {  	_ =	shalt  }
0x45: {  	_ =	shalt  }
0x46: {  	_ =	shalt  }
0x47: {  	_ =	shalt  }
0x48: {  	_ =	shalt  }
0x49: {  	_ =	shalt  }
0x4a: {  	_ =	shalt  }
0x4b: {  	_ =	shalt  }
0x4c: {  	_ =	shalt  }
0x4d: {  	_ =	shalt  }
0x4e: {  	_ =	shalt  }
0x4f: {  	_ =	shalt  }
0x50: {  	_ =	shalt  }
0x51: {  	_ =	shalt  }
0x52: {  	_ =	shalt  }
0x53: {  	_ =	shalt  }
0x54: {  	_ =	shalt  }
0x55: {  	_ =	shalt  }
0x56: {  	_ =	shalt  }
0x57: {  	_ =	shalt  }
0x58: {  	_ =	shalt  }
0x59: {  	_ =	shalt  }
0x5a: {  	_ =	shalt  }
0x5b: {  	_ =	shalt  }
0x5c: {  	_ =	shalt  }
0x5d: {  	_ =	shalt  }
0x5e: {  	_ =	shalt  }
0x5f: {  	_ =	shalt  }
0x60: {  	_ =	shalt  }
0x61: {  	_ =	shalt  }
0x62: {  	_ =	shalt  }
0x63: {  	_ =	shalt  }
0x64: {  	_ =	shalt  }
0x65: {  	_ =	shalt  }
0x66: {  	_ =	shalt  }
0x67: {  	_ =	shalt  }
0x68: {  	_ =	shalt  }
0x69: {  	_ =	shalt  }
0x6a: {  	_ =	shalt  }
0x6b: {  	_ =	shalt  }
0x6c: {  	_ =	shalt  }
0x6d: {  	_ =	shalt  }
0x6e: {  	_ =	shalt  }
0x6f: {  	_ =	shalt  }
0x70: {  	_ =	shalt  }
0x71: {  	_ =	shalt  }
0x72: {  	_ =	shalt  }
0x73: {  	_ =	shalt  }
0x74: {  	_ =	shalt  }
0x75: {  	_ =	shalt  }
0x76: {  	_ =	shalt  }
0x77: {  	_ =	shalt  }
0x78: {  	_ =	shalt  }
0x79: {  	_ =	shalt  }
0x7a: {  	_ =	shalt  }
0x7b: {  	_ =	shalt  }
0x7c: {  	_ =	shalt  }
0x7d: {  	_ =	shalt  }
0x7e: {  	_ =	shalt  }
0x7f: {  	_ =	shalt  }
0x80: {  	_ =	shalt  }
0x81: {  	_ =	shalt  }
0x82: {  	_ =	shalt  }
0x83: {  	_ =	shalt  }
0x84: {  	_ =	shalt  }
0x85: {  	_ =	shalt  }
0x86: {  	_ =	shalt  }
0x87: {  	_ =	shalt  }
.Lfunc_end0:
.L_simem_size_0:
called_computation.2_lowered:
.L_overlay_start_0:
0x88: {  	s2 =	sld [smem:$0x3FD9]  }
0x89: {  	s3 =	sld [smem:$0x3FFE];
	_ =	sdelay $0x1  }
0x8a: {  	s1 =	srdreg.scid  }
0x8b: {  	s0 =	sand.u32 $0x1, s1  }
0x8c: {  	s16 =	sshll.u32 s0, $0xA;
	s2 =	sadd.s32 s3, s2  }
0x8d: {  	s2 =	sadd.s32 s2, s16  }
0x8e: {  	[smem:$0x3FB9] =	sst s2  }
0x8f: {  	_ = 	snop  }
0x90: {  	(tm) =	ssettm $0x1  }
0x91: {  	s17 =	sld [smem:$0x3FFB];
	_ =	sdelay $0x3  }
0x92: {  	_ =	strace s17  }
0x93: {  	s2 =	sld [smem:$0x3FFC];
	_ =	sdelay $0x3  }
0x94: {  	_ =	strace s2  }
0x95: {  	s2 =	sld [smem:$0x3FFD];
	_ =	sdelay $0x3  }
0x96: {  	_ =	strace s2  }
0x97: {  	_ =	strace $0x8FFFFFFF  }
0x98: {  	s18 =	sld [smem:$0x3FDB];
	_ =	sdelay $0x1  }
0x99: {  	s19 =	simm.s32 $_scs_section_size  }
0x9a: {  	s4 =	simm.s32 $_size__tile_overlayer_lowered;
	s5 =	simm.s32 $_tile_overlayer_lowered  }
0x9b: {  	s22 =	simm.s32 $0x1BFF;
	s21 =	sshll.u32 s5, $0x1;
	s2 =	sadd.s32 s19, s18  }
0x9c: {  	s6 =	simm.s32 $0x0;
	s20 =	sshll.u32 s4, $0x1;
	s4 =	sadd.s32 s21, s2  }
0x9d: {  	[timem:s6], [sflag:s22] =	dma.local [hbm:s4], s20  }
0x9e: {  	_ =	swait.ge [sflag:s22], s20  }
0x9f: {  	s3 =	ssub.s32 $0x0, s20;
	[sflag:s22] =	ssyncset.done $0x0  }
0xa0: {  	[sflag:s22] =	ssyncadd.s32 s3;
	_ =	sdelay $0x1  }
0xa1: {  	s23 =	simm.s32 $0x1B8B  }
0xa2: {  	_ =	swait.ge [sflag:s23], $0x1  }
0xa3: {  	[sflag:s23] =	ssyncset.done $0x0  }
0xa4: {  	s25 =	simm.s32 $0x1B8E;
	s24 =	sld [smem:$0x3FFE];
	[sflag:s23] =	ssyncadd.s32 $0xFFFFFFFF  }
0xa5: {  	s26 =	simm.s32 $execute0_lowered;
	[smem:$0x3FD2] =	sst s25  }
0xa6: {  	s4 =	sshll.u32 s26, $0x1;
	_ =	strace $0x8000004C;
	[dreg:$0x1] =	wrdreg $0xFFFFFFFF  }
0xa7: {  	s28 =	simm.s32 $_size_execute0_lowered;
	s2 =	sadd.s32 s2, s4;
	[dreg:$0x0] =	wrdreg $0x0  }
0xa8: {  	s4 =	sshll.u32 s28, $0x1;
	[dreg:$0x2] =	wrdreg s2  }
0xa9: {  	[dreg:$0x3] =	wrdreg s4  }
0xaa: {  	[dreg:$0x4] =	wrdreg $0xC0  }
0xab: {  	_ =	task [dreg:s6], $0x5FFFF  }
0xac: {  	[dreg:$0x1] =	wrdreg $0xFFFFFFFF  }
0xad: {  	[dreg:$0x0] =	wrdreg $0x60  }
0xae: {  	[dreg:$0x2] =	wrdreg s24  }
0xaf: {  	[dreg:$0x3] =	wrdreg $0x150000  }
0xb0: {  	[dreg:$0x4] =	wrdreg $0x19F000  }
0xb1: {  	[dreg:$0x5] =	wrdreg $0x9  }
0xb2: {  	_ =	task.clear_ibuf [dreg:s6], $0x6FFFF;
	_ =	strace $0x9000004C  }
0xb3: {  	s29 =	simm.s32 $0x9;
	_ =	strace $0x8000004E  }
0xb4: {  	_ =	swait.ge [sflag:s29], $0x1  }
0xb5: {  	[sflag:s29] =	ssyncadd.s32 $0xFFFFFFFF  }
0xb6: {  	_ =	strace $0x9000004E  }
0xb7: {  	_ =	sfence  }
0xb8: {  	s30 =	sld [smem:$0x0];
	_ =	sdelay $0x2  }
0xb9: {  	s31 =	sshll.u32 s1, $0xD;
	s1 =	sshrl.u32 s1, $0x2  }
0xba: {  	s3 =	sand.u32 $0x4000, s31;
	s1 =	sadd.s32 s1, s30  }
0xbb: {  	s0 =	sor.u32 s3, s0;
	s1 =	sshll.u32 s1, $0x11  }
0xbc: {  	s0 =	sor.u32 s1, s0  }
0xbd: {  	s0 =	sadd.s32 $0x8F2B, s0  }
0xbe: {  	[sflag:s0] =	ssyncadd.remote.s32 $0x1  }
0xbf: {  	_ =	sfence.sel $0xFFFF  }
0xc0: {  	[dreg:$0x0] =	wrdreg $0xFFFFFFFF;
	(pc) =	sbr.abs _section_cstart, $3  }
0xc1: {  	[dreg:$0x1] =	wrdreg $0xFFFFFFFF  }
0xc2: {  	_ =	task.clear_ibuf [dreg:s6], $0x2FFFF;
	_ =	strace $0x9FFFFFFF  }
0xc3: {  	(tm) =	ssettm $0x7FFFFFFF  }
tec
execute0_lowered:
.L_overlay_start_1:
0x0: {  	(tag) =	ssettag $0x1  }
0x1: {  	s0 =	rddreg [dreg:$0x0]  }
0x2: {  	s2 =	rddreg [dreg:$0x1]  }
0x3: {  	s3 =	rddreg [dreg:$0x2]  }
0x4: {  	s10 =	stileid.u32;
	s1 =	srdreg.scid;
	s5 =	simm.s32 $0x0  }
0x5: {  	s18 =	simm.s32 $0x100;
	s19 =	simm.s32 $0x5000;
	s20 =	simm.s32 $0x7000  }
0x6: {  	s29 =	simm.s32 $0xF000;
	s31 =	simm.s32 $0x11000;
	s17 =	simm.s32 $0x1  }
0x7: {  	s21 =	simm.s32 $0x2;
	s28 =	simm.s32 $0x5;
	s30 =	simm.s32 $0x6  }
0x8: {  	s12 =	simm.s32 $0xE;
	s15 =	simm.s32 $0xF;
	s16 =	simm.s32 $0x10  }
0x9: {  	s4 =	smul.u32 $0x4F00, s10;
	s1 =	sand.u32 $0x1, s1;
	[smem:$0x7FF] =	sst s5  }
0xa: {  	s22 =	sshll.u32 s10, $0x1;
	s9 =	sshll.u32 s10, $0x6;
	p0 =	seq.s32 s10, $0xF  }
0xb: {  	s10 =	simm.s32 $0xC;
	s6 =	smul.u32 $0x4F000, s1;
	_ =	strace $0x8000004D  }
0xc: {  	s5 =	sor.u32 s1, s22;
	s1 =	ssub.s32 $0x2, s1;
	s13 =	sor.u32 $0x1C11, s9  }
0xd: {  	s22 =	simm.s32 $0x9000;
	s9 =	simm.s32 $0xB;
	s7 =	sshrl.u32 s4, $0x3  }
0xe: {  	s5 =	smul.u32 $0x500, s5;
	s8 =	sshrl.u32 s1, $0x1;
	s23 =	sadd.s32 s4, s2  }
0xf: {  	[dreg:$0x5] =	wrdreg s13;
	s6 =	sadd.s32 s4, s6;
	s7 =	sadd.s32 s7, s0  }
0x10: {  	s1 =	ssub.s32 s1, s8;
	s4 =	sadd.s32 s4, s3;
	s14 =	sshrl.u32 s23, $0x3  }
0x11: {  	s23 =	simm.s32 $0x3;
	s8 =	simm.s32 $0xA;
	s6 =	sshrl.u32 s6, $0x3  }
0x12: {  	s5 =	sadd.s32 s5, s0;
	s11 =	sadd.s32 $0x16C00, s7;
	[dreg:$0xc] =	wrdreg s14  }
0x13: {  	s7 =	sadd.s32 $0xCE00, s7;
	s6 =	sadd.s32 s6, s0;
	[dreg:$0x4] =	wrdreg s11  }
0x14: {  	[dreg:$0x6] =	wrdreg s7;
	s7 =	sadd.s32 $0x4A100, s3;
	s0 =	sadd.s32 $0x16220, s0  }
0x15: {  	s24 =	sadd.s32 $0x20E00, s5;
	s25 =	sadd.s32 $0x2E00, s5;
	[dreg:$0x7] =	wrdreg s0  }
0x16: {  	s5 =	smax.u32 s1, $0x1;
	s1 =	simm.s32 $0x13000;
	[dreg:$0x8] =	wrdreg s24  }
0x17: {  	s11 =	simm.s32 $0xD;
	[dreg:$0x9] =	wrdreg s25;
	s26 =	sadd.s32 $0x2AE00, s6  }
.Ltmp0:
0x18: {  	[dreg:$0xb] =	wrdreg s5;
	s0 =	sshrl.u32 @p0 s7, $0x3;
	(pc) =	sbr.rel .LBB2_1-.Ltmp0, $4  }
0x19: {  	s24 =	simm.s32 $0xB000;
	s25 =	simm.s32 $0x4;
	[dreg:$0xa] =	wrdreg s26  }
0x1a: {  	s5 =	simm.s32 $0x8;
	s6 =	simm.s32 $0x0;
	[dreg:$0xd] =	wrdreg s0  }
0x1b: {  	s7 =	simm.s32 $0x9;
	s0 =	sshrl.u32 @!p0 s4, $0x3;
	[dreg:$0xf] =	wrdreg s6  }
0x1c: {  	s26 =	simm.s32 $0xD000;
	[dreg:$0xe] =	wrdreg s0;
	s0 =	simm.s32 $0x7  }
.LBB2_4:
0x1d: {  	_ =	swait.ge [sflag:s8], $0x2000  }
0x1e: {  	[sflag:s8] =	ssyncset.done $0x0  }
0x1f: {  	[sflag:s8] =	ssyncadd.s32 $0xFFFFE000  }
0x20: {  	_ =	swait.ge [sflag:s9], $0x2000  }
0x21: {  	[sflag:s9] =	ssyncset.done $0x0  }
0x22: {  	[sflag:s9] =	ssyncadd.s32 $0xFFFFE000  }
0x23: {  	_ =	swait.ge [sflag:s10], $0x2000  }
0x24: {  	[sflag:s10] =	ssyncset.done $0x0  }
0x25: {  	[sflag:s10] =	ssyncadd.s32 $0xFFFFE000  }
0x26: {  	_ =	swait.ge [sflag:s11], $0x2000  }
0x27: {  	[sflag:s11] =	ssyncset.done $0x0  }
0x28: {  	[sflag:s11] =	ssyncadd.s32 $0xFFFFE000  }
0x29: {  	_ =	swait.ge [sflag:s12], $0x2000  }
0x2a: {  	[sflag:s12] =	ssyncset.done $0x0  }
0x2b: {  	[sflag:s12] =	ssyncadd.s32 $0xFFFFE000  }
0x2c: {  	_ =	swait.ge [sflag:s15], $0x2000  }
0x2d: {  	[sflag:s15] =	ssyncset.done $0x0  }
0x2e: {  	[sflag:s15] =	ssyncadd.s32 $0xFFFFE000  }
0x2f: {  	_ =	swait.ge [sflag:s16], $0x2000  }
0x30: {  	[sflag:s16] =	ssyncset.done $0x0  }
0x31: {  	[sflag:s16] =	ssyncadd.s32 $0xFFFFE000  }
0x32: {  	[bflag:$0x0] =	sbarrier.arrive $0xFFFF  }
0x33: {  	s13 =	rddreg [dreg:$0x5]  }
0x34: {  	s6 =	rddreg [dreg:$0xa]  }
0x35: {  	s14 =	rddreg [dreg:$0xc]  }
0x36: {  	[hbm:s6], [sflag:s13] =	dma.local [spmem:s14], $0x9E0  }
0x37: {  	s6 =	simm.s32 $0x11  }
0x38: {  	_ =	swait.ge [sflag:s6], $0x9E0  }
0x39: {  	s4 =	rddreg [dreg:$0xf]  }
0x3a: {  	[sflag:s6] =	ssyncset.done $0x0;
	s6 =	rddreg [dreg:$0xb];
	s4 =	sadd.s32 $0x1, s4  }
0x3b: {  	p1 =	sne.s32 s4, s6  }
.Ltmp1:
0x3c: {  	_ = 	snop;
	(pc) =	sbr.rel @!p1 .LBB2_5-.Ltmp1, $3  }
0x3d: {  	_ =	sdelay $0x1  }
0x3e: {  	s6 =	simm.s32 $0x11  }
0x3f: {  	[dreg:$0xf] =	wrdreg s4;
	[sflag:s6] =	ssyncadd.s32 $0xFFFFF620  }
.LBB2_1:
0x40: {  	s4 =	simm.s32 $0x11;
	s6 =	rddreg [dreg:$0x4]  }
0x41: {  	[spmem:s14], [sflag:s13] =	dma.local [hbm:s6], $0x9E0  }
0x42: {  	_ =	swait.ge [sflag:s4], $0x9E0  }
0x43: {  	[sflag:s4] =	ssyncset.done $0x0;
	s6 =	rddreg [dreg:$0x7]  }
0x44: {  	s14 =	rddreg [dreg:$0xd];
	[sflag:s4] =	ssyncadd.s32 $0xFFFFF620  }
0x45: {  	[spmem:s14], [sflag:s13] =	dma.local @p0 [hbm:s6], $0x820  }
0x46: {  	s6 =	simm.s32 @p0 $0x11  }
0x47: {  	_ =	swait.ge @p0 [sflag:s6], $0x820  }
0x48: {  	[sflag:s6] =	ssyncset.done @p0 $0x0;
	s14 =	rddreg [dreg:$0xe]  }
0x49: {  	[sflag:s6] =	ssyncadd.s32 @p0 $0xFFFFF7E0;
	s6 =	rddreg [dreg:$0x6]  }
0x4a: {  	[spmem:s14], [sflag:s13] =	dma.local @!p0 [hbm:s6], $0x9E0  }
0x4b: {  	s6 =	simm.s32 @!p0 $0x11  }
0x4c: {  	_ =	swait.ge @!p0 [sflag:s6], $0x9E0  }
0x4d: {  	[sflag:s6] =	ssyncset.done @!p0 $0x0  }
0x4e: {  	s14 =	rddreg [dreg:$0x8];
	[sflag:s6] =	ssyncadd.s32 @!p0 $0xFFFFF620;
	s6 =	simm.s32 $0x0  }
0x4f: {  	[tilespmem:s6], [sflag:$0x11] =	stream.linear.gather [hbm4b:s14+s6], $0x2800, $0x38;
	[tilespmem:$0x1ED20] =	vst v63  }
0x50: {  	_ =	swait.ge [sflag:s4], $0x2800  }
0x51: {  	[sflag:s4] =	ssyncset.done $0x0  }
0x52: {  	s14 =	simm.s32 $0x2800;
	s13 =	rddreg [dreg:$0x9];
	[sflag:s4] =	ssyncadd.s32 $0xFFFFD800  }
0x53: {  	[tilespmem:s14], [sflag:$0x11] =	stream.linear.gather [hbm4b:s13+s6], $0x2800, $0x38;
	[tilespmem:$0x1ED20] =	vst v63  }
0x54: {  	_ =	swait.ge [sflag:s4], $0x2800  }
0x55: {  	[sflag:s4] =	ssyncset.done $0x0  }
0x56: {  	[sflag:s4] =	ssyncadd.s32 $0xFFFFD800  }
0x57: {  	[bflag:$0x0] =	sbarrier.arrive $0xFFFF  }
0x58: {  	[tilespmem:s19], [sflag:$0x1] =	stream.indirect.gather [spmem:s3], $0x20, s6, s18, $0xb8;
	[tilespmem:$0x1ED20] =	vst v63  }
0x59: {  	_ = 	snop  }
0x5a: {  	[tilespmem:s20], [sflag:$0x2] =	stream.indirect.gather [spmem:s3], $0x20, s18, s18, $0xb8;
	[tilespmem:$0x1ED20] =	vst v63  }
0x5b: {  	s6 =	simm.s32 $0x200  }
0x5c: {  	[tilespmem:s22], [sflag:$0x3] =	stream.indirect.gather [spmem:s3], $0x20, s6, s18, $0xb8;
	[tilespmem:$0x1ED20] =	vst v63  }
0x5d: {  	s13 =	simm.s32 $0x300  }
0x5e: {  	[tilespmem:s24], [sflag:$0x4] =	stream.indirect.gather [spmem:s3], $0x20, s13, s18, $0xb8;
	[tilespmem:$0x1ED20] =	vst v63  }
0x5f: {  	s14 =	simm.s32 $0x400  }
0x60: {  	[tilespmem:s26], [sflag:$0x5] =	stream.indirect.gather [spmem:s3], $0x20, s14, s18, $0xb8;
	[tilespmem:$0x1ED20] =	vst v63  }
0x61: {  	s6 =	simm.s32 $0x500  }
0x62: {  	[tilespmem:s29], [sflag:$0x6] =	stream.indirect.gather [spmem:s3], $0x20, s6, s18, $0xb8;
	[tilespmem:$0x1ED20] =	vst v63  }
0x63: {  	s13 =	simm.s32 $0x600  }
0x64: {  	[tilespmem:s31], [sflag:$0x7] =	stream.indirect.gather [spmem:s3], $0x20, s13, s18, $0xb8;
	[tilespmem:$0x1ED20] =	vst v63  }
0x65: {  	s14 =	simm.s32 $0x700;
	s13 =	simm.s32 $0x0  }
0x66: {  	[tilespmem:s1], [sflag:$0x8] =	stream.indirect.gather [spmem:s3], $0x20, s14, s18, $0xb8;
	[tilespmem:$0x1ED20] =	vst v63  }
.LBB2_2:
0x67: {  	_ =	swait.ge [sflag:s17], $0x2000  }
0x68: {  	s6 =	sshra.s32 s13, $0x2;
	[sflag:s17] =	ssyncset.done $0x0  }
0x69: {  	s14 =	sadd.s32 $0x2800, s6;
	[sflag:s17] =	ssyncadd.s32 $0xFFFFE000  }
0x6a: {  	[spmem:s2] =	stream.indirect.scatter.add.f32 [tilespmem:s19], [sflag:$0x9], $0x20, s14, s18, $0xb8;
	[tilespmem:$0x1ED20] =	vst v63  }
0x6b: {  	_ =	swait.ge [sflag:s21], $0x2000  }
0x6c: {  	[sflag:s21] =	ssyncset.done $0x0  }
0x6d: {  	s4 =	sadd.s32 $0x2900, s6;
	[sflag:s21] =	ssyncadd.s32 $0xFFFFE000  }
0x6e: {  	[spmem:s2] =	stream.indirect.scatter.add.f32 [tilespmem:s20], [sflag:$0xA], $0x20, s4, s18, $0xb8;
	[tilespmem:$0x1ED20] =	vst v63  }
0x6f: {  	_ =	swait.ge [sflag:s23], $0x2000  }
0x70: {  	[sflag:s23] =	ssyncset.done $0x0  }
0x71: {  	s4 =	sadd.s32 $0x2A00, s6;
	[sflag:s23] =	ssyncadd.s32 $0xFFFFE000  }
0x72: {  	[spmem:s2] =	stream.indirect.scatter.add.f32 [tilespmem:s22], [sflag:$0xB], $0x20, s4, s18, $0xb8;
	[tilespmem:$0x1ED20] =	vst v63  }
0x73: {  	_ =	swait.ge [sflag:s25], $0x2000  }
0x74: {  	[sflag:s25] =	ssyncset.done $0x0  }
0x75: {  	s4 =	sadd.s32 $0x2B00, s6;
	[sflag:s25] =	ssyncadd.s32 $0xFFFFE000  }
0x76: {  	[spmem:s2] =	stream.indirect.scatter.add.f32 [tilespmem:s24], [sflag:$0xC], $0x20, s4, s18, $0xb8;
	[tilespmem:$0x1ED20] =	vst v63  }
0x77: {  	_ =	swait.ge [sflag:s28], $0x2000  }
0x78: {  	[sflag:s28] =	ssyncset.done $0x0  }
0x79: {  	s4 =	sadd.s32 $0x2C00, s6;
	[sflag:s28] =	ssyncadd.s32 $0xFFFFE000  }
0x7a: {  	[spmem:s2] =	stream.indirect.scatter.add.f32 [tilespmem:s26], [sflag:$0xD], $0x20, s4, s18, $0xb8;
	[tilespmem:$0x1ED20] =	vst v63  }
0x7b: {  	_ =	swait.ge [sflag:s30], $0x2000  }
0x7c: {  	[sflag:s30] =	ssyncset.done $0x0  }
0x7d: {  	s4 =	sadd.s32 $0x2D00, s6;
	[sflag:s30] =	ssyncadd.s32 $0xFFFFE000  }
0x7e: {  	[spmem:s2] =	stream.indirect.scatter.add.f32 [tilespmem:s29], [sflag:$0xE], $0x20, s4, s18, $0xb8;
	[tilespmem:$0x1ED20] =	vst v63  }
0x7f: {  	_ =	swait.ge [sflag:s0], $0x2000  }
0x80: {  	[sflag:s0] =	ssyncset.done $0x0  }
0x81: {  	s4 =	sadd.s32 $0x2E00, s6;
	[sflag:s0] =	ssyncadd.s32 $0xFFFFE000  }
0x82: {  	[spmem:s2] =	stream.indirect.scatter.add.f32 [tilespmem:s31], [sflag:$0xF], $0x20, s4, s18, $0xb8;
	[tilespmem:$0x1ED20] =	vst v63  }
0x83: {  	_ =	swait.ge [sflag:s5], $0x2000  }
0x84: {  	p1 =	seq.s32 s13, $0x8000;
	[sflag:s5] =	ssyncset.done $0x0  }
.Ltmp2:
0x85: {  	s4 =	sadd.s32 $0x2F00, s6;
	[sflag:s5] =	ssyncadd.s32 $0xFFFFE000;
	(pc) =	sbr.rel @p1 .LBB2_4-.Ltmp2, $4  }
0x86: {  	[spmem:s2] =	stream.indirect.scatter.add.f32 [tilespmem:s1], [sflag:$0x10], $0x20, s4, s18, $0xb8;
	[tilespmem:$0x1ED20] =	vst v63  }
0x87: {  	_ =	swait.ge [sflag:s7], $0x2000  }
0x88: {  	[sflag:s7] =	ssyncset.done $0x0  }
0x89: {  	[sflag:s7] =	ssyncadd.s32 $0xFFFFE000  }
0x8a: {  	s14 =	sadd.s32 $0x800, s6  }
0x8b: {  	[tilespmem:s19], [sflag:$0x1] =	stream.indirect.gather [spmem:s3], $0x20, s14, s18, $0xb8;
	[tilespmem:$0x1ED20] =	vst v63  }
0x8c: {  	_ =	swait.ge [sflag:s8], $0x2000  }
0x8d: {  	[sflag:s8] =	ssyncset.done $0x0  }
0x8e: {  	s4 =	sadd.s32 $0x900, s6;
	[sflag:s8] =	ssyncadd.s32 $0xFFFFE000  }
0x8f: {  	[tilespmem:s20], [sflag:$0x2] =	stream.indirect.gather [spmem:s3], $0x20, s4, s18, $0xb8;
	[tilespmem:$0x1ED20] =	vst v63  }
0x90: {  	_ =	swait.ge [sflag:s9], $0x2000  }
0x91: {  	[sflag:s9] =	ssyncset.done $0x0  }
0x92: {  	s4 =	sadd.s32 $0xA00, s6;
	[sflag:s9] =	ssyncadd.s32 $0xFFFFE000  }
0x93: {  	[tilespmem:s22], [sflag:$0x3] =	stream.indirect.gather [spmem:s3], $0x20, s4, s18, $0xb8;
	[tilespmem:$0x1ED20] =	vst v63  }
0x94: {  	_ =	swait.ge [sflag:s10], $0x2000  }
0x95: {  	[sflag:s10] =	ssyncset.done $0x0  }
0x96: {  	s4 =	sadd.s32 $0xB00, s6;
	[sflag:s10] =	ssyncadd.s32 $0xFFFFE000  }
0x97: {  	[tilespmem:s24], [sflag:$0x4] =	stream.indirect.gather [spmem:s3], $0x20, s4, s18, $0xb8;
	[tilespmem:$0x1ED20] =	vst v63  }
0x98: {  	_ =	swait.ge [sflag:s11], $0x2000  }
0x99: {  	[sflag:s11] =	ssyncset.done $0x0  }
0x9a: {  	s4 =	sadd.s32 $0xC00, s6;
	[sflag:s11] =	ssyncadd.s32 $0xFFFFE000  }
0x9b: {  	[tilespmem:s26], [sflag:$0x5] =	stream.indirect.gather [spmem:s3], $0x20, s4, s18, $0xb8;
	[tilespmem:$0x1ED20] =	vst v63  }
0x9c: {  	_ =	swait.ge [sflag:s12], $0x2000  }
0x9d: {  	[sflag:s12] =	ssyncset.done $0x0  }
0x9e: {  	s4 =	sadd.s32 $0xD00, s6;
	[sflag:s12] =	ssyncadd.s32 $0xFFFFE000  }
0x9f: {  	[tilespmem:s29], [sflag:$0x6] =	stream.indirect.gather [spmem:s3], $0x20, s4, s18, $0xb8;
	[tilespmem:$0x1ED20] =	vst v63  }
0xa0: {  	_ =	swait.ge [sflag:s15], $0x2000  }
0xa1: {  	[sflag:s15] =	ssyncset.done $0x0  }
0xa2: {  	s4 =	sadd.s32 $0xE00, s6;
	[sflag:s15] =	ssyncadd.s32 $0xFFFFE000  }
0xa3: {  	[tilespmem:s31], [sflag:$0x7] =	stream.indirect.gather [spmem:s3], $0x20, s4, s18, $0xb8;
	[tilespmem:$0x1ED20] =	vst v63  }
.Ltmp3:
0xa4: {  	_ = 	snop;
	(pc) =	sbr.rel .LBB2_2-.Ltmp3, $4  }
0xa5: {  	_ =	swait.ge [sflag:s16], $0x2000  }
0xa6: {  	[sflag:s16] =	ssyncset.done $0x0  }
0xa7: {  	s13 =	sadd.s32 $0x2000, s13;
	s14 =	sadd.s32 $0xF00, s6;
	[sflag:s16] =	ssyncadd.s32 $0xFFFFE000  }
0xa8: {  	[tilespmem:s1], [sflag:$0x8] =	stream.indirect.gather [spmem:s3], $0x20, s14, s18, $0xb8;
	[tilespmem:$0x1ED20] =	vst v63  }
.LBB2_5:
0xa9: {  	_ =	sfence.sel $0x180000  }
0xaa: {  	[bflag:$0x0] =	sbarrier.arrive $0xFFFF  }
0xab: {  	_ =	strace $0x9000004D  }
0xac: {  	s0 =	stileid.u32;
	[bflag:$0x2] =	sbarrier.arrive $0xFFFF  }
0xad: {  	p0 =	sne.s32 s0, $0x0;
	s0 =	rddreg [dreg:$0x3]  }
0xae: {  	s0 =	sadd.s32 @!p0 $0x100000, s0  }
0xaf: {  	[sflag:s0] =	ssyncadd.tile.s32 @!p0 $0x1;
	_ =	shalt  }
.Lfunc_end2:
_tile_overlayer_lowered:
.L_overlay_start_2:
0xb0: {  	(tag) =	ssettag $0x2  }
0xb1: {  	s0 =	rddreg [dreg:$0x0];
	s2 =	stileid.u32  }
0xb2: {  	s1 =	rddreg [dreg:$0x1];
	p0 =	sne.s32 s2, $0x0  }
0xb3: {  	s3 =	rddreg [dreg:$0x2];
	[bflag:$0x3] =	sbarrier.arrive $0xFFFF;
	s2 =	simm.s32 @!p0 $0x1C11  }
0xb4: {  	[timem:s3], [sflag:s2] =	dma.local @!p0 [hbm:s0], s1  }
0xb5: {  	s0 =	simm.s32 @!p0 $0x11  }
0xb6: {  	_ =	swait.ge @!p0 [sflag:s0], s1  }
0xb7: {  	s1 =	ssub.s32 @!p0 $0x0, s1;
	[sflag:s0] =	ssyncset.done @!p0 $0x0  }
0xb8: {  	[sflag:s0] =	ssyncadd.s32 @!p0 s1  }
0xb9: {  	[bflag:$0x3] =	sbarrier.arrive $0xFFFF  }
0xba: {  	_ =	shalt  }

// kernel: kernel.19.cloned.1.call-start
scs
__scs_entry_jumppad:
0x0: {  	(pc) =	sbr.rel $0x88, $3  }
0x1: {  	(tag) =	ssettag $0x0;
	lr =	simm.s32 $0x1  }
0x2: {  	[smem:$0x3F92] =	sst lr;
	_ =	strace $0xD0000000  }
0x3: {  	_ = 	snop  }
0x4: {  	_ = 	snop  }
0x5: {  	_ = 	snop  }
0x6: {  	_ = 	snop  }
0x7: {  	_ = 	snop  }
__scs_overlays_trampoline_lowered:
0x8: {  	[smem:$0x3FA1] =	sst s0  }
0x9: {  	[smem:$0x3FA2] =	sst s1  }
0xa: {  	[smem:$0x3FA3] =	sst s2  }
0xb: {  	[smem:$0x3FA4] =	sst s3  }
0xc: {  	[smem:$0x3FA5] =	sst s4  }
0xd: {  	[smem:$0x3FA6] =	sst s5  }
0xe: {  	[smem:$0x3FA7] =	sst s6  }
0xf: {  	[smem:$0x3FA8] =	sst s7  }
0x10: {  	[smem:$0x3FA9] =	sst s8  }
0x11: {  	[smem:$0x3FAA] =	sst s9;
	s0 =	simm.s32 @!p0 $0x0  }
0x12: {  	s1 =	sld [smem:$0x3F90];
	s0 =	simm.s32 @p0 $0x1  }
0x13: {  	[smem:$0x3FAB] =	sst s0;
	s0 =	simm.s32 @!p1 $0x0  }
0x14: {  	s2 =	sld [smem:$0x3F8F];
	s0 =	simm.s32 @p1 $0x1  }
0x15: {  	[smem:$0x3FAC] =	sst s0;
	s0 =	simm.s32 @!p2 $0x0  }
0x16: {  	s3 =	sld [smem:$0x3FDB];
	s0 =	simm.s32 @p2 $0x1  }
0x17: {  	s4 =	simm.s32 $0x1BF5;
	[smem:$0x3FAE] =	sst s0  }
0x18: {  	s0 =	sld [smem:$0x3F91];
	_ =	swait.ge [sflag:s4], $0x0  }
0x19: {  	s7 =	sld [smem:$0x3F92]  }
0x1a: {  	s8 =	sadd.s32 $0xFFFFE003, lr  }
0x1b: {  	s9 =	sadd.s32 $0xFFFFFEF7, lr;
	s5 =	simm.s32 $0xFFFFFFFF;
	p2 =	slt.u32 s8, $0xFFFFF086  }
0x1c: {  	p1 =	slt.u32 s9, $0xF7A;
	s5 =	simm.s32 @!p2 $0x0  }
0x1d: {  	s5 =	simm.s32 @p1 $0x1;
	p0 =	seq.s32 s7, s2  }
0x1e: {  	s7 =	smul.u32 @!p0 $0xF7A, s2;
	p2 =	seq.s32 @!p0 s5, $0x0  }
0x1f: {  	s9 =	smul.u32 $0xF7A, s1;
	s8 =	simm.s32 @!p0 $0x1BF5;
	p2 =	por !p2, p0  }
0x20: {  	[sflag:s8] =	ssyncset.s32 @!p0 $0xFFFFF086;
	s6 =	sadd.s32 @!p0 s3, s7;
	s7 =	simm.s32 @!p0 $0x108  }
0x21: {  	s3 =	sadd.s32 s3, s9;
	s6 =	sadd.s32 @!p0 $0x88, s6;
	s7 =	simm.s32 @p2 $0x1082  }
0x22: {  	[simem:s7], [sflag:s8] =	dma.local @!p0 [hbm:s6], $0xF7A  }
0x23: {  	s9 =	sor.u32 $0xD0000000, s2;
	s6 =	simm.s32 $0x108;
	_ =	swait.ge @!p0 [sflag:s8], $0x0  }
0x24: {  	s3 =	sadd.s32 $0x88, s3;
	s6 =	simm.s32 @!p1 $0x1082;
	[sflag:s4] =	ssyncset.s32 $0xFFFFF086  }
0x25: {  	[simem:s6], [sflag:s4] =	dma.local [hbm:s3], $0xF7A  }
0x26: {  	[smem:$0x3F92] =	sst s1;
	(tag) =	ssettag s2;
	_ =	strace s9  }
0x27: {  	s1 =	sld [smem:$0x3FA2]  }
0x28: {  	s2 =	sld [smem:$0x3FA3]  }
0x29: {  	s4 =	sld [smem:$0x3FA5]  }
0x2a: {  	p0 =	seq.s32 s5, $0x0;
	s5 =	sld [smem:$0x3FA6]  }
0x2b: {  	s6 =	sld [smem:$0x3FA7]  }
0x2c: {  	s7 =	sld [smem:$0x3FA8]  }
0x2d: {  	s3 =	simm.s32 $0x108;
	s8 =	sld [smem:$0x3FA9]  }
0x2e: {  	s3 =	simm.s32 @!p0 $0x1082;
	s9 =	sld [smem:$0x3FAA]  }
0x2f: {  	lr =	sadd.s32 s0, s3;
	s0 =	sld [smem:$0x3FA1]  }
0x30: {  	s3 =	sld [smem:$0x3FA4]  }
0x31: {  	[smem:$0x3FAD] =	sst s10  }
0x32: {  	s10 =	sld [smem:$0x3FAB];
	_ =	sdelay $0x3  }
0x33: {  	p0 =	seq.s32 s10, $0x1;
	s10 =	sld [smem:$0x3FAD];
	_ =	sdelay $0x3  }
0x34: {  	[smem:$0x3FAD] =	sst s10  }
0x35: {  	s10 =	sld [smem:$0x3FAC];
	_ =	sdelay $0x3  }
0x36: {  	p1 =	seq.s32 s10, $0x1;
	s10 =	sld [smem:$0x3FAD];
	_ =	sdelay $0x3  }
0x37: {  	[smem:$0x3FAD] =	sst s10  }
0x38: {  	s10 =	sld [smem:$0x3FAE]  }
0x39: {  	_ = 	snop;
	(pc) =	sbr.ind lr, $3  }
0x3a: {  	_ = 	snop  }
0x3b: {  	_ = 	snop  }
0x3c: {  	p2 =	seq.s32 s10, $0x1;
	s10 =	sld [smem:$0x3FAD]  }
0x3d: {  	_ =	shalt  }
0x3e: {  	_ =	shalt  }
0x3f: {  	_ =	shalt  }
0x40: {  	_ =	shalt  }
0x41: {  	_ =	shalt  }
0x42: {  	_ =	shalt  }
0x43: {  	_ =	shalt  }
0x44: {  	_ =	shalt  }
0x45: {  	_ =	shalt  }
0x46: {  	_ =	shalt  }
0x47: {  	_ =	shalt  }
0x48: {  	_ =	shalt  }
0x49: {  	_ =	shalt  }
0x4a: {  	_ =	shalt  }
0x4b: {  	_ =	shalt  }
0x4c: {  	_ =	shalt  }
0x4d: {  	_ =	shalt  }
0x4e: {  	_ =	shalt  }
0x4f: {  	_ =	shalt  }
0x50: {  	_ =	shalt  }
0x51: {  	_ =	shalt  }
0x52: {  	_ =	shalt  }
0x53: {  	_ =	shalt  }
0x54: {  	_ =	shalt  }
0x55: {  	_ =	shalt  }
0x56: {  	_ =	shalt  }
0x57: {  	_ =	shalt  }
0x58: {  	_ =	shalt  }
0x59: {  	_ =	shalt  }
0x5a: {  	_ =	shalt  }
0x5b: {  	_ =	shalt  }
0x5c: {  	_ =	shalt  }
0x5d: {  	_ =	shalt  }
0x5e: {  	_ =	shalt  }
0x5f: {  	_ =	shalt  }
0x60: {  	_ =	shalt  }
0x61: {  	_ =	shalt  }
0x62: {  	_ =	shalt  }
0x63: {  	_ =	shalt  }
0x64: {  	_ =	shalt  }
0x65: {  	_ =	shalt  }
0x66: {  	_ =	shalt  }
0x67: {  	_ =	shalt  }
0x68: {  	_ =	shalt  }
0x69: {  	_ =	shalt  }
0x6a: {  	_ =	shalt  }
0x6b: {  	_ =	shalt  }
0x6c: {  	_ =	shalt  }
0x6d: {  	_ =	shalt  }
0x6e: {  	_ =	shalt  }
0x6f: {  	_ =	shalt  }
0x70: {  	_ =	shalt  }
0x71: {  	_ =	shalt  }
0x72: {  	_ =	shalt  }
0x73: {  	_ =	shalt  }
0x74: {  	_ =	shalt  }
0x75: {  	_ =	shalt  }
0x76: {  	_ =	shalt  }
0x77: {  	_ =	shalt  }
0x78: {  	_ =	shalt  }
0x79: {  	_ =	shalt  }
0x7a: {  	_ =	shalt  }
0x7b: {  	_ =	shalt  }
0x7c: {  	_ =	shalt  }
0x7d: {  	_ =	shalt  }
0x7e: {  	_ =	shalt  }
0x7f: {  	_ =	shalt  }
0x80: {  	_ =	shalt  }
0x81: {  	_ =	shalt  }
0x82: {  	_ =	shalt  }
0x83: {  	_ =	shalt  }
0x84: {  	_ =	shalt  }
0x85: {  	_ =	shalt  }
0x86: {  	_ =	shalt  }
0x87: {  	_ =	shalt  }
.Lfunc_end0:
.L_simem_size_0:
called_computation.3_lowered:
.L_overlay_start_0:
0x88: {  	s2 =	sld [smem:$0x3FD9]  }
0x89: {  	s3 =	sld [smem:$0x3FFE];
	_ =	sdelay $0x1  }
0x8a: {  	s1 =	srdreg.scid  }
0x8b: {  	s0 =	sand.u32 $0x1, s1  }
0x8c: {  	s16 =	sshll.u32 s0, $0xA;
	s2 =	sadd.s32 s3, s2  }
0x8d: {  	s2 =	sadd.s32 s2, s16  }
0x8e: {  	[smem:$0x3FB9] =	sst s2  }
0x8f: {  	_ = 	snop  }
0x90: {  	(tm) =	ssettm $0x1  }
0x91: {  	s17 =	sld [smem:$0x3FFB];
	_ =	sdelay $0x3  }
0x92: {  	_ =	strace s17  }
0x93: {  	s2 =	sld [smem:$0x3FFC];
	_ =	sdelay $0x3  }
0x94: {  	_ =	strace s2  }
0x95: {  	s2 =	sld [smem:$0x3FFD];
	_ =	sdelay $0x3  }
0x96: {  	_ =	strace s2  }
0x97: {  	_ =	strace $0x8FFFFFFF  }
0x98: {  	s18 =	sld [smem:$0x3FDB];
	_ =	sdelay $0x1  }
0x99: {  	s19 =	simm.s32 $_scs_section_size  }
0x9a: {  	s4 =	simm.s32 $_size__tile_overlayer_lowered;
	s5 =	simm.s32 $_tile_overlayer_lowered  }
0x9b: {  	s22 =	simm.s32 $0x1BFF;
	s21 =	sshll.u32 s5, $0x1;
	s2 =	sadd.s32 s19, s18  }
0x9c: {  	s6 =	simm.s32 $0x0;
	s20 =	sshll.u32 s4, $0x1;
	s4 =	sadd.s32 s21, s2  }
0x9d: {  	[timem:s6], [sflag:s22] =	dma.local [hbm:s4], s20  }
0x9e: {  	_ =	swait.ge [sflag:s22], s20  }
0x9f: {  	s3 =	ssub.s32 $0x0, s20;
	[sflag:s22] =	ssyncset.done $0x0  }
0xa0: {  	[sflag:s22] =	ssyncadd.s32 s3;
	_ =	sdelay $0x1  }
0xa1: {  	s23 =	simm.s32 $0x1B8B  }
0xa2: {  	_ =	swait.ge [sflag:s23], $0x1  }
0xa3: {  	[sflag:s23] =	ssyncset.done $0x0  }
0xa4: {  	s25 =	simm.s32 $0x1B8E;
	s24 =	sld [smem:$0x3FFE];
	[sflag:s23] =	ssyncadd.s32 $0xFFFFFFFF  }
0xa5: {  	s26 =	simm.s32 $execute0_lowered;
	[smem:$0x3FD2] =	sst s25  }
0xa6: {  	s4 =	sshll.u32 s26, $0x1;
	_ =	strace $0x8000004F;
	[dreg:$0x1] =	wrdreg $0xFFFFFFFF  }
0xa7: {  	s28 =	simm.s32 $_size_execute0_lowered;
	s2 =	sadd.s32 s2, s4;
	[dreg:$0x0] =	wrdreg $0x0  }
0xa8: {  	s4 =	sshll.u32 s28, $0x1;
	[dreg:$0x2] =	wrdreg s2  }
0xa9: {  	[dreg:$0x3] =	wrdreg s4  }
0xaa: {  	[dreg:$0x4] =	wrdreg $0xC0  }
0xab: {  	_ =	task [dreg:s6], $0x5FFFF  }
0xac: {  	[dreg:$0x1] =	wrdreg $0xFFFFFFFF  }
0xad: {  	[dreg:$0x0] =	wrdreg $0x60  }
0xae: {  	[dreg:$0x2] =	wrdreg s24  }
0xaf: {  	[dreg:$0x3] =	wrdreg $0x150000  }
0xb0: {  	[dreg:$0x4] =	wrdreg $0x19F000  }
0xb1: {  	[dreg:$0x5] =	wrdreg $0x9  }
0xb2: {  	_ =	task.clear_ibuf [dreg:s6], $0x6FFFF;
	_ =	strace $0x9000004F  }
0xb3: {  	s29 =	simm.s32 $0x9;
	_ =	strace $0x80000051  }
0xb4: {  	_ =	swait.ge [sflag:s29], $0x1  }
0xb5: {  	[sflag:s29] =	ssyncadd.s32 $0xFFFFFFFF  }
0xb6: {  	_ =	strace $0x90000051  }
0xb7: {  	_ =	sfence  }
0xb8: {  	s30 =	sld [smem:$0x0];
	_ =	sdelay $0x2  }
0xb9: {  	s31 =	sshll.u32 s1, $0xD;
	s1 =	sshrl.u32 s1, $0x2  }
0xba: {  	s3 =	sand.u32 $0x4000, s31;
	s1 =	sadd.s32 s1, s30  }
0xbb: {  	s0 =	sor.u32 s3, s0;
	s1 =	sshll.u32 s1, $0x11  }
0xbc: {  	s0 =	sor.u32 s1, s0  }
0xbd: {  	s0 =	sadd.s32 $0x8F2B, s0  }
0xbe: {  	[sflag:s0] =	ssyncadd.remote.s32 $0x1  }
0xbf: {  	_ =	sfence.sel $0xFFFF  }
0xc0: {  	[dreg:$0x0] =	wrdreg $0xFFFFFFFF;
	(pc) =	sbr.abs _section_cstart, $3  }
0xc1: {  	[dreg:$0x1] =	wrdreg $0xFFFFFFFF  }
0xc2: {  	_ =	task.clear_ibuf [dreg:s6], $0x2FFFF;
	_ =	strace $0x9FFFFFFF  }
0xc3: {  	(tm) =	ssettm $0x7FFFFFFF  }
tec
execute0_lowered:
.L_overlay_start_1:
0x0: {  	(tag) =	ssettag $0x1  }
0x1: {  	s0 =	rddreg [dreg:$0x0]  }
0x2: {  	s2 =	rddreg [dreg:$0x1]  }
0x3: {  	s3 =	rddreg [dreg:$0x2]  }
0x4: {  	s10 =	stileid.u32;
	s1 =	srdreg.scid;
	s5 =	simm.s32 $0x0  }
0x5: {  	s18 =	simm.s32 $0x100;
	s19 =	simm.s32 $0x5000;
	s20 =	simm.s32 $0x7000  }
0x6: {  	s29 =	simm.s32 $0xF000;
	s31 =	simm.s32 $0x11000;
	s17 =	simm.s32 $0x1  }
0x7: {  	s21 =	simm.s32 $0x2;
	s28 =	simm.s32 $0x5;
	s30 =	simm.s32 $0x6  }
0x8: {  	s12 =	simm.s32 $0xE;
	s15 =	simm.s32 $0xF;
	s16 =	simm.s32 $0x10  }
0x9: {  	s4 =	smul.u32 $0x4F00, s10;
	s1 =	sand.u32 $0x1, s1;
	[smem:$0x7FF] =	sst s5  }
0xa: {  	s22 =	sshll.u32 s10, $0x1;
	s9 =	sshll.u32 s10, $0x6;
	p0 =	seq.s32 s10, $0xF  }
0xb: {  	s10 =	simm.s32 $0xC;
	s6 =	smul.u32 $0x4F000, s1;
	_ =	strace $0x80000050  }
0xc: {  	s5 =	sor.u32 s1, s22;
	s1 =	ssub.s32 $0x2, s1;
	s13 =	sor.u32 $0x1C11, s9  }
0xd: {  	s22 =	simm.s32 $0x9000;
	s9 =	simm.s32 $0xB;
	s7 =	sshrl.u32 s4, $0x3  }
0xe: {  	s5 =	smul.u32 $0x500, s5;
	s8 =	sshrl.u32 s1, $0x1;
	s23 =	sadd.s32 s4, s2  }
0xf: {  	[dreg:$0x5] =	wrdreg s13;
	s6 =	sadd.s32 s4, s6;
	s7 =	sadd.s32 s7, s0  }
0x10: {  	s1 =	ssub.s32 s1, s8;
	s4 =	sadd.s32 s4, s3;
	s14 =	sshrl.u32 s23, $0x3  }
0x11: {  	s23 =	simm.s32 $0x3;
	s8 =	simm.s32 $0xA;
	s6 =	sshrl.u32 s6, $0x3  }
0x12: {  	s5 =	sadd.s32 s5, s0;
	s11 =	sadd.s32 $0x16C00, s7;
	[dreg:$0xc] =	wrdreg s14  }
0x13: {  	s7 =	sadd.s32 $0xCE00, s7;
	s6 =	sadd.s32 s6, s0;
	[dreg:$0x4] =	wrdreg s11  }
0x14: {  	[dreg:$0x6] =	wrdreg s7;
	s7 =	sadd.s32 $0x4A100, s3;
	s0 =	sadd.s32 $0x16220, s0  }
0x15: {  	s24 =	sadd.s32 $0x20E00, s5;
	s25 =	sadd.s32 $0x2E00, s5;
	[dreg:$0x7] =	wrdreg s0  }
0x16: {  	s5 =	smax.u32 s1, $0x1;
	s1 =	simm.s32 $0x13000;
	[dreg:$0x8] =	wrdreg s24  }
0x17: {  	s11 =	simm.s32 $0xD;
	[dreg:$0x9] =	wrdreg s25;
	s26 =	sadd.s32 $0x2AE00, s6  }
.Ltmp0:
0x18: {  	[dreg:$0xb] =	wrdreg s5;
	s0 =	sshrl.u32 @p0 s7, $0x3;
	(pc) =	sbr.rel .LBB2_1-.Ltmp0, $4  }
0x19: {  	s24 =	simm.s32 $0xB000;
	s25 =	simm.s32 $0x4;
	[dreg:$0xa] =	wrdreg s26  }
0x1a: {  	s5 =	simm.s32 $0x8;
	s6 =	simm.s32 $0x0;
	[dreg:$0xd] =	wrdreg s0  }
0x1b: {  	s7 =	simm.s32 $0x9;
	s0 =	sshrl.u32 @!p0 s4, $0x3;
	[dreg:$0xf] =	wrdreg s6  }
0x1c: {  	s26 =	simm.s32 $0xD000;
	[dreg:$0xe] =	wrdreg s0;
	s0 =	simm.s32 $0x7  }
.LBB2_4:
0x1d: {  	_ =	swait.ge [sflag:s8], $0x2000  }
0x1e: {  	[sflag:s8] =	ssyncset.done $0x0  }
0x1f: {  	[sflag:s8] =	ssyncadd.s32 $0xFFFFE000  }
0x20: {  	_ =	swait.ge [sflag:s9], $0x2000  }
0x21: {  	[sflag:s9] =	ssyncset.done $0x0  }
0x22: {  	[sflag:s9] =	ssyncadd.s32 $0xFFFFE000  }
0x23: {  	_ =	swait.ge [sflag:s10], $0x2000  }
0x24: {  	[sflag:s10] =	ssyncset.done $0x0  }
0x25: {  	[sflag:s10] =	ssyncadd.s32 $0xFFFFE000  }
0x26: {  	_ =	swait.ge [sflag:s11], $0x2000  }
0x27: {  	[sflag:s11] =	ssyncset.done $0x0  }
0x28: {  	[sflag:s11] =	ssyncadd.s32 $0xFFFFE000  }
0x29: {  	_ =	swait.ge [sflag:s12], $0x2000  }
0x2a: {  	[sflag:s12] =	ssyncset.done $0x0  }
0x2b: {  	[sflag:s12] =	ssyncadd.s32 $0xFFFFE000  }
0x2c: {  	_ =	swait.ge [sflag:s15], $0x2000  }
0x2d: {  	[sflag:s15] =	ssyncset.done $0x0  }
0x2e: {  	[sflag:s15] =	ssyncadd.s32 $0xFFFFE000  }
0x2f: {  	_ =	swait.ge [sflag:s16], $0x2000  }
0x30: {  	[sflag:s16] =	ssyncset.done $0x0  }
0x31: {  	[sflag:s16] =	ssyncadd.s32 $0xFFFFE000  }
0x32: {  	[bflag:$0x0] =	sbarrier.arrive $0xFFFF  }
0x33: {  	s13 =	rddreg [dreg:$0x5]  }
0x34: {  	s6 =	rddreg [dreg:$0xa]  }
0x35: {  	s14 =	rddreg [dreg:$0xc]  }
0x36: {  	[hbm:s6], [sflag:s13] =	dma.local [spmem:s14], $0x9E0  }
0x37: {  	s6 =	simm.s32 $0x11  }
0x38: {  	_ =	swait.ge [sflag:s6], $0x9E0  }
0x39: {  	s4 =	rddreg [dreg:$0xf]  }
0x3a: {  	[sflag:s6] =	ssyncset.done $0x0;
	s6 =	rddreg [dreg:$0xb];
	s4 =	sadd.s32 $0x1, s4  }
0x3b: {  	p1 =	sne.s32 s4, s6  }
.Ltmp1:
0x3c: {  	_ = 	snop;
	(pc) =	sbr.rel @!p1 .LBB2_5-.Ltmp1, $3  }
0x3d: {  	_ =	sdelay $0x1  }
0x3e: {  	s6 =	simm.s32 $0x11  }
0x3f: {  	[dreg:$0xf] =	wrdreg s4;
	[sflag:s6] =	ssyncadd.s32 $0xFFFFF620  }
.LBB2_1:
0x40: {  	s4 =	simm.s32 $0x11;
	s6 =	rddreg [dreg:$0x4]  }
0x41: {  	[spmem:s14], [sflag:s13] =	dma.local [hbm:s6], $0x9E0  }
0x42: {  	_ =	swait.ge [sflag:s4], $0x9E0  }
0x43: {  	[sflag:s4] =	ssyncset.done $0x0;
	s6 =	rddreg [dreg:$0x7]  }
0x44: {  	s14 =	rddreg [dreg:$0xd];
	[sflag:s4] =	ssyncadd.s32 $0xFFFFF620  }
0x45: {  	[spmem:s14], [sflag:s13] =	dma.local @p0 [hbm:s6], $0x820  }
0x46: {  	s6 =	simm.s32 @p0 $0x11  }
0x47: {  	_ =	swait.ge @p0 [sflag:s6], $0x820  }
0x48: {  	[sflag:s6] =	ssyncset.done @p0 $0x0;
	s14 =	rddreg [dreg:$0xe]  }
0x49: {  	[sflag:s6] =	ssyncadd.s32 @p0 $0xFFFFF7E0;
	s6 =	rddreg [dreg:$0x6]  }
0x4a: {  	[spmem:s14], [sflag:s13] =	dma.local @!p0 [hbm:s6], $0x9E0  }
0x4b: {  	s6 =	simm.s32 @!p0 $0x11  }
0x4c: {  	_ =	swait.ge @!p0 [sflag:s6], $0x9E0  }
0x4d: {  	[sflag:s6] =	ssyncset.done @!p0 $0x0  }
0x4e: {  	s14 =	rddreg [dreg:$0x8];
	[sflag:s6] =	ssyncadd.s32 @!p0 $0xFFFFF620;
	s6 =	simm.s32 $0x0  }
0x4f: {  	[tilespmem:s6], [sflag:$0x11] =	stream.linear.gather [hbm4b:s14+s6], $0x2800, $0x38;
	[tilespmem:$0x1ED20] =	vst v63  }
0x50: {  	_ =	swait.ge [sflag:s4], $0x2800  }
0x51: {  	[sflag:s4] =	ssyncset.done $0x0  }
0x52: {  	s14 =	simm.s32 $0x2800;
	s13 =	rddreg [dreg:$0x9];
	[sflag:s4] =	ssyncadd.s32 $0xFFFFD800  }
0x53: {  	[tilespmem:s14], [sflag:$0x11] =	stream.linear.gather [hbm4b:s13+s6], $0x2800, $0x38;
	[tilespmem:$0x1ED20] =	vst v63  }
0x54: {  	_ =	swait.ge [sflag:s4], $0x2800  }
0x55: {  	[sflag:s4] =	ssyncset.done $0x0  }
0x56: {  	[sflag:s4] =	ssyncadd.s32 $0xFFFFD800  }
0x57: {  	[bflag:$0x0] =	sbarrier.arrive $0xFFFF  }
0x58: {  	[tilespmem:s19], [sflag:$0x1] =	stream.indirect.gather [spmem:s3], $0x20, s6, s18, $0xb8;
	[tilespmem:$0x1ED20] =	vst v63  }
0x59: {  	_ = 	snop  }
0x5a: {  	[tilespmem:s20], [sflag:$0x2] =	stream.indirect.gather [spmem:s3], $0x20, s18, s18, $0xb8;
	[tilespmem:$0x1ED20] =	vst v63  }
0x5b: {  	s6 =	simm.s32 $0x200  }
0x5c: {  	[tilespmem:s22], [sflag:$0x3] =	stream.indirect.gather [spmem:s3], $0x20, s6, s18, $0xb8;
	[tilespmem:$0x1ED20] =	vst v63  }
0x5d: {  	s13 =	simm.s32 $0x300  }
0x5e: {  	[tilespmem:s24], [sflag:$0x4] =	stream.indirect.gather [spmem:s3], $0x20, s13, s18, $0xb8;
	[tilespmem:$0x1ED20] =	vst v63  }
0x5f: {  	s14 =	simm.s32 $0x400  }
0x60: {  	[tilespmem:s26], [sflag:$0x5] =	stream.indirect.gather [spmem:s3], $0x20, s14, s18, $0xb8;
	[tilespmem:$0x1ED20] =	vst v63  }
0x61: {  	s6 =	simm.s32 $0x500  }
0x62: {  	[tilespmem:s29], [sflag:$0x6] =	stream.indirect.gather [spmem:s3], $0x20, s6, s18, $0xb8;
	[tilespmem:$0x1ED20] =	vst v63  }
0x63: {  	s13 =	simm.s32 $0x600  }
0x64: {  	[tilespmem:s31], [sflag:$0x7] =	stream.indirect.gather [spmem:s3], $0x20, s13, s18, $0xb8;
	[tilespmem:$0x1ED20] =	vst v63  }
0x65: {  	s14 =	simm.s32 $0x700;
	s13 =	simm.s32 $0x0  }
0x66: {  	[tilespmem:s1], [sflag:$0x8] =	stream.indirect.gather [spmem:s3], $0x20, s14, s18, $0xb8;
	[tilespmem:$0x1ED20] =	vst v63  }
.LBB2_2:
0x67: {  	_ =	swait.ge [sflag:s17], $0x2000  }
0x68: {  	s6 =	sshra.s32 s13, $0x2;
	[sflag:s17] =	ssyncset.done $0x0  }
0x69: {  	s14 =	sadd.s32 $0x2800, s6;
	[sflag:s17] =	ssyncadd.s32 $0xFFFFE000  }
0x6a: {  	[spmem:s2] =	stream.indirect.scatter.add.f32 [tilespmem:s19], [sflag:$0x9], $0x20, s14, s18, $0xb8;
	[tilespmem:$0x1ED20] =	vst v63  }
0x6b: {  	_ =	swait.ge [sflag:s21], $0x2000  }
0x6c: {  	[sflag:s21] =	ssyncset.done $0x0  }
0x6d: {  	s4 =	sadd.s32 $0x2900, s6;
	[sflag:s21] =	ssyncadd.s32 $0xFFFFE000  }
0x6e: {  	[spmem:s2] =	stream.indirect.scatter.add.f32 [tilespmem:s20], [sflag:$0xA], $0x20, s4, s18, $0xb8;
	[tilespmem:$0x1ED20] =	vst v63  }
0x6f: {  	_ =	swait.ge [sflag:s23], $0x2000  }
0x70: {  	[sflag:s23] =	ssyncset.done $0x0  }
0x71: {  	s4 =	sadd.s32 $0x2A00, s6;
	[sflag:s23] =	ssyncadd.s32 $0xFFFFE000  }
0x72: {  	[spmem:s2] =	stream.indirect.scatter.add.f32 [tilespmem:s22], [sflag:$0xB], $0x20, s4, s18, $0xb8;
	[tilespmem:$0x1ED20] =	vst v63  }
0x73: {  	_ =	swait.ge [sflag:s25], $0x2000  }
0x74: {  	[sflag:s25] =	ssyncset.done $0x0  }
0x75: {  	s4 =	sadd.s32 $0x2B00, s6;
	[sflag:s25] =	ssyncadd.s32 $0xFFFFE000  }
0x76: {  	[spmem:s2] =	stream.indirect.scatter.add.f32 [tilespmem:s24], [sflag:$0xC], $0x20, s4, s18, $0xb8;
	[tilespmem:$0x1ED20] =	vst v63  }
0x77: {  	_ =	swait.ge [sflag:s28], $0x2000  }
0x78: {  	[sflag:s28] =	ssyncset.done $0x0  }
0x79: {  	s4 =	sadd.s32 $0x2C00, s6;
	[sflag:s28] =	ssyncadd.s32 $0xFFFFE000  }
0x7a: {  	[spmem:s2] =	stream.indirect.scatter.add.f32 [tilespmem:s26], [sflag:$0xD], $0x20, s4, s18, $0xb8;
	[tilespmem:$0x1ED20] =	vst v63  }
0x7b: {  	_ =	swait.ge [sflag:s30], $0x2000  }
0x7c: {  	[sflag:s30] =	ssyncset.done $0x0  }
0x7d: {  	s4 =	sadd.s32 $0x2D00, s6;
	[sflag:s30] =	ssyncadd.s32 $0xFFFFE000  }
0x7e: {  	[spmem:s2] =	stream.indirect.scatter.add.f32 [tilespmem:s29], [sflag:$0xE], $0x20, s4, s18, $0xb8;
	[tilespmem:$0x1ED20] =	vst v63  }
0x7f: {  	_ =	swait.ge [sflag:s0], $0x2000  }
0x80: {  	[sflag:s0] =	ssyncset.done $0x0  }
0x81: {  	s4 =	sadd.s32 $0x2E00, s6;
	[sflag:s0] =	ssyncadd.s32 $0xFFFFE000  }
0x82: {  	[spmem:s2] =	stream.indirect.scatter.add.f32 [tilespmem:s31], [sflag:$0xF], $0x20, s4, s18, $0xb8;
	[tilespmem:$0x1ED20] =	vst v63  }
0x83: {  	_ =	swait.ge [sflag:s5], $0x2000  }
0x84: {  	p1 =	seq.s32 s13, $0x8000;
	[sflag:s5] =	ssyncset.done $0x0  }
.Ltmp2:
0x85: {  	s4 =	sadd.s32 $0x2F00, s6;
	[sflag:s5] =	ssyncadd.s32 $0xFFFFE000;
	(pc) =	sbr.rel @p1 .LBB2_4-.Ltmp2, $4  }
0x86: {  	[spmem:s2] =	stream.indirect.scatter.add.f32 [tilespmem:s1], [sflag:$0x10], $0x20, s4, s18, $0xb8;
	[tilespmem:$0x1ED20] =	vst v63  }
0x87: {  	_ =	swait.ge [sflag:s7], $0x2000  }
0x88: {  	[sflag:s7] =	ssyncset.done $0x0  }
0x89: {  	[sflag:s7] =	ssyncadd.s32 $0xFFFFE000  }
0x8a: {  	s14 =	sadd.s32 $0x800, s6  }
0x8b: {  	[tilespmem:s19], [sflag:$0x1] =	stream.indirect.gather [spmem:s3], $0x20, s14, s18, $0xb8;
	[tilespmem:$0x1ED20] =	vst v63  }
0x8c: {  	_ =	swait.ge [sflag:s8], $0x2000  }
0x8d: {  	[sflag:s8] =	ssyncset.done $0x0  }
0x8e: {  	s4 =	sadd.s32 $0x900, s6;
	[sflag:s8] =	ssyncadd.s32 $0xFFFFE000  }
0x8f: {  	[tilespmem:s20], [sflag:$0x2] =	stream.indirect.gather [spmem:s3], $0x20, s4, s18, $0xb8;
	[tilespmem:$0x1ED20] =	vst v63  }
0x90: {  	_ =	swait.ge [sflag:s9], $0x2000  }
0x91: {  	[sflag:s9] =	ssyncset.done $0x0  }
0x92: {  	s4 =	sadd.s32 $0xA00, s6;
	[sflag:s9] =	ssyncadd.s32 $0xFFFFE000  }
0x93: {  	[tilespmem:s22], [sflag:$0x3] =	stream.indirect.gather [spmem:s3], $0x20, s4, s18, $0xb8;
	[tilespmem:$0x1ED20] =	vst v63  }
0x94: {  	_ =	swait.ge [sflag:s10], $0x2000  }
0x95: {  	[sflag:s10] =	ssyncset.done $0x0  }
0x96: {  	s4 =	sadd.s32 $0xB00, s6;
	[sflag:s10] =	ssyncadd.s32 $0xFFFFE000  }
0x97: {  	[tilespmem:s24], [sflag:$0x4] =	stream.indirect.gather [spmem:s3], $0x20, s4, s18, $0xb8;
	[tilespmem:$0x1ED20] =	vst v63  }
0x98: {  	_ =	swait.ge [sflag:s11], $0x2000  }
0x99: {  	[sflag:s11] =	ssyncset.done $0x0  }
0x9a: {  	s4 =	sadd.s32 $0xC00, s6;
	[sflag:s11] =	ssyncadd.s32 $0xFFFFE000  }
0x9b: {  	[tilespmem:s26], [sflag:$0x5] =	stream.indirect.gather [spmem:s3], $0x20, s4, s18, $0xb8;
	[tilespmem:$0x1ED20] =	vst v63  }
0x9c: {  	_ =	swait.ge [sflag:s12], $0x2000  }
0x9d: {  	[sflag:s12] =	ssyncset.done $0x0  }
0x9e: {  	s4 =	sadd.s32 $0xD00, s6;
	[sflag:s12] =	ssyncadd.s32 $0xFFFFE000  }
0x9f: {  	[tilespmem:s29], [sflag:$0x6] =	stream.indirect.gather [spmem:s3], $0x20, s4, s18, $0xb8;
	[tilespmem:$0x1ED20] =	vst v63  }
0xa0: {  	_ =	swait.ge [sflag:s15], $0x2000  }
0xa1: {  	[sflag:s15] =	ssyncset.done $0x0  }
0xa2: {  	s4 =	sadd.s32 $0xE00, s6;
	[sflag:s15] =	ssyncadd.s32 $0xFFFFE000  }
0xa3: {  	[tilespmem:s31], [sflag:$0x7] =	stream.indirect.gather [spmem:s3], $0x20, s4, s18, $0xb8;
	[tilespmem:$0x1ED20] =	vst v63  }
.Ltmp3:
0xa4: {  	_ = 	snop;
	(pc) =	sbr.rel .LBB2_2-.Ltmp3, $4  }
0xa5: {  	_ =	swait.ge [sflag:s16], $0x2000  }
0xa6: {  	[sflag:s16] =	ssyncset.done $0x0  }
0xa7: {  	s13 =	sadd.s32 $0x2000, s13;
	s14 =	sadd.s32 $0xF00, s6;
	[sflag:s16] =	ssyncadd.s32 $0xFFFFE000  }
0xa8: {  	[tilespmem:s1], [sflag:$0x8] =	stream.indirect.gather [spmem:s3], $0x20, s14, s18, $0xb8;
	[tilespmem:$0x1ED20] =	vst v63  }
.LBB2_5:
0xa9: {  	_ =	sfence.sel $0x180000  }
0xaa: {  	[bflag:$0x0] =	sbarrier.arrive $0xFFFF  }
0xab: {  	_ =	strace $0x90000050  }
0xac: {  	s0 =	stileid.u32;
	[bflag:$0x2] =	sbarrier.arrive $0xFFFF  }
0xad: {  	p0 =	sne.s32 s0, $0x0;
	s0 =	rddreg [dreg:$0x3]  }
0xae: {  	s0 =	sadd.s32 @!p0 $0x100000, s0  }
0xaf: {  	[sflag:s0] =	ssyncadd.tile.s32 @!p0 $0x1;
	_ =	shalt  }
.Lfunc_end2:
_tile_overlayer_lowered:
.L_overlay_start_2:
0xb0: {  	(tag) =	ssettag $0x2  }
0xb1: {  	s0 =	rddreg [dreg:$0x0];
	s2 =	stileid.u32  }
0xb2: {  	s1 =	rddreg [dreg:$0x1];
	p0 =	sne.s32 s2, $0x0  }
0xb3: {  	s3 =	rddreg [dreg:$0x2];
	[bflag:$0x3] =	sbarrier.arrive $0xFFFF;
	s2 =	simm.s32 @!p0 $0x1C11  }
0xb4: {  	[timem:s3], [sflag:s2] =	dma.local @!p0 [hbm:s0], s1  }
0xb5: {  	s0 =	simm.s32 @!p0 $0x11  }
0xb6: {  	_ =	swait.ge @!p0 [sflag:s0], s1  }
0xb7: {  	s1 =	ssub.s32 @!p0 $0x0, s1;
	[sflag:s0] =	ssyncset.done @!p0 $0x0  }
0xb8: {  	[sflag:s0] =	ssyncadd.s32 @!p0 s1  }
0xb9: {  	[bflag:$0x3] =	sbarrier.arrive $0xFFFF  }
0xba: {  	_ =	shalt  }

</sc_bundles>
